<compile_context>
chip_gen: v7x
topology: tpu7x:2x2x1
jax: 0.10.2.dev20260603
libtpu: 0.0.44.dev20260713+nightly
codegen_flags: <defaults>
</compile_context>

<pallas_src>
import functools

import jax
import jax.numpy as jnp
from jax import lax
from jax.experimental import pallas as pl
from jax.experimental.pallas import tpu as pltpu
from jax.experimental.pallas import tpu_sc as plsc

_N = 10000
_E = 320000
_D = 128
_DE = 16
_H = 128

_NC = 2
_NS = 16
_NW = _NC * _NS
_EPW = _E // _NW
_W = 80
_NWIN = _EPW // _W
_ZR = 80
_NCH = _N // _ZR
_CW = 16


def _mesh():
    return plsc.VectorSubcoreMesh(core_axis_name="c", subcore_axis_name="s")


def _fill_2d(ref, rows, cols, value):
    vec = jnp.full((16,), value, jnp.float32)

    @pl.loop(0, rows)
    def _(r):
        @pl.loop(0, cols, step=16)
        def _(j):
            ref[r, pl.ds(j, 16)] = vec


_CHW = 40
_PW = 160


def _sc_segsum(table, srcpad, dst2d):
    out_type = jax.ShapeDtypeStruct((_NC * _N, _D), jnp.float32)
    scratch = [
        pltpu.VMEM((_NWIN, _W), jnp.int32),
        pltpu.VMEM((2, _CHW, _W), jnp.int32),
        pltpu.VMEM((_W, _D), jnp.float32),
        pltpu.VMEM((_W, _D), jnp.float32),
        pltpu.VMEM_SHARED((_N, _D), jnp.float32),
        pltpu.SemaphoreType.DMA,
        pltpu.SemaphoreType.DMA,
    ]

    @functools.partial(
        pl.kernel, mesh=_mesh(), out_type=out_type, scratch_types=scratch)
    def k(table_hbm, src_hbm, dst_hbm, sum_out, dstv, srcc, ra, rb, acc,
          sema, semb):
        c = lax.axis_index("c")
        s = lax.axis_index("s")
        wid = c * _NS + s

        def gather(j, buf, sem):
            idx = srcc.at[lax.rem(j // _CHW, 2), lax.rem(j, _CHW)]
            pltpu.async_copy(table_hbm.at[idx], buf, sem)

        def gwait(buf, sem):
            pltpu.make_async_copy(table_hbm.at[srcc.at[0, 0]], buf, sem
                                  ).wait()

        _fill_2d(ra, _ZR, _D, 0.0)

        @pl.loop(s, _NCH, step=_NS)
        def _(k):
            pltpu.sync_copy(ra, acc.at[pl.ds(k * _ZR, _ZR)])

        pltpu.sync_copy(dst_hbm.at[wid], dstv)
        pltpu.sync_copy(src_hbm.at[wid, pl.ds(0, _CHW)], srcc.at[0])
        plsc.subcore_barrier()

        gather(0, ra, sema)
        gather(1, rb, semb)

        @pl.loop(0, _NWIN - 1, step=2)
        def _(w):
            @pl.when(lax.rem(w + 2, _CHW) == 0)
            def _():
                pltpu.sync_copy(
                    src_hbm.at[wid, pl.ds(pl.multiple_of(w + 2, _CHW), _CHW)],
                    srcc.at[lax.rem((w + 2) // _CHW, 2)])

            gwait(ra, sema)
            pltpu.sync_copy(ra, acc.at[dstv.at[w]], add=True)
            gather(w + 2, ra, sema)
            gwait(rb, semb)
            pltpu.sync_copy(rb, acc.at[dstv.at[w + 1]], add=True)
            gather(w + 3, rb, semb)

        gwait(ra, sema)
        pltpu.sync_copy(ra, acc.at[dstv.at[_NWIN - 1]], add=True)
        gwait(rb, semb)

        plsc.subcore_barrier()
        @pl.loop(s, _NCH, step=_NS)
        def _(k):
            pltpu.sync_copy(acc.at[pl.ds(k * _ZR, _ZR)],
                            sum_out.at[pl.ds(c * _N + k * _ZR, _ZR)])

    return k(table, srcpad, dst2d)


def _sc_counts(dst2d):
    out_type = jax.ShapeDtypeStruct((_NC * _N, _D), jnp.float32)
    scratch = [
        pltpu.VMEM((_NWIN, _W), jnp.int32),
        pltpu.VMEM((_W, _D), jnp.float32),
        pltpu.VMEM_SHARED((_N, _D), jnp.float32),
    ]

    @functools.partial(
        pl.kernel, mesh=_mesh(), out_type=out_type, scratch_types=scratch)
    def k(dst_hbm, cnt_out, dstv, ones, cacc):
        c = lax.axis_index("c")
        s = lax.axis_index("s")
        wid = c * _NS + s

        _fill_2d(ones, _W, _D, 0.0)

        @pl.loop(s, _NCH, step=_NS)
        def _(k):
            pltpu.sync_copy(ones, cacc.at[pl.ds(k * _ZR, _ZR)])

        _fill_2d(ones, _W, _D, 1.0)
        pltpu.sync_copy(dst_hbm.at[wid], dstv)
        plsc.subcore_barrier()

        @pl.loop(0, _NWIN)
        def _(w):
            pltpu.sync_copy(ones, cacc.at[dstv.at[w]], add=True)

        plsc.subcore_barrier()

        @pl.loop(s, _NCH, step=_NS)
        def _(k):
            pltpu.sync_copy(cacc.at[pl.ds(k * _ZR, _ZR)],
                            cnt_out.at[pl.ds(c * _N + k * _ZR, _ZR)])

    return k(dst2d)


def _sc_edge_gather(z, src2d, dst2d, nwin):
    epw = nwin * _W
    etot = epw * _NW
    out_type = [jax.ShapeDtypeStruct((etot, _D), jnp.float32),
                jax.ShapeDtypeStruct((etot, _D), jnp.float32)]
    scratch = [
        pltpu.VMEM((nwin, _W), jnp.int32),
        pltpu.VMEM((nwin, _W), jnp.int32),
        pltpu.VMEM((_W, _D), jnp.float32),
        pltpu.VMEM((_W, _D), jnp.float32),
        pltpu.SemaphoreType.DMA,
        pltpu.SemaphoreType.DMA,
        pltpu.VMEM((_W, _D), jnp.float32),
        pltpu.VMEM((_W, _D), jnp.float32),
        pltpu.SemaphoreType.DMA,
        pltpu.SemaphoreType.DMA,
    ]

    @functools.partial(
        pl.kernel, mesh=_mesh(), out_type=out_type, scratch_types=scratch)
    def k(z_hbm, src_hbm, dst_hbm, zs_out, zd_out, srcv, dstv, sa, da,
          sema, semda, sb, db, semb, semdb):
        c = lax.axis_index("c")
        s = lax.axis_index("s")
        wid = c * _NS + s
        pltpu.sync_copy(src_hbm.at[wid], srcv)
        pltpu.sync_copy(dst_hbm.at[wid], dstv)

        def gwait(buf, sem):
            pltpu.make_async_copy(z_hbm.at[srcv.at[0]], buf, sem).wait()

        pltpu.async_copy(z_hbm.at[srcv.at[0]], sa, sema)
        pltpu.async_copy(z_hbm.at[dstv.at[0]], da, semda)
        pltpu.async_copy(z_hbm.at[srcv.at[1]], sb, semb)
        pltpu.async_copy(z_hbm.at[dstv.at[1]], db, semdb)

        @pl.loop(0, nwin - 1, step=2)
        def _(w):
            base = wid * epw + w * _W
            gwait(sa, sema)
            pltpu.sync_copy(sa, zs_out.at[pl.ds(base, _W)])
            pltpu.async_copy(z_hbm.at[srcv.at[w + 2]], sa, sema)
            gwait(da, semda)
            pltpu.sync_copy(da, zd_out.at[pl.ds(base, _W)])
            pltpu.async_copy(z_hbm.at[dstv.at[w + 2]], da, semda)
            gwait(sb, semb)
            pltpu.sync_copy(sb, zs_out.at[pl.ds(base + _W, _W)])
            gwait(db, semdb)
            pltpu.sync_copy(db, zd_out.at[pl.ds(base + _W, _W)])

            @pl.when(w + 3 < nwin)
            def _():
                pltpu.async_copy(z_hbm.at[srcv.at[w + 3]], sb, semb)
                pltpu.async_copy(z_hbm.at[dstv.at[w + 3]], db, semdb)

        base = wid * epw + (nwin - 1) * _W
        gwait(sa, sema)
        pltpu.sync_copy(sa, zs_out.at[pl.ds(base, _W)])
        gwait(da, semda)
        pltpu.sync_copy(da, zd_out.at[pl.ds(base, _W)])

    return k(z, src2d, dst2d)


_BN = 1000


def _tc_node_body(p_ref, c_ref, x_ref, wl_ref, wr_ref, v_ref, o_ref):
    psum = p_ref[0] + p_ref[1]
    cnt = c_ref[0][:, :1] + c_ref[1][:, :1]
    mean = psum / jnp.maximum(cnt, 1.0)
    pre = (jnp.dot(mean, wl_ref[...], preferred_element_type=jnp.float32)
           + jnp.dot(x_ref[...], wr_ref[...],
                     preferred_element_type=jnp.float32)
           + v_ref[0:1, :])
    mu = jnp.mean(pre, axis=-1, keepdims=True)
    var = jnp.mean((pre - mu) ** 2, axis=-1, keepdims=True)
    yn = (pre - mu) * lax.rsqrt(var + 1e-5)
    o_ref[...] = jnp.maximum(yn * v_ref[1:2, :] + v_ref[2:3, :],
                             0.0).astype(o_ref.dtype)


def _tc_node(parts, cnts, xin, Wl, bl, Wr, g, be, out_dtype=jnp.float32):
    parts = parts.reshape(_NC, _N, _D)
    cnts = cnts.reshape(_NC, _N, _D)
    v = jnp.stack([bl, g, be])
    return pl.pallas_call(
        _tc_node_body,
        grid=(_N // _BN,),
        in_specs=[
            pl.BlockSpec((_NC, _BN, _D), lambda i: (0, i, 0)),
            pl.BlockSpec((_NC, _BN, _D), lambda i: (0, i, 0)),
            pl.BlockSpec((_BN, _D), lambda i: (i, 0)),
            pl.BlockSpec((_D, _H), lambda i: (0, 0)),
            pl.BlockSpec((_D, _H), lambda i: (0, 0)),
            pl.BlockSpec((3, _H), lambda i: (0, 0)),
        ],
        out_specs=pl.BlockSpec((_BN, _H), lambda i: (i, 0)),
        out_shape=jax.ShapeDtypeStruct((_N, _H), out_dtype),
    )(parts, cnts, xin, Wl.T, Wr.T, v)


_BE = 1000


def _tc_edge_body(zs_ref, zd_ref, ea_ref, w1s_ref, w1d_ref, w1p_ref,
                  w1e_ref, w2_ref, v_ref, o_ref):
    zs = zs_ref[...]
    zd = zd_ref[...]
    bf = jnp.bfloat16
    t = (jnp.dot(zs.astype(bf), w1s_ref[...],
                 preferred_element_type=jnp.float32)
         + jnp.dot(zd.astype(bf), w1d_ref[...],
                   preferred_element_type=jnp.float32)
         + jnp.dot((zs * zd).astype(bf), w1p_ref[...],
                   preferred_element_type=jnp.float32)
         + jnp.dot(ea_ref[...].astype(bf), w1e_ref[...],
                   preferred_element_type=jnp.float32)
         + v_ref[0:1, :])
    h1 = jnp.maximum(t, 0.0)
    h2 = jnp.maximum(
        jnp.dot(h1.astype(bf), w2_ref[...], preferred_element_type=jnp.float32)
        + v_ref[1:2, :], 0.0)
    o_ref[...] = (jnp.sum(h2 * v_ref[2:3, :], axis=-1, keepdims=True)
                  + v_ref[3:4, 0:1])


def _prep_mlp(W1, b1, W2, b2, W3, b3):
    bf = jnp.bfloat16
    w1s = W1[:, :_H].T.astype(bf)
    w1d = W1[:, _H:2 * _H].T.astype(bf)
    w1p = W1[:, 2 * _H:3 * _H].T.astype(bf)
    w1e = W1[:, 3 * _H:].T.astype(bf)
    w2p = jnp.pad(W2.T, ((0, 0), (0, _H - W2.shape[0]))).astype(bf)
    b2p = jnp.pad(b2, (0, _H - b2.shape[0]))
    w3p = jnp.pad(W3[0], (0, _H - W3.shape[1]))
    v = jnp.stack([b1, b2p, w3p, jnp.broadcast_to(b3, (_H,))])
    return w1s, w1d, w1p, w1e, w2p, v


def _tc_edge_mlp(zs, zd, ea, prep):
    w1s, w1d, w1p, w1e, w2p, v = prep
    etot = zs.shape[0]
    out = pl.pallas_call(
        _tc_edge_body,
        grid=(etot // _BE,),
        in_specs=[
            pl.BlockSpec((_BE, _D), lambda i: (i, 0)),
            pl.BlockSpec((_BE, _D), lambda i: (i, 0)),
            pl.BlockSpec((_BE, _DE), lambda i: (i, 0)),
            pl.BlockSpec((_D, _H), lambda i: (0, 0)),
            pl.BlockSpec((_D, _H), lambda i: (0, 0)),
            pl.BlockSpec((_D, _H), lambda i: (0, 0)),
            pl.BlockSpec((_DE, _H), lambda i: (0, 0)),
            pl.BlockSpec((_H, _H), lambda i: (0, 0)),
            pl.BlockSpec((4, _H), lambda i: (0, 0)),
        ],
        out_specs=pl.BlockSpec((_BE, 1), lambda i: (i, 0)),
        out_shape=jax.ShapeDtypeStruct((etot, 1), jnp.float32),
    )(zs, zd, ea, w1s, w1d, w1p, w1e, w2p, v)
    return out[:, 0]


def kernel(x, edge_index, edge_attr, Wl1, bl1, Wr1, Wl2, bl2, Wr2, g1, be1,
           g2, be2, W1, b1, W2, b2, W3, b3):
    src2d = edge_index[0].reshape(_NW, _NWIN, _W)
    dst2d = edge_index[1].reshape(_NW, _NWIN, _W)
    srcpad = jnp.pad(src2d, ((0, 0), (0, _PW - _NWIN), (0, 0)))

    cnts = _sc_counts(dst2d)
    sums1 = _sc_segsum(x, srcpad, dst2d)
    h = _tc_node(sums1, cnts, x, Wl1, bl1, Wr1, g1, be1)
    sums2 = _sc_segsum(h, srcpad, dst2d)
    z = _tc_node(sums2, cnts, h, Wl2, bl2, Wr2, g2, be2)

    prep = _prep_mlp(W1, b1, W2, b2, W3, b3)
    zs, zd = _sc_edge_gather(z, src2d, dst2d, _NWIN)
    return _tc_edge_mlp(zs, zd, edge_attr, prep)

# --- scband reference (transcript-rebuilt; emitter-appended) ---
"""Pipeline reference for scband-gnnanomaly-detector-55224689492027 (READ-ONLY COPY).

The authoritative reference and input builder live on the scoring server;
editing this copy changes nothing except your own understanding.
"""

import jax, jax.numpy as jnp
import numpy as np

N = 10000
E = 320000
D = 128
DE = 16
H = 128


def setup_inputs(seed: int = 0) -> dict:
    key = jax.random.key(seed)
    ks = jax.random.split(key, 24)
    s = 0.05
    inp = {}
    inp["x"] = jax.random.normal(ks[0], (N, D), jnp.float32)
    inp["edge_index"] = jax.random.randint(ks[1], (2, E), 0, N, jnp.int32)
    inp["edge_attr"] = jax.random.normal(ks[2], (E, DE), jnp.float32)
    # SAGEConv layer 1 (in=D, out=H): lin_l (with bias), lin_r (no bias)
    inp["Wl1"] = jax.random.normal(ks[3], (H, D), jnp.float32) * s
    inp["bl1"] = jnp.zeros((H,), jnp.float32)
    inp["Wr1"] = jax.random.normal(ks[4], (H, D), jnp.float32) * s
    # SAGEConv layer 2 (in=H, out=H)
    inp["Wl2"] = jax.random.normal(ks[5], (H, H), jnp.float32) * s
    inp["bl2"] = jnp.zeros((H,), jnp.float32)
    inp["Wr2"] = jax.random.normal(ks[6], (H, H), jnp.float32) * s
    # LayerNorms
    inp["g1"] = jnp.ones((H,), jnp.float32)
    inp["be1"] = jnp.zeros((H,), jnp.float32)
    inp["g2"] = jnp.ones((H,), jnp.float32)
    inp["be2"] = jnp.zeros((H,), jnp.float32)
    # Edge classifier MLP: in_dim = 3*H + DE -> H -> H//2 -> 1
    in_dim = 3 * H + DE
    inp["W1"] = jax.random.normal(ks[7], (H, in_dim), jnp.float32) * s
    inp["b1"] = jnp.zeros((H,), jnp.float32)
    inp["W2"] = jax.random.normal(ks[8], (H // 2, H), jnp.float32) * s
    inp["b2"] = jnp.zeros((H // 2,), jnp.float32)
    inp["W3"] = jax.random.normal(ks[9], (1, H // 2), jnp.float32) * s
    inp["b3"] = jnp.zeros((1,), jnp.float32)
    return inp


def _sage_conv(x, src, dst, Wl, bl, Wr):
    msgs = x[src]
    ssum = jax.ops.segment_sum(msgs, dst, num_segments=N)
    cnt = jax.ops.segment_sum(jnp.ones((src.shape[0], 1), x.dtype), dst, num_segments=N)
    mean = ssum / jnp.clip(cnt, 1.0, None)
    return mean @ Wl.T + bl + x @ Wr.T


def _layernorm(x, g, b):
    mu = x.mean(-1, keepdims=True)
    var = ((x - mu) ** 2).mean(-1, keepdims=True)
    return (x - mu) / jnp.sqrt(var + 1e-5) * g + b


def reference(x, edge_index, edge_attr, Wl1, bl1, Wr1, Wl2, bl2, Wr2, g1, be1, g2, be2, W1, b1, W2, b2, W3, b3):
    src = edge_index[0]
    dst = edge_index[1]
    # GNN encoder (dropout is identity in eval mode)
    h = _sage_conv(x, src, dst, Wl1, bl1, Wr1)
    h = _layernorm(h, g1, be1)
    h = jax.nn.relu(h)
    h = _sage_conv(h, src, dst, Wl2, bl2, Wr2)
    h = _layernorm(h, g2, be2)
    z = jax.nn.relu(h)
    # Edge anomaly classifier
    z_src = z[src]
    z_dst = z[dst]
    edge_repr = jnp.concatenate([z_src, z_dst, z_src * z_dst, edge_attr], axis=-1)
    hh = jax.nn.relu(edge_repr @ W1.T + b1)
    hh = jax.nn.relu(hh @ W2.T + b2)
    logits = (hh @ W3.T + b3).squeeze(-1)
    return logits

if __name__ == "__main__":
    import jax
    _d = setup_inputs()
    print(jax.jit(kernel)(*tuple(_d.values())))

</pallas_src>

<mosaic_0001>
#map = affine_map<(d0, d1) -> (0, 0)>
#map1 = affine_map<(d0, d1) -> (0, 0, 0)>
module attributes {stable_mosaic.version = 14 : i64} {
  func.func @k(%arg0: i32, %arg1: i32, %arg2: memref<10000x128xf32, #tpu.memory_space<hbm>>, %arg3: memref<32x125x80xi32, #tpu.memory_space<hbm>>, %arg4: memref<32x125x80xi32, #tpu.memory_space<hbm>>, %arg5: memref<320000x128xf32, #tpu.memory_space<hbm>>, %arg6: memref<320000x128xf32, #tpu.memory_space<hbm>>, %arg7: memref<125x80xi32, #tpu.memory_space<vmem>>, %arg8: memref<125x80xi32, #tpu.memory_space<vmem>>, %arg9: memref<80x128xf32, #tpu.memory_space<vmem>>, %arg10: memref<80x128xf32, #tpu.memory_space<vmem>>, %arg11: memref<!tpu.dma_semaphore, #tpu.memory_space<semaphore_mem>>, %arg12: memref<!tpu.dma_semaphore, #tpu.memory_space<semaphore_mem>>, %arg13: memref<80x128xf32, #tpu.memory_space<vmem>>, %arg14: memref<80x128xf32, #tpu.memory_space<vmem>>, %arg15: memref<!tpu.dma_semaphore, #tpu.memory_space<semaphore_mem>>, %arg16: memref<!tpu.dma_semaphore, #tpu.memory_space<semaphore_mem>>) attributes {dimension_semantics = [#tpu.dimension_semantics<core_parallel>, #tpu.dimension_semantics<subcore_parallel>], iteration_bounds = array<i64: 2, 16>, scalar_prefetch = 0 : i64, scratch_operands = 10 : i64, tpu.core_type = #tpu.core_type<sc_vector_subcore>, window_params = [{transform_indices = #map}, {transform_indices = #map1}, {transform_indices = #map1}, {transform_indices = #map}, {transform_indices = #map}]} {
    %mul3A = arith.constant 16 : i32
    %mul3A_0 = arith.muli %arg0, %mul3A : i32
    %add3A = arith.addi %mul3A_0, %arg1 : i32
    "tpu.region"() ({
      %run_scoped3A = tpu.sem_alloc : memref<!tpu.dma_semaphore, #tpu.memory_space<semaphore_mem>>
      %dma_start3A_49 = arith.constant 0 : i32
      %dma_start3A_50 = arith.constant 0 : i32
      %dma_start3A_51 = tpu.memref_slice %arg3[%add3A, %dma_start3A_49, %dma_start3A_50] : memref<32x125x80xi32, #tpu.memory_space<hbm>> -> memref<1x125x80xi32, #tpu.memory_space<hbm>>
      %dma_start3A_52 = tpu.memref_squeeze %dma_start3A_51 : memref<1x125x80xi32, #tpu.memory_space<hbm>> -> memref<125x80xi32, #tpu.memory_space<hbm>>
      %dma_start3A_53 = arith.constant 0 : i32
      %dma_start3A_54 = arith.constant 0 : i32
      %dma_start3A_55 = tpu.memref_slice %arg3[%add3A, %dma_start3A_53, %dma_start3A_54] : memref<32x125x80xi32, #tpu.memory_space<hbm>> -> memref<1x125x80xi32, #tpu.memory_space<hbm>>
      %dma_start3A_56 = tpu.memref_squeeze %dma_start3A_55 : memref<1x125x80xi32, #tpu.memory_space<hbm>> -> memref<125x80xi32, #tpu.memory_space<hbm>>
      tpu.enqueue_dma source(%dma_start3A_56 : memref<125x80xi32, #tpu.memory_space<hbm>>) target(%arg7 : memref<125x80xi32, #tpu.memory_space<vmem>>) target_semaphore(%run_scoped3A : memref<!tpu.dma_semaphore, #tpu.memory_space<semaphore_mem>>)
      %dma_wait3A_57 = arith.constant 0 : i32
      %dma_wait3A_58 = arith.constant 0 : i32
      %dma_wait3A_59 = tpu.memref_slice %arg3[%add3A, %dma_wait3A_57, %dma_wait3A_58] : memref<32x125x80xi32, #tpu.memory_space<hbm>> -> memref<1x125x80xi32, #tpu.memory_space<hbm>>
      %dma_wait3A_60 = tpu.memref_squeeze %dma_wait3A_59 : memref<1x125x80xi32, #tpu.memory_space<hbm>> -> memref<125x80xi32, #tpu.memory_space<hbm>>
      %dma_wait3A_61 = arith.constant 0 : i32
      %dma_wait3A_62 = arith.constant 0 : i32
      %dma_wait3A_63 = tpu.memref_slice %arg3[%add3A, %dma_wait3A_61, %dma_wait3A_62] : memref<32x125x80xi32, #tpu.memory_space<hbm>> -> memref<1x125x80xi32, #tpu.memory_space<hbm>>
      %dma_wait3A_64 = tpu.memref_squeeze %dma_wait3A_63 : memref<1x125x80xi32, #tpu.memory_space<hbm>> -> memref<125x80xi32, #tpu.memory_space<hbm>>
      tpu.wait_dma2 semaphore(%run_scoped3A : memref<!tpu.dma_semaphore, #tpu.memory_space<semaphore_mem>>) src(%dma_wait3A_64 : memref<125x80xi32, #tpu.memory_space<hbm>>) dst(%arg7 : memref<125x80xi32, #tpu.memory_space<vmem>>)
      tpu.yield
    }) : () -> ()
    "tpu.region"() ({
      %run_scoped3A = tpu.sem_alloc : memref<!tpu.dma_semaphore, #tpu.memory_space<semaphore_mem>>
      %dma_start3A_49 = arith.constant 0 : i32
      %dma_start3A_50 = arith.constant 0 : i32
      %dma_start3A_51 = tpu.memref_slice %arg4[%add3A, %dma_start3A_49, %dma_start3A_50] : memref<32x125x80xi32, #tpu.memory_space<hbm>> -> memref<1x125x80xi32, #tpu.memory_space<hbm>>
      %dma_start3A_52 = tpu.memref_squeeze %dma_start3A_51 : memref<1x125x80xi32, #tpu.memory_space<hbm>> -> memref<125x80xi32, #tpu.memory_space<hbm>>
      %dma_start3A_53 = arith.constant 0 : i32
      %dma_start3A_54 = arith.constant 0 : i32
      %dma_start3A_55 = tpu.memref_slice %arg4[%add3A, %dma_start3A_53, %dma_start3A_54] : memref<32x125x80xi32, #tpu.memory_space<hbm>> -> memref<1x125x80xi32, #tpu.memory_space<hbm>>
      %dma_start3A_56 = tpu.memref_squeeze %dma_start3A_55 : memref<1x125x80xi32, #tpu.memory_space<hbm>> -> memref<125x80xi32, #tpu.memory_space<hbm>>
      tpu.enqueue_dma source(%dma_start3A_56 : memref<125x80xi32, #tpu.memory_space<hbm>>) target(%arg8 : memref<125x80xi32, #tpu.memory_space<vmem>>) target_semaphore(%run_scoped3A : memref<!tpu.dma_semaphore, #tpu.memory_space<semaphore_mem>>)
      %dma_wait3A_57 = arith.constant 0 : i32
      %dma_wait3A_58 = arith.constant 0 : i32
      %dma_wait3A_59 = tpu.memref_slice %arg4[%add3A, %dma_wait3A_57, %dma_wait3A_58] : memref<32x125x80xi32, #tpu.memory_space<hbm>> -> memref<1x125x80xi32, #tpu.memory_space<hbm>>
      %dma_wait3A_60 = tpu.memref_squeeze %dma_wait3A_59 : memref<1x125x80xi32, #tpu.memory_space<hbm>> -> memref<125x80xi32, #tpu.memory_space<hbm>>
      %dma_wait3A_61 = arith.constant 0 : i32
      %dma_wait3A_62 = arith.constant 0 : i32
      %dma_wait3A_63 = tpu.memref_slice %arg4[%add3A, %dma_wait3A_61, %dma_wait3A_62] : memref<32x125x80xi32, #tpu.memory_space<hbm>> -> memref<1x125x80xi32, #tpu.memory_space<hbm>>
      %dma_wait3A_64 = tpu.memref_squeeze %dma_wait3A_63 : memref<1x125x80xi32, #tpu.memory_space<hbm>> -> memref<125x80xi32, #tpu.memory_space<hbm>>
      tpu.wait_dma2 semaphore(%run_scoped3A : memref<!tpu.dma_semaphore, #tpu.memory_space<semaphore_mem>>) src(%dma_wait3A_64 : memref<125x80xi32, #tpu.memory_space<hbm>>) dst(%arg8 : memref<125x80xi32, #tpu.memory_space<vmem>>)
      tpu.yield
    }) : () -> ()
    %dma_start3A = arith.constant 0 : i32
    %dma_start3A_1 = arith.constant 0 : i32
    %dma_start3A_2 = tpu.memref_slice %arg7[%dma_start3A, %dma_start3A_1] : memref<125x80xi32, #tpu.memory_space<vmem>> -> memref<1x80xi32, #tpu.memory_space<vmem>>
    %dma_start3A_3 = tpu.memref_squeeze %dma_start3A_2 : memref<1x80xi32, #tpu.memory_space<vmem>> -> memref<80xi32, #tpu.memory_space<vmem>>
    %dma_start3A_4 = arith.constant 0 : i32
    %dma_start3A_5 = arith.constant 0 : i32
    %dma_start3A_6 = tpu.memref_slice %arg2[%dma_start3A_4, %dma_start3A_5] : memref<10000x128xf32, #tpu.memory_space<hbm>> -> memref<10000x128xf32, #tpu.memory_space<hbm>>
    tpu.enqueue_indirect_dma source(%dma_start3A_6 : memref<10000x128xf32, #tpu.memory_space<hbm>>) target(%arg9 : memref<80x128xf32, #tpu.memory_space<vmem>>) offsets(%dma_start3A_3 : memref<80xi32, #tpu.memory_space<vmem>>) semaphore(%arg11 : memref<!tpu.dma_semaphore, #tpu.memory_space<semaphore_mem>>)
    %dma_start3A_7 = arith.constant 0 : i32
    %dma_start3A_8 = arith.constant 0 : i32
    %dma_start3A_9 = tpu.memref_slice %arg8[%dma_start3A_7, %dma_start3A_8] : memref<125x80xi32, #tpu.memory_space<vmem>> -> memref<1x80xi32, #tpu.memory_space<vmem>>
    %dma_start3A_10 = tpu.memref_squeeze %dma_start3A_9 : memref<1x80xi32, #tpu.memory_space<vmem>> -> memref<80xi32, #tpu.memory_space<vmem>>
    %dma_start3A_11 = arith.constant 0 : i32
    %dma_start3A_12 = arith.constant 0 : i32
    %dma_start3A_13 = tpu.memref_slice %arg2[%dma_start3A_11, %dma_start3A_12] : memref<10000x128xf32, #tpu.memory_space<hbm>> -> memref<10000x128xf32, #tpu.memory_space<hbm>>
    tpu.enqueue_indirect_dma source(%dma_start3A_13 : memref<10000x128xf32, #tpu.memory_space<hbm>>) target(%arg10 : memref<80x128xf32, #tpu.memory_space<vmem>>) offsets(%dma_start3A_10 : memref<80xi32, #tpu.memory_space<vmem>>) semaphore(%arg12 : memref<!tpu.dma_semaphore, #tpu.memory_space<semaphore_mem>>)
    %dma_start3A_14 = arith.constant 1 : i32
    %dma_start3A_15 = arith.constant 0 : i32
    %dma_start3A_16 = tpu.memref_slice %arg7[%dma_start3A_14, %dma_start3A_15] : memref<125x80xi32, #tpu.memory_space<vmem>> -> memref<1x80xi32, #tpu.memory_space<vmem>>
    %dma_start3A_17 = tpu.memref_squeeze %dma_start3A_16 : memref<1x80xi32, #tpu.memory_space<vmem>> -> memref<80xi32, #tpu.memory_space<vmem>>
    %dma_start3A_18 = arith.constant 0 : i32
    %dma_start3A_19 = arith.constant 0 : i32
    %dma_start3A_20 = tpu.memref_slice %arg2[%dma_start3A_18, %dma_start3A_19] : memref<10000x128xf32, #tpu.memory_space<hbm>> -> memref<10000x128xf32, #tpu.memory_space<hbm>>
    tpu.enqueue_indirect_dma source(%dma_start3A_20 : memref<10000x128xf32, #tpu.memory_space<hbm>>) target(%arg13 : memref<80x128xf32, #tpu.memory_space<vmem>>) offsets(%dma_start3A_17 : memref<80xi32, #tpu.memory_space<vmem>>) semaphore(%arg15 : memref<!tpu.dma_semaphore, #tpu.memory_space<semaphore_mem>>)
    %dma_start3A_21 = arith.constant 1 : i32
    %dma_start3A_22 = arith.constant 0 : i32
    %dma_start3A_23 = tpu.memref_slice %arg8[%dma_start3A_21, %dma_start3A_22] : memref<125x80xi32, #tpu.memory_space<vmem>> -> memref<1x80xi32, #tpu.memory_space<vmem>>
    %dma_start3A_24 = tpu.memref_squeeze %dma_start3A_23 : memref<1x80xi32, #tpu.memory_space<vmem>> -> memref<80xi32, #tpu.memory_space<vmem>>
    %dma_start3A_25 = arith.constant 0 : i32
    %dma_start3A_26 = arith.constant 0 : i32
    %dma_start3A_27 = tpu.memref_slice %arg2[%dma_start3A_25, %dma_start3A_26] : memref<10000x128xf32, #tpu.memory_space<hbm>> -> memref<10000x128xf32, #tpu.memory_space<hbm>>
    tpu.enqueue_indirect_dma source(%dma_start3A_27 : memref<10000x128xf32, #tpu.memory_space<hbm>>) target(%arg14 : memref<80x128xf32, #tpu.memory_space<vmem>>) offsets(%dma_start3A_24 : memref<80xi32, #tpu.memory_space<vmem>>) semaphore(%arg16 : memref<!tpu.dma_semaphore, #tpu.memory_space<semaphore_mem>>)
    %scan3A = arith.constant 0 : i32
    %scan3A_28 = arith.constant 62 : i32
    %scan3A_29 = arith.addi %scan3A, %scan3A_28 : i32
    %scan3A_30 = arith.constant 1 : i32
    scf.for %scan3A_49 = %scan3A to %scan3A_29 step %scan3A_30  : i32 {
      %mul3A_50 = arith.constant 2 : i32
      %mul3A_51 = arith.muli %scan3A_49, %mul3A_50 : i32
      %add3A_52 = arith.constant 0 : i32
      %add3A_53 = arith.addi %add3A_52, %mul3A_51 : i32
      %mul3A_54 = arith.constant 10000 : i32
      %mul3A_55 = arith.muli %add3A, %mul3A_54 : i32
      %mul3A_56 = arith.constant 80 : i32
      %mul3A_57 = arith.muli %add3A_53, %mul3A_56 : i32
      %add3A_58 = arith.addi %mul3A_55, %mul3A_57 : i32
      %dma_wait3A_59 = arith.constant 0 : i32
      %dma_wait3A_60 = arith.constant 0 : i32
      %dma_wait3A_61 = tpu.memref_slice %arg7[%dma_wait3A_59, %dma_wait3A_60] : memref<125x80xi32, #tpu.memory_space<vmem>> -> memref<1x80xi32, #tpu.memory_space<vmem>>
      %dma_wait3A_62 = tpu.memref_squeeze %dma_wait3A_61 : memref<1x80xi32, #tpu.memory_space<vmem>> -> memref<80xi32, #tpu.memory_space<vmem>>
      %dma_wait3A_63 = arith.constant 0 : i32
      %dma_wait3A_64 = arith.constant 0 : i32
      %dma_wait3A_65 = tpu.memref_slice %arg2[%dma_wait3A_63, %dma_wait3A_64] : memref<10000x128xf32, #tpu.memory_space<hbm>> -> memref<10000x128xf32, #tpu.memory_space<hbm>>
      tpu.wait_indirect_dma semaphore(%arg11 : memref<!tpu.dma_semaphore, #tpu.memory_space<semaphore_mem>>) src(%dma_wait3A_65 : memref<10000x128xf32, #tpu.memory_space<hbm>>) dst(%arg9 : memref<80x128xf32, #tpu.memory_space<vmem>>)
      "tpu.region"() ({
        %run_scoped3A = tpu.sem_alloc : memref<!tpu.dma_semaphore, #tpu.memory_space<semaphore_mem>>
        %dma_start3A_111 = arith.constant 0 : i32
        %dma_start3A_112 = tpu.memref_slice %arg5[%add3A_58, %dma_start3A_111] : memref<320000x128xf32, #tpu.memory_space<hbm>> -> memref<80x128xf32, #tpu.memory_space<hbm>>
        %dma_start3A_113 = arith.constant 0 : i32
        %dma_start3A_114 = tpu.memref_slice %arg5[%add3A_58, %dma_start3A_113] : memref<320000x128xf32, #tpu.memory_space<hbm>> -> memref<80x128xf32, #tpu.memory_space<hbm>>
        tpu.enqueue_dma source(%arg9 : memref<80x128xf32, #tpu.memory_space<vmem>>) target(%dma_start3A_114 : memref<80x128xf32, #tpu.memory_space<hbm>>) target_semaphore(%run_scoped3A : memref<!tpu.dma_semaphore, #tpu.memory_space<semaphore_mem>>)
        %dma_wait3A_115 = arith.constant 0 : i32
        %dma_wait3A_116 = tpu.memref_slice %arg5[%add3A_58, %dma_wait3A_115] : memref<320000x128xf32, #tpu.memory_space<hbm>> -> memref<80x128xf32, #tpu.memory_space<hbm>>
        %dma_wait3A_117 = arith.constant 0 : i32
        %dma_wait3A_118 = tpu.memref_slice %arg5[%add3A_58, %dma_wait3A_117] : memref<320000x128xf32, #tpu.memory_space<hbm>> -> memref<80x128xf32, #tpu.memory_space<hbm>>
        tpu.wait_dma2 semaphore(%run_scoped3A : memref<!tpu.dma_semaphore, #tpu.memory_space<semaphore_mem>>) src(%arg9 : memref<80x128xf32, #tpu.memory_space<vmem>>) dst(%dma_wait3A_118 : memref<80x128xf32, #tpu.memory_space<hbm>>)
        tpu.yield
      }) : () -> ()
      %add3A_66 = arith.constant 2 : i32
      %add3A_67 = arith.addi %add3A_53, %add3A_66 : i32
      %dma_start3A_68 = arith.constant 0 : i32
      %dma_start3A_69 = tpu.memref_slice %arg7[%add3A_67, %dma_start3A_68] : memref<125x80xi32, #tpu.memory_space<vmem>> -> memref<1x80xi32, #tpu.memory_space<vmem>>
      %dma_start3A_70 = tpu.memref_squeeze %dma_start3A_69 : memref<1x80xi32, #tpu.memory_space<vmem>> -> memref<80xi32, #tpu.memory_space<vmem>>
      %dma_start3A_71 = arith.constant 0 : i32
      %dma_start3A_72 = arith.constant 0 : i32
      %dma_start3A_73 = tpu.memref_slice %arg2[%dma_start3A_71, %dma_start3A_72] : memref<10000x128xf32, #tpu.memory_space<hbm>> -> memref<10000x128xf32, #tpu.memory_space<hbm>>
      tpu.enqueue_indirect_dma source(%dma_start3A_73 : memref<10000x128xf32, #tpu.memory_space<hbm>>) target(%arg9 : memref<80x128xf32, #tpu.memory_space<vmem>>) offsets(%dma_start3A_70 : memref<80xi32, #tpu.memory_space<vmem>>) semaphore(%arg11 : memref<!tpu.dma_semaphore, #tpu.memory_space<semaphore_mem>>)
      %dma_wait3A_74 = arith.constant 0 : i32
      %dma_wait3A_75 = arith.constant 0 : i32
      %dma_wait3A_76 = tpu.memref_slice %arg7[%dma_wait3A_74, %dma_wait3A_75] : memref<125x80xi32, #tpu.memory_space<vmem>> -> memref<1x80xi32, #tpu.memory_space<vmem>>
      %dma_wait3A_77 = tpu.memref_squeeze %dma_wait3A_76 : memref<1x80xi32, #tpu.memory_space<vmem>> -> memref<80xi32, #tpu.memory_space<vmem>>
      %dma_wait3A_78 = arith.constant 0 : i32
      %dma_wait3A_79 = arith.constant 0 : i32
      %dma_wait3A_80 = tpu.memref_slice %arg2[%dma_wait3A_78, %dma_wait3A_79] : memref<10000x128xf32, #tpu.memory_space<hbm>> -> memref<10000x128xf32, #tpu.memory_space<hbm>>
      tpu.wait_indirect_dma semaphore(%arg12 : memref<!tpu.dma_semaphore, #tpu.memory_space<semaphore_mem>>) src(%dma_wait3A_80 : memref<10000x128xf32, #tpu.memory_space<hbm>>) dst(%arg10 : memref<80x128xf32, #tpu.memory_space<vmem>>)
      "tpu.region"() ({
        %run_scoped3A = tpu.sem_alloc : memref<!tpu.dma_semaphore, #tpu.memory_space<semaphore_mem>>
        %dma_start3A_111 = arith.constant 0 : i32
        %dma_start3A_112 = tpu.memref_slice %arg6[%add3A_58, %dma_start3A_111] : memref<320000x128xf32, #tpu.memory_space<hbm>> -> memref<80x128xf32, #tpu.memory_space<hbm>>
        %dma_start3A_113 = arith.constant 0 : i32
        %dma_start3A_114 = tpu.memref_slice %arg6[%add3A_58, %dma_start3A_113] : memref<320000x128xf32, #tpu.memory_space<hbm>> -> memref<80x128xf32, #tpu.memory_space<hbm>>
        tpu.enqueue_dma source(%arg10 : memref<80x128xf32, #tpu.memory_space<vmem>>) target(%dma_start3A_114 : memref<80x128xf32, #tpu.memory_space<hbm>>) target_semaphore(%run_scoped3A : memref<!tpu.dma_semaphore, #tpu.memory_space<semaphore_mem>>)
        %dma_wait3A_115 = arith.constant 0 : i32
        %dma_wait3A_116 = tpu.memref_slice %arg6[%add3A_58, %dma_wait3A_115] : memref<320000x128xf32, #tpu.memory_space<hbm>> -> memref<80x128xf32, #tpu.memory_space<hbm>>
        %dma_wait3A_117 = arith.constant 0 : i32
        %dma_wait3A_118 = tpu.memref_slice %arg6[%add3A_58, %dma_wait3A_117] : memref<320000x128xf32, #tpu.memory_space<hbm>> -> memref<80x128xf32, #tpu.memory_space<hbm>>
        tpu.wait_dma2 semaphore(%run_scoped3A : memref<!tpu.dma_semaphore, #tpu.memory_space<semaphore_mem>>) src(%arg10 : memref<80x128xf32, #tpu.memory_space<vmem>>) dst(%dma_wait3A_118 : memref<80x128xf32, #tpu.memory_space<hbm>>)
        tpu.yield
      }) : () -> ()
      %add3A_81 = arith.constant 2 : i32
      %add3A_82 = arith.addi %add3A_53, %add3A_81 : i32
      %dma_start3A_83 = arith.constant 0 : i32
      %dma_start3A_84 = tpu.memref_slice %arg8[%add3A_82, %dma_start3A_83] : memref<125x80xi32, #tpu.memory_space<vmem>> -> memref<1x80xi32, #tpu.memory_space<vmem>>
      %dma_start3A_85 = tpu.memref_squeeze %dma_start3A_84 : memref<1x80xi32, #tpu.memory_space<vmem>> -> memref<80xi32, #tpu.memory_space<vmem>>
      %dma_start3A_86 = arith.constant 0 : i32
      %dma_start3A_87 = arith.constant 0 : i32
      %dma_start3A_88 = tpu.memref_slice %arg2[%dma_start3A_86, %dma_start3A_87] : memref<10000x128xf32, #tpu.memory_space<hbm>> -> memref<10000x128xf32, #tpu.memory_space<hbm>>
      tpu.enqueue_indirect_dma source(%dma_start3A_88 : memref<10000x128xf32, #tpu.memory_space<hbm>>) target(%arg10 : memref<80x128xf32, #tpu.memory_space<vmem>>) offsets(%dma_start3A_85 : memref<80xi32, #tpu.memory_space<vmem>>) semaphore(%arg12 : memref<!tpu.dma_semaphore, #tpu.memory_space<semaphore_mem>>)
      %dma_wait3A_89 = arith.constant 0 : i32
      %dma_wait3A_90 = arith.constant 0 : i32
      %dma_wait3A_91 = tpu.memref_slice %arg7[%dma_wait3A_89, %dma_wait3A_90] : memref<125x80xi32, #tpu.memory_space<vmem>> -> memref<1x80xi32, #tpu.memory_space<vmem>>
      %dma_wait3A_92 = tpu.memref_squeeze %dma_wait3A_91 : memref<1x80xi32, #tpu.memory_space<vmem>> -> memref<80xi32, #tpu.memory_space<vmem>>
      %dma_wait3A_93 = arith.constant 0 : i32
      %dma_wait3A_94 = arith.constant 0 : i32
      %dma_wait3A_95 = tpu.memref_slice %arg2[%dma_wait3A_93, %dma_wait3A_94] : memref<10000x128xf32, #tpu.memory_space<hbm>> -> memref<10000x128xf32, #tpu.memory_space<hbm>>
      tpu.wait_indirect_dma semaphore(%arg15 : memref<!tpu.dma_semaphore, #tpu.memory_space<semaphore_mem>>) src(%dma_wait3A_95 : memref<10000x128xf32, #tpu.memory_space<hbm>>) dst(%arg13 : memref<80x128xf32, #tpu.memory_space<vmem>>)
      %add3A_96 = arith.constant 80 : i32
      %add3A_97 = arith.addi %add3A_58, %add3A_96 : i32
      "tpu.region"() ({
        %run_scoped3A = tpu.sem_alloc : memref<!tpu.dma_semaphore, #tpu.memory_space<semaphore_mem>>
        %dma_start3A_111 = arith.constant 0 : i32
        %dma_start3A_112 = tpu.memref_slice %arg5[%add3A_97, %dma_start3A_111] : memref<320000x128xf32, #tpu.memory_space<hbm>> -> memref<80x128xf32, #tpu.memory_space<hbm>>
        %dma_start3A_113 = arith.constant 0 : i32
        %dma_start3A_114 = tpu.memref_slice %arg5[%add3A_97, %dma_start3A_113] : memref<320000x128xf32, #tpu.memory_space<hbm>> -> memref<80x128xf32, #tpu.memory_space<hbm>>
        tpu.enqueue_dma source(%arg13 : memref<80x128xf32, #tpu.memory_space<vmem>>) target(%dma_start3A_114 : memref<80x128xf32, #tpu.memory_space<hbm>>) target_semaphore(%run_scoped3A : memref<!tpu.dma_semaphore, #tpu.memory_space<semaphore_mem>>)
        %dma_wait3A_115 = arith.constant 0 : i32
        %dma_wait3A_116 = tpu.memref_slice %arg5[%add3A_97, %dma_wait3A_115] : memref<320000x128xf32, #tpu.memory_space<hbm>> -> memref<80x128xf32, #tpu.memory_space<hbm>>
        %dma_wait3A_117 = arith.constant 0 : i32
        %dma_wait3A_118 = tpu.memref_slice %arg5[%add3A_97, %dma_wait3A_117] : memref<320000x128xf32, #tpu.memory_space<hbm>> -> memref<80x128xf32, #tpu.memory_space<hbm>>
        tpu.wait_dma2 semaphore(%run_scoped3A : memref<!tpu.dma_semaphore, #tpu.memory_space<semaphore_mem>>) src(%arg13 : memref<80x128xf32, #tpu.memory_space<vmem>>) dst(%dma_wait3A_118 : memref<80x128xf32, #tpu.memory_space<hbm>>)
        tpu.yield
      }) : () -> ()
      %dma_wait3A_98 = arith.constant 0 : i32
      %dma_wait3A_99 = arith.constant 0 : i32
      %dma_wait3A_100 = tpu.memref_slice %arg7[%dma_wait3A_98, %dma_wait3A_99] : memref<125x80xi32, #tpu.memory_space<vmem>> -> memref<1x80xi32, #tpu.memory_space<vmem>>
      %dma_wait3A_101 = tpu.memref_squeeze %dma_wait3A_100 : memref<1x80xi32, #tpu.memory_space<vmem>> -> memref<80xi32, #tpu.memory_space<vmem>>
      %dma_wait3A_102 = arith.constant 0 : i32
      %dma_wait3A_103 = arith.constant 0 : i32
      %dma_wait3A_104 = tpu.memref_slice %arg2[%dma_wait3A_102, %dma_wait3A_103] : memref<10000x128xf32, #tpu.memory_space<hbm>> -> memref<10000x128xf32, #tpu.memory_space<hbm>>
      tpu.wait_indirect_dma semaphore(%arg16 : memref<!tpu.dma_semaphore, #tpu.memory_space<semaphore_mem>>) src(%dma_wait3A_104 : memref<10000x128xf32, #tpu.memory_space<hbm>>) dst(%arg14 : memref<80x128xf32, #tpu.memory_space<vmem>>)
      %add3A_105 = arith.constant 80 : i32
      %add3A_106 = arith.addi %add3A_58, %add3A_105 : i32
      "tpu.region"() ({
        %run_scoped3A = tpu.sem_alloc : memref<!tpu.dma_semaphore, #tpu.memory_space<semaphore_mem>>
        %dma_start3A_111 = arith.constant 0 : i32
        %dma_start3A_112 = tpu.memref_slice %arg6[%add3A_106, %dma_start3A_111] : memref<320000x128xf32, #tpu.memory_space<hbm>> -> memref<80x128xf32, #tpu.memory_space<hbm>>
        %dma_start3A_113 = arith.constant 0 : i32
        %dma_start3A_114 = tpu.memref_slice %arg6[%add3A_106, %dma_start3A_113] : memref<320000x128xf32, #tpu.memory_space<hbm>> -> memref<80x128xf32, #tpu.memory_space<hbm>>
        tpu.enqueue_dma source(%arg14 : memref<80x128xf32, #tpu.memory_space<vmem>>) target(%dma_start3A_114 : memref<80x128xf32, #tpu.memory_space<hbm>>) target_semaphore(%run_scoped3A : memref<!tpu.dma_semaphore, #tpu.memory_space<semaphore_mem>>)
        %dma_wait3A_115 = arith.constant 0 : i32
        %dma_wait3A_116 = tpu.memref_slice %arg6[%add3A_106, %dma_wait3A_115] : memref<320000x128xf32, #tpu.memory_space<hbm>> -> memref<80x128xf32, #tpu.memory_space<hbm>>
        %dma_wait3A_117 = arith.constant 0 : i32
        %dma_wait3A_118 = tpu.memref_slice %arg6[%add3A_106, %dma_wait3A_117] : memref<320000x128xf32, #tpu.memory_space<hbm>> -> memref<80x128xf32, #tpu.memory_space<hbm>>
        tpu.wait_dma2 semaphore(%run_scoped3A : memref<!tpu.dma_semaphore, #tpu.memory_space<semaphore_mem>>) src(%arg14 : memref<80x128xf32, #tpu.memory_space<vmem>>) dst(%dma_wait3A_118 : memref<80x128xf32, #tpu.memory_space<hbm>>)
        tpu.yield
      }) : () -> ()
      %add3A_107 = arith.constant 3 : i32
      %add3A_108 = arith.addi %add3A_53, %add3A_107 : i32
      %lt3A = arith.constant 125 : i32
      %lt3A_109 = arith.cmpi slt, %add3A_108, %lt3A : i32
      %convert_element_type3A = arith.extui %lt3A_109 : i1 to i32
      %cond3A = arith.constant 0 : i32
      %cond3A_110 = arith.cmpi ne, %convert_element_type3A, %cond3A : i32
      scf.if %cond3A_110 {
        %add3A_111 = arith.constant 3 : i32
        %add3A_112 = arith.addi %add3A_53, %add3A_111 : i32
        %dma_start3A_113 = arith.constant 0 : i32
        %dma_start3A_114 = tpu.memref_slice %arg7[%add3A_112, %dma_start3A_113] : memref<125x80xi32, #tpu.memory_space<vmem>> -> memref<1x80xi32, #tpu.memory_space<vmem>>
        %dma_start3A_115 = tpu.memref_squeeze %dma_start3A_114 : memref<1x80xi32, #tpu.memory_space<vmem>> -> memref<80xi32, #tpu.memory_space<vmem>>
        %dma_start3A_116 = arith.constant 0 : i32
        %dma_start3A_117 = arith.constant 0 : i32
        %dma_start3A_118 = tpu.memref_slice %arg2[%dma_start3A_116, %dma_start3A_117] : memref<10000x128xf32, #tpu.memory_space<hbm>> -> memref<10000x128xf32, #tpu.memory_space<hbm>>
        tpu.enqueue_indirect_dma source(%dma_start3A_118 : memref<10000x128xf32, #tpu.memory_space<hbm>>) target(%arg13 : memref<80x128xf32, #tpu.memory_space<vmem>>) offsets(%dma_start3A_115 : memref<80xi32, #tpu.memory_space<vmem>>) semaphore(%arg15 : memref<!tpu.dma_semaphore, #tpu.memory_space<semaphore_mem>>)
        %add3A_119 = arith.constant 3 : i32
        %add3A_120 = arith.addi %add3A_53, %add3A_119 : i32
        %dma_start3A_121 = arith.constant 0 : i32
        %dma_start3A_122 = tpu.memref_slice %arg8[%add3A_120, %dma_start3A_121] : memref<125x80xi32, #tpu.memory_space<vmem>> -> memref<1x80xi32, #tpu.memory_space<vmem>>
        %dma_start3A_123 = tpu.memref_squeeze %dma_start3A_122 : memref<1x80xi32, #tpu.memory_space<vmem>> -> memref<80xi32, #tpu.memory_space<vmem>>
        %dma_start3A_124 = arith.constant 0 : i32
        %dma_start3A_125 = arith.constant 0 : i32
        %dma_start3A_126 = tpu.memref_slice %arg2[%dma_start3A_124, %dma_start3A_125] : memref<10000x128xf32, #tpu.memory_space<hbm>> -> memref<10000x128xf32, #tpu.memory_space<hbm>>
        tpu.enqueue_indirect_dma source(%dma_start3A_126 : memref<10000x128xf32, #tpu.memory_space<hbm>>) target(%arg14 : memref<80x128xf32, #tpu.memory_space<vmem>>) offsets(%dma_start3A_123 : memref<80xi32, #tpu.memory_space<vmem>>) semaphore(%arg16 : memref<!tpu.dma_semaphore, #tpu.memory_space<semaphore_mem>>)
      } else {
      }
    }
    %scan3A_31 = arith.constant 62 : i32
    %mul3A_32 = arith.constant 10000 : i32
    %mul3A_33 = arith.muli %add3A, %mul3A_32 : i32
    %add3A_34 = arith.constant 9920 : i32
    %add3A_35 = arith.addi %mul3A_33, %add3A_34 : i32
    %dma_wait3A = arith.constant 0 : i32
    %dma_wait3A_36 = arith.constant 0 : i32
    %dma_wait3A_37 = tpu.memref_slice %arg7[%dma_wait3A, %dma_wait3A_36] : memref<125x80xi32, #tpu.memory_space<vmem>> -> memref<1x80xi32, #tpu.memory_space<vmem>>
    %dma_wait3A_38 = tpu.memref_squeeze %dma_wait3A_37 : memref<1x80xi32, #tpu.memory_space<vmem>> -> memref<80xi32, #tpu.memory_space<vmem>>
    %dma_wait3A_39 = arith.constant 0 : i32
    %dma_wait3A_40 = arith.constant 0 : i32
    %dma_wait3A_41 = tpu.memref_slice %arg2[%dma_wait3A_39, %dma_wait3A_40] : memref<10000x128xf32, #tpu.memory_space<hbm>> -> memref<10000x128xf32, #tpu.memory_space<hbm>>
    tpu.wait_indirect_dma semaphore(%arg11 : memref<!tpu.dma_semaphore, #tpu.memory_space<semaphore_mem>>) src(%dma_wait3A_41 : memref<10000x128xf32, #tpu.memory_space<hbm>>) dst(%arg9 : memref<80x128xf32, #tpu.memory_space<vmem>>)
    "tpu.region"() ({
      %run_scoped3A = tpu.sem_alloc : memref<!tpu.dma_semaphore, #tpu.memory_space<semaphore_mem>>
      %dma_start3A_49 = arith.constant 0 : i32
      %dma_start3A_50 = tpu.memref_slice %arg5[%add3A_35, %dma_start3A_49] : memref<320000x128xf32, #tpu.memory_space<hbm>> -> memref<80x128xf32, #tpu.memory_space<hbm>>
      %dma_start3A_51 = arith.constant 0 : i32
      %dma_start3A_52 = tpu.memref_slice %arg5[%add3A_35, %dma_start3A_51] : memref<320000x128xf32, #tpu.memory_space<hbm>> -> memref<80x128xf32, #tpu.memory_space<hbm>>
      tpu.enqueue_dma source(%arg9 : memref<80x128xf32, #tpu.memory_space<vmem>>) target(%dma_start3A_52 : memref<80x128xf32, #tpu.memory_space<hbm>>) target_semaphore(%run_scoped3A : memref<!tpu.dma_semaphore, #tpu.memory_space<semaphore_mem>>)
      %dma_wait3A_53 = arith.constant 0 : i32
      %dma_wait3A_54 = tpu.memref_slice %arg5[%add3A_35, %dma_wait3A_53] : memref<320000x128xf32, #tpu.memory_space<hbm>> -> memref<80x128xf32, #tpu.memory_space<hbm>>
      %dma_wait3A_55 = arith.constant 0 : i32
      %dma_wait3A_56 = tpu.memref_slice %arg5[%add3A_35, %dma_wait3A_55] : memref<320000x128xf32, #tpu.memory_space<hbm>> -> memref<80x128xf32, #tpu.memory_space<hbm>>
      tpu.wait_dma2 semaphore(%run_scoped3A : memref<!tpu.dma_semaphore, #tpu.memory_space<semaphore_mem>>) src(%arg9 : memref<80x128xf32, #tpu.memory_space<vmem>>) dst(%dma_wait3A_56 : memref<80x128xf32, #tpu.memory_space<hbm>>)
      tpu.yield
    }) : () -> ()
    %dma_wait3A_42 = arith.constant 0 : i32
    %dma_wait3A_43 = arith.constant 0 : i32
    %dma_wait3A_44 = tpu.memref_slice %arg7[%dma_wait3A_42, %dma_wait3A_43] : memref<125x80xi32, #tpu.memory_space<vmem>> -> memref<1x80xi32, #tpu.memory_space<vmem>>
    %dma_wait3A_45 = tpu.memref_squeeze %dma_wait3A_44 : memref<1x80xi32, #tpu.memory_space<vmem>> -> memref<80xi32, #tpu.memory_space<vmem>>
    %dma_wait3A_46 = arith.constant 0 : i32
    %dma_wait3A_47 = arith.constant 0 : i32
    %dma_wait3A_48 = tpu.memref_slice %arg2[%dma_wait3A_46, %dma_wait3A_47] : memref<10000x128xf32, #tpu.memory_space<hbm>> -> memref<10000x128xf32, #tpu.memory_space<hbm>>
    tpu.wait_indirect_dma semaphore(%arg12 : memref<!tpu.dma_semaphore, #tpu.memory_space<semaphore_mem>>) src(%dma_wait3A_48 : memref<10000x128xf32, #tpu.memory_space<hbm>>) dst(%arg10 : memref<80x128xf32, #tpu.memory_space<vmem>>)
    "tpu.region"() ({
      %run_scoped3A = tpu.sem_alloc : memref<!tpu.dma_semaphore, #tpu.memory_space<semaphore_mem>>
      %dma_start3A_49 = arith.constant 0 : i32
      %dma_start3A_50 = tpu.memref_slice %arg6[%add3A_35, %dma_start3A_49] : memref<320000x128xf32, #tpu.memory_space<hbm>> -> memref<80x128xf32, #tpu.memory_space<hbm>>
      %dma_start3A_51 = arith.constant 0 : i32
      %dma_start3A_52 = tpu.memref_slice %arg6[%add3A_35, %dma_start3A_51] : memref<320000x128xf32, #tpu.memory_space<hbm>> -> memref<80x128xf32, #tpu.memory_space<hbm>>
      tpu.enqueue_dma source(%arg10 : memref<80x128xf32, #tpu.memory_space<vmem>>) target(%dma_start3A_52 : memref<80x128xf32, #tpu.memory_space<hbm>>) target_semaphore(%run_scoped3A : memref<!tpu.dma_semaphore, #tpu.memory_space<semaphore_mem>>)
      %dma_wait3A_53 = arith.constant 0 : i32
      %dma_wait3A_54 = tpu.memref_slice %arg6[%add3A_35, %dma_wait3A_53] : memref<320000x128xf32, #tpu.memory_space<hbm>> -> memref<80x128xf32, #tpu.memory_space<hbm>>
      %dma_wait3A_55 = arith.constant 0 : i32
      %dma_wait3A_56 = tpu.memref_slice %arg6[%add3A_35, %dma_wait3A_55] : memref<320000x128xf32, #tpu.memory_space<hbm>> -> memref<80x128xf32, #tpu.memory_space<hbm>>
      tpu.wait_dma2 semaphore(%run_scoped3A : memref<!tpu.dma_semaphore, #tpu.memory_space<semaphore_mem>>) src(%arg10 : memref<80x128xf32, #tpu.memory_space<vmem>>) dst(%dma_wait3A_56 : memref<80x128xf32, #tpu.memory_space<hbm>>)
      tpu.yield
    }) : () -> ()
    return
  }
}

#map = affine_map<(d0, d1) -> (0, 0)>
#map1 = affine_map<(d0, d1) -> (0, 0, 0)>
module attributes {stable_mosaic.version = 14 : i64} {
  func.func @k(%arg0: i32, %arg1: i32, %arg2: memref<10000x128xf32, #tpu.memory_space<hbm>>, %arg3: memref<32x160x80xi32, #tpu.memory_space<hbm>>, %arg4: memref<32x125x80xi32, #tpu.memory_space<hbm>>, %arg5: memref<20000x128xf32, #tpu.memory_space<hbm>>, %arg6: memref<125x80xi32, #tpu.memory_space<vmem>>, %arg7: memref<2x40x80xi32, #tpu.memory_space<vmem>>, %arg8: memref<80x128xf32, #tpu.memory_space<vmem>>, %arg9: memref<80x128xf32, #tpu.memory_space<vmem>>, %arg10: memref<10000x128xf32, #tpu.memory_space<vmem_shared>>, %arg11: memref<!tpu.dma_semaphore, #tpu.memory_space<semaphore_mem>>, %arg12: memref<!tpu.dma_semaphore, #tpu.memory_space<semaphore_mem>>) attributes {dimension_semantics = [#tpu.dimension_semantics<core_parallel>, #tpu.dimension_semantics<subcore_parallel>], iteration_bounds = array<i64: 2, 16>, scalar_prefetch = 0 : i64, scratch_operands = 7 : i64, tpu.core_type = #tpu.core_type<sc_vector_subcore>, window_params = [{transform_indices = #map}, {transform_indices = #map1}, {transform_indices = #map1}, {transform_indices = #map}]} {
    %mul3A = arith.constant 16 : i32
    %mul3A_0 = arith.muli %arg0, %mul3A : i32
    %add3A = arith.addi %mul3A_0, %arg1 : i32
    %broadcast_in_dim3A = arith.constant 0.000000e+00 : f32
    %broadcast_in_dim3A_1 = vector.broadcast %broadcast_in_dim3A : f32 to vector<16xf32>
    %scan3A = arith.constant 0 : i32
    %scan3A_2 = arith.constant 80 : i32
    %scan3A_3 = arith.addi %scan3A, %scan3A_2 : i32
    %scan3A_4 = arith.constant 1 : i32
    scf.for %scan3A_83 = %scan3A to %scan3A_3 step %scan3A_4  : i32 {
      %mul3A_84 = arith.constant 1 : i32
      %mul3A_85 = arith.muli %scan3A_83, %mul3A_84 : i32
      %add3A_86 = arith.constant 0 : i32
      %add3A_87 = arith.addi %add3A_86, %mul3A_85 : i32
      %scan3A_88 = arith.constant 0 : i32
      %scan3A_89 = arith.constant 8 : i32
      %scan3A_90 = arith.addi %scan3A_88, %scan3A_89 : i32
      %scan3A_91 = arith.constant 1 : i32
      scf.for %scan3A_93 = %scan3A_88 to %scan3A_90 step %scan3A_91  : i32 {
        %mul3A_94 = arith.constant 16 : i32
        %mul3A_95 = arith.muli %scan3A_93, %mul3A_94 : i32
        %add3A_96 = arith.constant 0 : i32
        %add3A_97 = arith.addi %add3A_96, %mul3A_95 : i32
        %swap3A = arith.index_cast %add3A_87 : i32 to index
        %swap3A_98 = arith.index_cast %add3A_97 : i32 to index
        %swap3A_99 = tpu.vector_load %arg8[%swap3A, %swap3A_98] {strides = array<i32>} : memref<80x128xf32, #tpu.memory_space<vmem>>, vector<1x16xf32>,
        %swap3A_100 = vector.shape_cast %swap3A_99 : vector<1x16xf32> to vector<16xf32>
        %swap3A_101 = vector.shape_cast %broadcast_in_dim3A_1 : vector<16xf32> to vector<1x16xf32>
        tpu.vector_store %arg8[%swap3A, %swap3A_98], %swap3A_101 {strides = array<i32>} : memref<80x128xf32, #tpu.memory_space<vmem>>, vector<1x16xf32>,
      }
      %scan3A_92 = arith.constant 8 : i32
    }
    %scan3A_5 = arith.constant 80 : i32
    %sub3A = arith.constant 125 : i32
    %sub3A_6 = arith.subi %sub3A, %arg1 : i32
    %sub3A_7 = arith.constant 16 : i32
    %sub3A_8 = arith.constant 1 : i32
    %sub3A_9 = arith.subi %sub3A_7, %sub3A_8 : i32
    %add3A_10 = arith.addi %sub3A_6, %sub3A_9 : i32
    %div3A = arith.constant 16 : i32
    %div3A_11 = arith.divsi %add3A_10, %div3A : i32
    %while3A = arith.constant 16 : i32
    %while3A_12 = arith.constant 0 : i32
    %while3A_13 = arith.subi %div3A_11, %while3A_12 : i32
    %while3A_14 = arith.addi %while3A_12, %while3A_13 : i32
    %while3A_15 = arith.constant 1 : i32
    %while3A_16 = arith.divsi %while3A_13, %while3A_15 : i32
    %while3A_17 = arith.muli %while3A_16, %while3A_15 : i32
    %while3A_18 = arith.addi %while3A_12, %while3A_17 : i32
    %while3A_19 = arith.constant 1 : i32
    scf.for %while3A_83 = %while3A_12 to %while3A_18 step %while3A_19  : i32 {
      %mul3A_84 = arith.muli %while3A_83, %while3A : i32
      %add3A_85 = arith.addi %arg1, %mul3A_84 : i32
      %mul3A_86 = arith.constant 80 : i32
      %mul3A_87 = arith.muli %add3A_85, %mul3A_86 : i32
      "tpu.region"() ({
        %run_scoped3A_88 = tpu.sem_alloc : memref<!tpu.dma_semaphore, #tpu.memory_space<semaphore_mem>>
        %dma_start3A_89 = arith.constant 0 : i32
        %dma_start3A_90 = tpu.memref_slice %arg10[%mul3A_87, %dma_start3A_89] : memref<10000x128xf32, #tpu.memory_space<vmem_shared>> -> memref<80x128xf32, #tpu.memory_space<vmem_shared>>
        %dma_start3A_91 = arith.constant 0 : i32
        %dma_start3A_92 = tpu.memref_slice %arg10[%mul3A_87, %dma_start3A_91] : memref<10000x128xf32, #tpu.memory_space<vmem_shared>> -> memref<80x128xf32, #tpu.memory_space<vmem_shared>>
        tpu.enqueue_dma source(%arg8 : memref<80x128xf32, #tpu.memory_space<vmem>>) target(%dma_start3A_92 : memref<80x128xf32, #tpu.memory_space<vmem_shared>>) target_semaphore(%run_scoped3A_88 : memref<!tpu.dma_semaphore, #tpu.memory_space<semaphore_mem>>)
        %dma_wait3A_93 = arith.constant 0 : i32
        %dma_wait3A_94 = tpu.memref_slice %arg10[%mul3A_87, %dma_wait3A_93] : memref<10000x128xf32, #tpu.memory_space<vmem_shared>> -> memref<80x128xf32, #tpu.memory_space<vmem_shared>>
        %dma_wait3A_95 = arith.constant 0 : i32
        %dma_wait3A_96 = tpu.memref_slice %arg10[%mul3A_87, %dma_wait3A_95] : memref<10000x128xf32, #tpu.memory_space<vmem_shared>> -> memref<80x128xf32, #tpu.memory_space<vmem_shared>>
        tpu.wait_dma2 semaphore(%run_scoped3A_88 : memref<!tpu.dma_semaphore, #tpu.memory_space<semaphore_mem>>) src(%arg8 : memref<80x128xf32, #tpu.memory_space<vmem>>) dst(%dma_wait3A_96 : memref<80x128xf32, #tpu.memory_space<vmem_shared>>)
        tpu.yield
      }) : () -> ()
    }
    %while3A_20 = arith.constant 1 : i32
    scf.for %while3A_83 = %while3A_18 to %while3A_14 step %while3A_20  : i32 {
      %mul3A_84 = arith.muli %while3A_83, %while3A : i32
      %add3A_85 = arith.addi %arg1, %mul3A_84 : i32
      %mul3A_86 = arith.constant 80 : i32
      %mul3A_87 = arith.muli %add3A_85, %mul3A_86 : i32
      "tpu.region"() ({
        %run_scoped3A_88 = tpu.sem_alloc : memref<!tpu.dma_semaphore, #tpu.memory_space<semaphore_mem>>
        %dma_start3A_89 = arith.constant 0 : i32
        %dma_start3A_90 = tpu.memref_slice %arg10[%mul3A_87, %dma_start3A_89] : memref<10000x128xf32, #tpu.memory_space<vmem_shared>> -> memref<80x128xf32, #tpu.memory_space<vmem_shared>>
        %dma_start3A_91 = arith.constant 0 : i32
        %dma_start3A_92 = tpu.memref_slice %arg10[%mul3A_87, %dma_start3A_91] : memref<10000x128xf32, #tpu.memory_space<vmem_shared>> -> memref<80x128xf32, #tpu.memory_space<vmem_shared>>
        tpu.enqueue_dma source(%arg8 : memref<80x128xf32, #tpu.memory_space<vmem>>) target(%dma_start3A_92 : memref<80x128xf32, #tpu.memory_space<vmem_shared>>) target_semaphore(%run_scoped3A_88 : memref<!tpu.dma_semaphore, #tpu.memory_space<semaphore_mem>>)
        %dma_wait3A_93 = arith.constant 0 : i32
        %dma_wait3A_94 = tpu.memref_slice %arg10[%mul3A_87, %dma_wait3A_93] : memref<10000x128xf32, #tpu.memory_space<vmem_shared>> -> memref<80x128xf32, #tpu.memory_space<vmem_shared>>
        %dma_wait3A_95 = arith.constant 0 : i32
        %dma_wait3A_96 = tpu.memref_slice %arg10[%mul3A_87, %dma_wait3A_95] : memref<10000x128xf32, #tpu.memory_space<vmem_shared>> -> memref<80x128xf32, #tpu.memory_space<vmem_shared>>
        tpu.wait_dma2 semaphore(%run_scoped3A_88 : memref<!tpu.dma_semaphore, #tpu.memory_space<semaphore_mem>>) src(%arg8 : memref<80x128xf32, #tpu.memory_space<vmem>>) dst(%dma_wait3A_96 : memref<80x128xf32, #tpu.memory_space<vmem_shared>>)
        tpu.yield
      }) : () -> ()
    }
    "tpu.region"() ({
      %run_scoped3A_83 = tpu.sem_alloc : memref<!tpu.dma_semaphore, #tpu.memory_space<semaphore_mem>>
      %dma_start3A_84 = arith.constant 0 : i32
      %dma_start3A_85 = arith.constant 0 : i32
      %dma_start3A_86 = tpu.memref_slice %arg4[%add3A, %dma_start3A_84, %dma_start3A_85] : memref<32x125x80xi32, #tpu.memory_space<hbm>> -> memref<1x125x80xi32, #tpu.memory_space<hbm>>
      %dma_start3A_87 = tpu.memref_squeeze %dma_start3A_86 : memref<1x125x80xi32, #tpu.memory_space<hbm>> -> memref<125x80xi32, #tpu.memory_space<hbm>>
      %dma_start3A_88 = arith.constant 0 : i32
      %dma_start3A_89 = arith.constant 0 : i32
      %dma_start3A_90 = tpu.memref_slice %arg4[%add3A, %dma_start3A_88, %dma_start3A_89] : memref<32x125x80xi32, #tpu.memory_space<hbm>> -> memref<1x125x80xi32, #tpu.memory_space<hbm>>
      %dma_start3A_91 = tpu.memref_squeeze %dma_start3A_90 : memref<1x125x80xi32, #tpu.memory_space<hbm>> -> memref<125x80xi32, #tpu.memory_space<hbm>>
      tpu.enqueue_dma source(%dma_start3A_91 : memref<125x80xi32, #tpu.memory_space<hbm>>) target(%arg6 : memref<125x80xi32, #tpu.memory_space<vmem>>) target_semaphore(%run_scoped3A_83 : memref<!tpu.dma_semaphore, #tpu.memory_space<semaphore_mem>>)
      %dma_wait3A_92 = arith.constant 0 : i32
      %dma_wait3A_93 = arith.constant 0 : i32
      %dma_wait3A_94 = tpu.memref_slice %arg4[%add3A, %dma_wait3A_92, %dma_wait3A_93] : memref<32x125x80xi32, #tpu.memory_space<hbm>> -> memref<1x125x80xi32, #tpu.memory_space<hbm>>
      %dma_wait3A_95 = tpu.memref_squeeze %dma_wait3A_94 : memref<1x125x80xi32, #tpu.memory_space<hbm>> -> memref<125x80xi32, #tpu.memory_space<hbm>>
      %dma_wait3A_96 = arith.constant 0 : i32
      %dma_wait3A_97 = arith.constant 0 : i32
      %dma_wait3A_98 = tpu.memref_slice %arg4[%add3A, %dma_wait3A_96, %dma_wait3A_97] : memref<32x125x80xi32, #tpu.memory_space<hbm>> -> memref<1x125x80xi32, #tpu.memory_space<hbm>>
      %dma_wait3A_99 = tpu.memref_squeeze %dma_wait3A_98 : memref<1x125x80xi32, #tpu.memory_space<hbm>> -> memref<125x80xi32, #tpu.memory_space<hbm>>
      tpu.wait_dma2 semaphore(%run_scoped3A_83 : memref<!tpu.dma_semaphore, #tpu.memory_space<semaphore_mem>>) src(%dma_wait3A_99 : memref<125x80xi32, #tpu.memory_space<hbm>>) dst(%arg6 : memref<125x80xi32, #tpu.memory_space<vmem>>)
      tpu.yield
    }) : () -> ()
    %run_scoped3A = arith.constant 0 : i32
    "tpu.region"() ({
      %run_scoped3A_83 = tpu.sem_alloc : memref<!tpu.dma_semaphore, #tpu.memory_space<semaphore_mem>>
      %dma_start3A_84 = arith.constant 0 : i32
      %dma_start3A_85 = arith.constant 0 : i32
      %dma_start3A_86 = tpu.memref_slice %arg7[%run_scoped3A, %dma_start3A_84, %dma_start3A_85] : memref<2x40x80xi32, #tpu.memory_space<vmem>> -> memref<1x40x80xi32, #tpu.memory_space<vmem>>
      %dma_start3A_87 = tpu.memref_squeeze %dma_start3A_86 : memref<1x40x80xi32, #tpu.memory_space<vmem>> -> memref<40x80xi32, #tpu.memory_space<vmem>>
      %dma_start3A_88 = arith.constant 0 : i32
      %dma_start3A_89 = arith.constant 0 : i32
      %dma_start3A_90 = tpu.memref_slice %arg3[%add3A, %dma_start3A_88, %dma_start3A_89] : memref<32x160x80xi32, #tpu.memory_space<hbm>> -> memref<1x40x80xi32, #tpu.memory_space<hbm>>
      %dma_start3A_91 = tpu.memref_squeeze %dma_start3A_90 : memref<1x40x80xi32, #tpu.memory_space<hbm>> -> memref<40x80xi32, #tpu.memory_space<hbm>>
      %dma_start3A_92 = arith.constant 0 : i32
      %dma_start3A_93 = arith.constant 0 : i32
      %dma_start3A_94 = tpu.memref_slice %arg7[%run_scoped3A, %dma_start3A_92, %dma_start3A_93] : memref<2x40x80xi32, #tpu.memory_space<vmem>> -> memref<1x40x80xi32, #tpu.memory_space<vmem>>
      %dma_start3A_95 = tpu.memref_squeeze %dma_start3A_94 : memref<1x40x80xi32, #tpu.memory_space<vmem>> -> memref<40x80xi32, #tpu.memory_space<vmem>>
      %dma_start3A_96 = arith.constant 0 : i32
      %dma_start3A_97 = arith.constant 0 : i32
      %dma_start3A_98 = tpu.memref_slice %arg3[%add3A, %dma_start3A_96, %dma_start3A_97] : memref<32x160x80xi32, #tpu.memory_space<hbm>> -> memref<1x40x80xi32, #tpu.memory_space<hbm>>
      %dma_start3A_99 = tpu.memref_squeeze %dma_start3A_98 : memref<1x40x80xi32, #tpu.memory_space<hbm>> -> memref<40x80xi32, #tpu.memory_space<hbm>>
      tpu.enqueue_dma source(%dma_start3A_99 : memref<40x80xi32, #tpu.memory_space<hbm>>) target(%dma_start3A_95 : memref<40x80xi32, #tpu.memory_space<vmem>>) target_semaphore(%run_scoped3A_83 : memref<!tpu.dma_semaphore, #tpu.memory_space<semaphore_mem>>)
      %dma_wait3A_100 = arith.constant 0 : i32
      %dma_wait3A_101 = arith.constant 0 : i32
      %dma_wait3A_102 = tpu.memref_slice %arg7[%run_scoped3A, %dma_wait3A_100, %dma_wait3A_101] : memref<2x40x80xi32, #tpu.memory_space<vmem>> -> memref<1x40x80xi32, #tpu.memory_space<vmem>>
      %dma_wait3A_103 = tpu.memref_squeeze %dma_wait3A_102 : memref<1x40x80xi32, #tpu.memory_space<vmem>> -> memref<40x80xi32, #tpu.memory_space<vmem>>
      %dma_wait3A_104 = arith.constant 0 : i32
      %dma_wait3A_105 = arith.constant 0 : i32
      %dma_wait3A_106 = tpu.memref_slice %arg3[%add3A, %dma_wait3A_104, %dma_wait3A_105] : memref<32x160x80xi32, #tpu.memory_space<hbm>> -> memref<1x40x80xi32, #tpu.memory_space<hbm>>
      %dma_wait3A_107 = tpu.memref_squeeze %dma_wait3A_106 : memref<1x40x80xi32, #tpu.memory_space<hbm>> -> memref<40x80xi32, #tpu.memory_space<hbm>>
      %dma_wait3A_108 = arith.constant 0 : i32
      %dma_wait3A_109 = arith.constant 0 : i32
      %dma_wait3A_110 = tpu.memref_slice %arg7[%run_scoped3A, %dma_wait3A_108, %dma_wait3A_109] : memref<2x40x80xi32, #tpu.memory_space<vmem>> -> memref<1x40x80xi32, #tpu.memory_space<vmem>>
      %dma_wait3A_111 = tpu.memref_squeeze %dma_wait3A_110 : memref<1x40x80xi32, #tpu.memory_space<vmem>> -> memref<40x80xi32, #tpu.memory_space<vmem>>
      %dma_wait3A_112 = arith.constant 0 : i32
      %dma_wait3A_113 = arith.constant 0 : i32
      %dma_wait3A_114 = tpu.memref_slice %arg3[%add3A, %dma_wait3A_112, %dma_wait3A_113] : memref<32x160x80xi32, #tpu.memory_space<hbm>> -> memref<1x40x80xi32, #tpu.memory_space<hbm>>
      %dma_wait3A_115 = tpu.memref_squeeze %dma_wait3A_114 : memref<1x40x80xi32, #tpu.memory_space<hbm>> -> memref<40x80xi32, #tpu.memory_space<hbm>>
      tpu.wait_dma2 semaphore(%run_scoped3A_83 : memref<!tpu.dma_semaphore, #tpu.memory_space<semaphore_mem>>) src(%dma_wait3A_115 : memref<40x80xi32, #tpu.memory_space<hbm>>) dst(%dma_wait3A_111 : memref<40x80xi32, #tpu.memory_space<vmem>>)
      tpu.yield
    }) : () -> ()
    %barrier3A = arith.constant 0 : index
    tpu.barrier barrier_id(%barrier3A)
    %rem3A = arith.constant 0 : i32
    %rem3A_21 = arith.constant 2 : i32
    %rem3A_22 = arith.remsi %rem3A, %rem3A_21 : i32
    %rem3A_23 = arith.constant 0 : i32
    %rem3A_24 = arith.constant 40 : i32
    %rem3A_25 = arith.remsi %rem3A_23, %rem3A_24 : i32
    %dma_start3A = arith.constant 0 : i32
    %dma_start3A_26 = tpu.memref_slice %arg7[%rem3A_22, %rem3A_25, %dma_start3A] : memref<2x40x80xi32, #tpu.memory_space<vmem>> -> memref<1x1x80xi32, #tpu.memory_space<vmem>>
    %dma_start3A_27 = tpu.memref_squeeze %dma_start3A_26 : memref<1x1x80xi32, #tpu.memory_space<vmem>> -> memref<80xi32, #tpu.memory_space<vmem>>
    %dma_start3A_28 = arith.constant 0 : i32
    %dma_start3A_29 = arith.constant 0 : i32
    %dma_start3A_30 = tpu.memref_slice %arg2[%dma_start3A_28, %dma_start3A_29] : memref<10000x128xf32, #tpu.memory_space<hbm>> -> memref<10000x128xf32, #tpu.memory_space<hbm>>
    tpu.enqueue_indirect_dma source(%dma_start3A_30 : memref<10000x128xf32, #tpu.memory_space<hbm>>) target(%arg8 : memref<80x128xf32, #tpu.memory_space<vmem>>) offsets(%dma_start3A_27 : memref<80xi32, #tpu.memory_space<vmem>>) semaphore(%arg11 : memref<!tpu.dma_semaphore, #tpu.memory_space<semaphore_mem>>)
    %rem3A_31 = arith.constant 0 : i32
    %rem3A_32 = arith.constant 2 : i32
    %rem3A_33 = arith.remsi %rem3A_31, %rem3A_32 : i32
    %rem3A_34 = arith.constant 1 : i32
    %rem3A_35 = arith.constant 40 : i32
    %rem3A_36 = arith.remsi %rem3A_34, %rem3A_35 : i32
    %dma_start3A_37 = arith.constant 0 : i32
    %dma_start3A_38 = tpu.memref_slice %arg7[%rem3A_33, %rem3A_36, %dma_start3A_37] : memref<2x40x80xi32, #tpu.memory_space<vmem>> -> memref<1x1x80xi32, #tpu.memory_space<vmem>>
    %dma_start3A_39 = tpu.memref_squeeze %dma_start3A_38 : memref<1x1x80xi32, #tpu.memory_space<vmem>> -> memref<80xi32, #tpu.memory_space<vmem>>
    %dma_start3A_40 = arith.constant 0 : i32
    %dma_start3A_41 = arith.constant 0 : i32
    %dma_start3A_42 = tpu.memref_slice %arg2[%dma_start3A_40, %dma_start3A_41] : memref<10000x128xf32, #tpu.memory_space<hbm>> -> memref<10000x128xf32, #tpu.memory_space<hbm>>
    tpu.enqueue_indirect_dma source(%dma_start3A_42 : memref<10000x128xf32, #tpu.memory_space<hbm>>) target(%arg9 : memref<80x128xf32, #tpu.memory_space<vmem>>) offsets(%dma_start3A_39 : memref<80xi32, #tpu.memory_space<vmem>>) semaphore(%arg12 : memref<!tpu.dma_semaphore, #tpu.memory_space<semaphore_mem>>)
    %scan3A_43 = arith.constant 0 : i32
    %scan3A_44 = arith.constant 62 : i32
    %scan3A_45 = arith.addi %scan3A_43, %scan3A_44 : i32
    %scan3A_46 = arith.constant 1 : i32
    scf.for %scan3A_83 = %scan3A_43 to %scan3A_45 step %scan3A_46  : i32 {
      %mul3A_84 = arith.constant 2 : i32
      %mul3A_85 = arith.muli %scan3A_83, %mul3A_84 : i32
      %add3A_86 = arith.constant 0 : i32
      %add3A_87 = arith.addi %add3A_86, %mul3A_85 : i32
      %add3A_88 = arith.constant 2 : i32
      %add3A_89 = arith.addi %add3A_87, %add3A_88 : i32
      %rem3A_90 = arith.constant 40 : i32
      %rem3A_91 = arith.remsi %add3A_89, %rem3A_90 : i32
      %eq3A = arith.constant 0 : i32
      %eq3A_92 = arith.cmpi eq, %rem3A_91, %eq3A : i32
      %convert_element_type3A = arith.extui %eq3A_92 : i1 to i32
      %cond3A = arith.constant 0 : i32
      %cond3A_93 = arith.cmpi ne, %convert_element_type3A, %cond3A : i32
      scf.if %cond3A_93 {
        %add3A_179 = arith.constant 2 : i32
        %add3A_180 = arith.addi %add3A_87, %add3A_179 : i32
        %multiple_of3A = tpu.assume_multiple %add3A_180, 40 : i32
        %add3A_181 = arith.constant 2 : i32
        %add3A_182 = arith.addi %add3A_87, %add3A_181 : i32
        %jit3A_183 = arith.constant 40 : i32
        %div3A_184 = arith.divsi %add3A_182, %jit3A_183 : i32
        %sign3A_185 = arith.constant 0 : i32
        %sign3A_186 = arith.cmpi sgt, %add3A_182, %sign3A_185 : i32
        %sign3A_187 = arith.extui %sign3A_186 : i1 to i32
        %sign3A_188 = arith.constant 0 : i32
        %sign3A_189 = arith.cmpi slt, %add3A_182, %sign3A_188 : i32
        %sign3A_190 = arith.extui %sign3A_189 : i1 to i32
        %sign3A_191 = arith.subi %sign3A_187, %sign3A_190 : i32
        %sign3A_192 = arith.constant 0 : i32
        %sign3A_193 = arith.cmpi sgt, %jit3A_183, %sign3A_192 : i32
        %sign3A_194 = arith.extui %sign3A_193 : i1 to i32
        %sign3A_195 = arith.constant 0 : i32
        %sign3A_196 = arith.cmpi slt, %jit3A_183, %sign3A_195 : i32
        %sign3A_197 = arith.extui %sign3A_196 : i1 to i32
        %sign3A_198 = arith.subi %sign3A_194, %sign3A_197 : i32
        %ne3A_199 = arith.cmpi ne, %sign3A_191, %sign3A_198 : i32
        %rem3A_200 = arith.remsi %add3A_182, %jit3A_183 : i32
        %ne3A_201 = arith.constant 0 : i32
        %ne3A_202 = arith.cmpi ne, %rem3A_200, %ne3A_201 : i32
        %and3A_203 = arith.andi %ne3A_199, %ne3A_202 : i1
        %sub3A_204 = arith.constant 1 : i32
        %sub3A_205 = arith.subi %div3A_184, %sub3A_204 : i32
        %select_n3A_206 = arith.select %and3A_203, %sub3A_205, %div3A_184 : i32
        %rem3A_207 = arith.constant 2 : i32
        %rem3A_208 = arith.remsi %select_n3A_206, %rem3A_207 : i32
        "tpu.region"() ({
          %run_scoped3A_209 = tpu.sem_alloc : memref<!tpu.dma_semaphore, #tpu.memory_space<semaphore_mem>>
          %dma_start3A_210 = arith.constant 0 : i32
          %dma_start3A_211 = arith.constant 0 : i32
          %dma_start3A_212 = tpu.memref_slice %arg7[%rem3A_208, %dma_start3A_210, %dma_start3A_211] : memref<2x40x80xi32, #tpu.memory_space<vmem>> -> memref<1x40x80xi32, #tpu.memory_space<vmem>>
          %dma_start3A_213 = tpu.memref_squeeze %dma_start3A_212 : memref<1x40x80xi32, #tpu.memory_space<vmem>> -> memref<40x80xi32, #tpu.memory_space<vmem>>
          %dma_start3A_214 = arith.constant 0 : i32
          %dma_start3A_215 = tpu.memref_slice %arg3[%add3A, %multiple_of3A, %dma_start3A_214] : memref<32x160x80xi32, #tpu.memory_space<hbm>> -> memref<1x40x80xi32, #tpu.memory_space<hbm>>
          %dma_start3A_216 = tpu.memref_squeeze %dma_start3A_215 : memref<1x40x80xi32, #tpu.memory_space<hbm>> -> memref<40x80xi32, #tpu.memory_space<hbm>>
          %dma_start3A_217 = arith.constant 0 : i32
          %dma_start3A_218 = arith.constant 0 : i32
          %dma_start3A_219 = tpu.memref_slice %arg7[%rem3A_208, %dma_start3A_217, %dma_start3A_218] : memref<2x40x80xi32, #tpu.memory_space<vmem>> -> memref<1x40x80xi32, #tpu.memory_space<vmem>>
          %dma_start3A_220 = tpu.memref_squeeze %dma_start3A_219 : memref<1x40x80xi32, #tpu.memory_space<vmem>> -> memref<40x80xi32, #tpu.memory_space<vmem>>
          %dma_start3A_221 = arith.constant 0 : i32
          %dma_start3A_222 = tpu.memref_slice %arg3[%add3A, %multiple_of3A, %dma_start3A_221] : memref<32x160x80xi32, #tpu.memory_space<hbm>> -> memref<1x40x80xi32, #tpu.memory_space<hbm>>
          %dma_start3A_223 = tpu.memref_squeeze %dma_start3A_222 : memref<1x40x80xi32, #tpu.memory_space<hbm>> -> memref<40x80xi32, #tpu.memory_space<hbm>>
          tpu.enqueue_dma source(%dma_start3A_223 : memref<40x80xi32, #tpu.memory_space<hbm>>) target(%dma_start3A_220 : memref<40x80xi32, #tpu.memory_space<vmem>>) target_semaphore(%run_scoped3A_209 : memref<!tpu.dma_semaphore, #tpu.memory_space<semaphore_mem>>)
          %dma_wait3A_224 = arith.constant 0 : i32
          %dma_wait3A_225 = arith.constant 0 : i32
          %dma_wait3A_226 = tpu.memref_slice %arg7[%rem3A_208, %dma_wait3A_224, %dma_wait3A_225] : memref<2x40x80xi32, #tpu.memory_space<vmem>> -> memref<1x40x80xi32, #tpu.memory_space<vmem>>
          %dma_wait3A_227 = tpu.memref_squeeze %dma_wait3A_226 : memref<1x40x80xi32, #tpu.memory_space<vmem>> -> memref<40x80xi32, #tpu.memory_space<vmem>>
          %dma_wait3A_228 = arith.constant 0 : i32
          %dma_wait3A_229 = tpu.memref_slice %arg3[%add3A, %multiple_of3A, %dma_wait3A_228] : memref<32x160x80xi32, #tpu.memory_space<hbm>> -> memref<1x40x80xi32, #tpu.memory_space<hbm>>
          %dma_wait3A_230 = tpu.memref_squeeze %dma_wait3A_229 : memref<1x40x80xi32, #tpu.memory_space<hbm>> -> memref<40x80xi32, #tpu.memory_space<hbm>>
          %dma_wait3A_231 = arith.constant 0 : i32
          %dma_wait3A_232 = arith.constant 0 : i32
          %dma_wait3A_233 = tpu.memref_slice %arg7[%rem3A_208, %dma_wait3A_231, %dma_wait3A_232] : memref<2x40x80xi32, #tpu.memory_space<vmem>> -> memref<1x40x80xi32, #tpu.memory_space<vmem>>
          %dma_wait3A_234 = tpu.memref_squeeze %dma_wait3A_233 : memref<1x40x80xi32, #tpu.memory_space<vmem>> -> memref<40x80xi32, #tpu.memory_space<vmem>>
          %dma_wait3A_235 = arith.constant 0 : i32
          %dma_wait3A_236 = tpu.memref_slice %arg3[%add3A, %multiple_of3A, %dma_wait3A_235] : memref<32x160x80xi32, #tpu.memory_space<hbm>> -> memref<1x40x80xi32, #tpu.memory_space<hbm>>
          %dma_wait3A_237 = tpu.memref_squeeze %dma_wait3A_236 : memref<1x40x80xi32, #tpu.memory_space<hbm>> -> memref<40x80xi32, #tpu.memory_space<hbm>>
          tpu.wait_dma2 semaphore(%run_scoped3A_209 : memref<!tpu.dma_semaphore, #tpu.memory_space<semaphore_mem>>) src(%dma_wait3A_237 : memref<40x80xi32, #tpu.memory_space<hbm>>) dst(%dma_wait3A_234 : memref<40x80xi32, #tpu.memory_space<vmem>>)
          tpu.yield
        }) : () -> ()
      } else {
      }
      %dma_wait3A_94 = arith.constant 0 : i32
      %dma_wait3A_95 = arith.constant 0 : i32
      %dma_wait3A_96 = arith.constant 0 : i32
      %dma_wait3A_97 = tpu.memref_slice %arg7[%dma_wait3A_94, %dma_wait3A_95, %dma_wait3A_96] : memref<2x40x80xi32, #tpu.memory_space<vmem>> -> memref<1x1x80xi32, #tpu.memory_space<vmem>>
      %dma_wait3A_98 = tpu.memref_squeeze %dma_wait3A_97 : memref<1x1x80xi32, #tpu.memory_space<vmem>> -> memref<80xi32, #tpu.memory_space<vmem>>
      %dma_wait3A_99 = arith.constant 0 : i32
      %dma_wait3A_100 = arith.constant 0 : i32
      %dma_wait3A_101 = tpu.memref_slice %arg2[%dma_wait3A_99, %dma_wait3A_100] : memref<10000x128xf32, #tpu.memory_space<hbm>> -> memref<10000x128xf32, #tpu.memory_space<hbm>>
      tpu.wait_indirect_dma semaphore(%arg11 : memref<!tpu.dma_semaphore, #tpu.memory_space<semaphore_mem>>) src(%dma_wait3A_101 : memref<10000x128xf32, #tpu.memory_space<hbm>>) dst(%arg8 : memref<80x128xf32, #tpu.memory_space<vmem>>)
      "tpu.region"() ({
        %run_scoped3A_179 = tpu.sem_alloc : memref<!tpu.dma_semaphore, #tpu.memory_space<semaphore_mem>>
        %dma_start3A_180 = arith.constant 0 : i32
        %dma_start3A_181 = tpu.memref_slice %arg6[%add3A_87, %dma_start3A_180] : memref<125x80xi32, #tpu.memory_space<vmem>> -> memref<1x80xi32, #tpu.memory_space<vmem>>
        %dma_start3A_182 = tpu.memref_squeeze %dma_start3A_181 : memref<1x80xi32, #tpu.memory_space<vmem>> -> memref<80xi32, #tpu.memory_space<vmem>>
        %dma_start3A_183 = arith.constant 0 : i32
        %dma_start3A_184 = arith.constant 0 : i32
        %dma_start3A_185 = tpu.memref_slice %arg10[%dma_start3A_183, %dma_start3A_184] : memref<10000x128xf32, #tpu.memory_space<vmem_shared>> -> memref<10000x128xf32, #tpu.memory_space<vmem_shared>>
        tpu.enqueue_indirect_dma source(%arg8 : memref<80x128xf32, #tpu.memory_space<vmem>>) target(%dma_start3A_185 : memref<10000x128xf32, #tpu.memory_space<vmem_shared>>) offsets(%dma_start3A_182 : memref<80xi32, #tpu.memory_space<vmem>>) semaphore(%run_scoped3A_179 : memref<!tpu.dma_semaphore, #tpu.memory_space<semaphore_mem>>) {add = true}
        %dma_wait3A_186 = arith.constant 0 : i32
        %dma_wait3A_187 = tpu.memref_slice %arg6[%add3A_87, %dma_wait3A_186] : memref<125x80xi32, #tpu.memory_space<vmem>> -> memref<1x80xi32, #tpu.memory_space<vmem>>
        %dma_wait3A_188 = tpu.memref_squeeze %dma_wait3A_187 : memref<1x80xi32, #tpu.memory_space<vmem>> -> memref<80xi32, #tpu.memory_space<vmem>>
        %dma_wait3A_189 = arith.constant 0 : i32
        %dma_wait3A_190 = arith.constant 0 : i32
        %dma_wait3A_191 = tpu.memref_slice %arg10[%dma_wait3A_189, %dma_wait3A_190] : memref<10000x128xf32, #tpu.memory_space<vmem_shared>> -> memref<10000x128xf32, #tpu.memory_space<vmem_shared>>
        tpu.wait_indirect_dma semaphore(%run_scoped3A_179 : memref<!tpu.dma_semaphore, #tpu.memory_space<semaphore_mem>>) src(%arg8 : memref<80x128xf32, #tpu.memory_space<vmem>>) dst(%dma_wait3A_191 : memref<10000x128xf32, #tpu.memory_space<vmem_shared>>)
        tpu.yield
      }) : () -> ()
      %add3A_102 = arith.constant 2 : i32
      %add3A_103 = arith.addi %add3A_87, %add3A_102 : i32
      %jit3A = arith.constant 40 : i32
      %div3A_104 = arith.divsi %add3A_103, %jit3A : i32
      %sign3A = arith.constant 0 : i32
      %sign3A_105 = arith.cmpi sgt, %add3A_103, %sign3A : i32
      %sign3A_106 = arith.extui %sign3A_105 : i1 to i32
      %sign3A_107 = arith.constant 0 : i32
      %sign3A_108 = arith.cmpi slt, %add3A_103, %sign3A_107 : i32
      %sign3A_109 = arith.extui %sign3A_108 : i1 to i32
      %sign3A_110 = arith.subi %sign3A_106, %sign3A_109 : i32
      %sign3A_111 = arith.constant 0 : i32
      %sign3A_112 = arith.cmpi sgt, %jit3A, %sign3A_111 : i32
      %sign3A_113 = arith.extui %sign3A_112 : i1 to i32
      %sign3A_114 = arith.constant 0 : i32
      %sign3A_115 = arith.cmpi slt, %jit3A, %sign3A_114 : i32
      %sign3A_116 = arith.extui %sign3A_115 : i1 to i32
      %sign3A_117 = arith.subi %sign3A_113, %sign3A_116 : i32
      %ne3A = arith.cmpi ne, %sign3A_110, %sign3A_117 : i32
      %rem3A_118 = arith.remsi %add3A_103, %jit3A : i32
      %ne3A_119 = arith.constant 0 : i32
      %ne3A_120 = arith.cmpi ne, %rem3A_118, %ne3A_119 : i32
      %and3A = arith.andi %ne3A, %ne3A_120 : i1
      %sub3A_121 = arith.constant 1 : i32
      %sub3A_122 = arith.subi %div3A_104, %sub3A_121 : i32
      %select_n3A = arith.select %and3A, %sub3A_122, %div3A_104 : i32
      %rem3A_123 = arith.constant 2 : i32
      %rem3A_124 = arith.remsi %select_n3A, %rem3A_123 : i32
      %rem3A_125 = arith.constant 40 : i32
      %rem3A_126 = arith.remsi %add3A_103, %rem3A_125 : i32
      %dma_start3A_127 = arith.constant 0 : i32
      %dma_start3A_128 = tpu.memref_slice %arg7[%rem3A_124, %rem3A_126, %dma_start3A_127] : memref<2x40x80xi32, #tpu.memory_space<vmem>> -> memref<1x1x80xi32, #tpu.memory_space<vmem>>
      %dma_start3A_129 = tpu.memref_squeeze %dma_start3A_128 : memref<1x1x80xi32, #tpu.memory_space<vmem>> -> memref<80xi32, #tpu.memory_space<vmem>>
      %dma_start3A_130 = arith.constant 0 : i32
      %dma_start3A_131 = arith.constant 0 : i32
      %dma_start3A_132 = tpu.memref_slice %arg2[%dma_start3A_130, %dma_start3A_131] : memref<10000x128xf32, #tpu.memory_space<hbm>> -> memref<10000x128xf32, #tpu.memory_space<hbm>>
      tpu.enqueue_indirect_dma source(%dma_start3A_132 : memref<10000x128xf32, #tpu.memory_space<hbm>>) target(%arg8 : memref<80x128xf32, #tpu.memory_space<vmem>>) offsets(%dma_start3A_129 : memref<80xi32, #tpu.memory_space<vmem>>) semaphore(%arg11 : memref<!tpu.dma_semaphore, #tpu.memory_space<semaphore_mem>>)
      %dma_wait3A_133 = arith.constant 0 : i32
      %dma_wait3A_134 = arith.constant 0 : i32
      %dma_wait3A_135 = arith.constant 0 : i32
      %dma_wait3A_136 = tpu.memref_slice %arg7[%dma_wait3A_133, %dma_wait3A_134, %dma_wait3A_135] : memref<2x40x80xi32, #tpu.memory_space<vmem>> -> memref<1x1x80xi32, #tpu.memory_space<vmem>>
      %dma_wait3A_137 = tpu.memref_squeeze %dma_wait3A_136 : memref<1x1x80xi32, #tpu.memory_space<vmem>> -> memref<80xi32, #tpu.memory_space<vmem>>
      %dma_wait3A_138 = arith.constant 0 : i32
      %dma_wait3A_139 = arith.constant 0 : i32
      %dma_wait3A_140 = tpu.memref_slice %arg2[%dma_wait3A_138, %dma_wait3A_139] : memref<10000x128xf32, #tpu.memory_space<hbm>> -> memref<10000x128xf32, #tpu.memory_space<hbm>>
      tpu.wait_indirect_dma semaphore(%arg12 : memref<!tpu.dma_semaphore, #tpu.memory_space<semaphore_mem>>) src(%dma_wait3A_140 : memref<10000x128xf32, #tpu.memory_space<hbm>>) dst(%arg9 : memref<80x128xf32, #tpu.memory_space<vmem>>)
      %add3A_141 = arith.constant 1 : i32
      %add3A_142 = arith.addi %add3A_87, %add3A_141 : i32
      "tpu.region"() ({
        %run_scoped3A_179 = tpu.sem_alloc : memref<!tpu.dma_semaphore, #tpu.memory_space<semaphore_mem>>
        %dma_start3A_180 = arith.constant 0 : i32
        %dma_start3A_181 = tpu.memref_slice %arg6[%add3A_142, %dma_start3A_180] : memref<125x80xi32, #tpu.memory_space<vmem>> -> memref<1x80xi32, #tpu.memory_space<vmem>>
        %dma_start3A_182 = tpu.memref_squeeze %dma_start3A_181 : memref<1x80xi32, #tpu.memory_space<vmem>> -> memref<80xi32, #tpu.memory_space<vmem>>
        %dma_start3A_183 = arith.constant 0 : i32
        %dma_start3A_184 = arith.constant 0 : i32
        %dma_start3A_185 = tpu.memref_slice %arg10[%dma_start3A_183, %dma_start3A_184] : memref<10000x128xf32, #tpu.memory_space<vmem_shared>> -> memref<10000x128xf32, #tpu.memory_space<vmem_shared>>
        tpu.enqueue_indirect_dma source(%arg9 : memref<80x128xf32, #tpu.memory_space<vmem>>) target(%dma_start3A_185 : memref<10000x128xf32, #tpu.memory_space<vmem_shared>>) offsets(%dma_start3A_182 : memref<80xi32, #tpu.memory_space<vmem>>) semaphore(%run_scoped3A_179 : memref<!tpu.dma_semaphore, #tpu.memory_space<semaphore_mem>>) {add = true}
        %dma_wait3A_186 = arith.constant 0 : i32
        %dma_wait3A_187 = tpu.memref_slice %arg6[%add3A_142, %dma_wait3A_186] : memref<125x80xi32, #tpu.memory_space<vmem>> -> memref<1x80xi32, #tpu.memory_space<vmem>>
        %dma_wait3A_188 = tpu.memref_squeeze %dma_wait3A_187 : memref<1x80xi32, #tpu.memory_space<vmem>> -> memref<80xi32, #tpu.memory_space<vmem>>
        %dma_wait3A_189 = arith.constant 0 : i32
        %dma_wait3A_190 = arith.constant 0 : i32
        %dma_wait3A_191 = tpu.memref_slice %arg10[%dma_wait3A_189, %dma_wait3A_190] : memref<10000x128xf32, #tpu.memory_space<vmem_shared>> -> memref<10000x128xf32, #tpu.memory_space<vmem_shared>>
        tpu.wait_indirect_dma semaphore(%run_scoped3A_179 : memref<!tpu.dma_semaphore, #tpu.memory_space<semaphore_mem>>) src(%arg9 : memref<80x128xf32, #tpu.memory_space<vmem>>) dst(%dma_wait3A_191 : memref<10000x128xf32, #tpu.memory_space<vmem_shared>>)
        tpu.yield
      }) : () -> ()
      %add3A_143 = arith.constant 3 : i32
      %add3A_144 = arith.addi %add3A_87, %add3A_143 : i32
      %jit3A_145 = arith.constant 40 : i32
      %div3A_146 = arith.divsi %add3A_144, %jit3A_145 : i32
      %sign3A_147 = arith.constant 0 : i32
      %sign3A_148 = arith.cmpi sgt, %add3A_144, %sign3A_147 : i32
      %sign3A_149 = arith.extui %sign3A_148 : i1 to i32
      %sign3A_150 = arith.constant 0 : i32
      %sign3A_151 = arith.cmpi slt, %add3A_144, %sign3A_150 : i32
      %sign3A_152 = arith.extui %sign3A_151 : i1 to i32
      %sign3A_153 = arith.subi %sign3A_149, %sign3A_152 : i32
      %sign3A_154 = arith.constant 0 : i32
      %sign3A_155 = arith.cmpi sgt, %jit3A_145, %sign3A_154 : i32
      %sign3A_156 = arith.extui %sign3A_155 : i1 to i32
      %sign3A_157 = arith.constant 0 : i32
      %sign3A_158 = arith.cmpi slt, %jit3A_145, %sign3A_157 : i32
      %sign3A_159 = arith.extui %sign3A_158 : i1 to i32
      %sign3A_160 = arith.subi %sign3A_156, %sign3A_159 : i32
      %ne3A_161 = arith.cmpi ne, %sign3A_153, %sign3A_160 : i32
      %rem3A_162 = arith.remsi %add3A_144, %jit3A_145 : i32
      %ne3A_163 = arith.constant 0 : i32
      %ne3A_164 = arith.cmpi ne, %rem3A_162, %ne3A_163 : i32
      %and3A_165 = arith.andi %ne3A_161, %ne3A_164 : i1
      %sub3A_166 = arith.constant 1 : i32
      %sub3A_167 = arith.subi %div3A_146, %sub3A_166 : i32
      %select_n3A_168 = arith.select %and3A_165, %sub3A_167, %div3A_146 : i32
      %rem3A_169 = arith.constant 2 : i32
      %rem3A_170 = arith.remsi %select_n3A_168, %rem3A_169 : i32
      %rem3A_171 = arith.constant 40 : i32
      %rem3A_172 = arith.remsi %add3A_144, %rem3A_171 : i32
      %dma_start3A_173 = arith.constant 0 : i32
      %dma_start3A_174 = tpu.memref_slice %arg7[%rem3A_170, %rem3A_172, %dma_start3A_173] : memref<2x40x80xi32, #tpu.memory_space<vmem>> -> memref<1x1x80xi32, #tpu.memory_space<vmem>>
      %dma_start3A_175 = tpu.memref_squeeze %dma_start3A_174 : memref<1x1x80xi32, #tpu.memory_space<vmem>> -> memref<80xi32, #tpu.memory_space<vmem>>
      %dma_start3A_176 = arith.constant 0 : i32
      %dma_start3A_177 = arith.constant 0 : i32
      %dma_start3A_178 = tpu.memref_slice %arg2[%dma_start3A_176, %dma_start3A_177] : memref<10000x128xf32, #tpu.memory_space<hbm>> -> memref<10000x128xf32, #tpu.memory_space<hbm>>
      tpu.enqueue_indirect_dma source(%dma_start3A_178 : memref<10000x128xf32, #tpu.memory_space<hbm>>) target(%arg9 : memref<80x128xf32, #tpu.memory_space<vmem>>) offsets(%dma_start3A_175 : memref<80xi32, #tpu.memory_space<vmem>>) semaphore(%arg12 : memref<!tpu.dma_semaphore, #tpu.memory_space<semaphore_mem>>)
    }
    %scan3A_47 = arith.constant 62 : i32
    %dma_wait3A = arith.constant 0 : i32
    %dma_wait3A_48 = arith.constant 0 : i32
    %dma_wait3A_49 = arith.constant 0 : i32
    %dma_wait3A_50 = tpu.memref_slice %arg7[%dma_wait3A, %dma_wait3A_48, %dma_wait3A_49] : memref<2x40x80xi32, #tpu.memory_space<vmem>> -> memref<1x1x80xi32, #tpu.memory_space<vmem>>
    %dma_wait3A_51 = tpu.memref_squeeze %dma_wait3A_50 : memref<1x1x80xi32, #tpu.memory_space<vmem>> -> memref<80xi32, #tpu.memory_space<vmem>>
    %dma_wait3A_52 = arith.constant 0 : i32
    %dma_wait3A_53 = arith.constant 0 : i32
    %dma_wait3A_54 = tpu.memref_slice %arg2[%dma_wait3A_52, %dma_wait3A_53] : memref<10000x128xf32, #tpu.memory_space<hbm>> -> memref<10000x128xf32, #tpu.memory_space<hbm>>
    tpu.wait_indirect_dma semaphore(%arg11 : memref<!tpu.dma_semaphore, #tpu.memory_space<semaphore_mem>>) src(%dma_wait3A_54 : memref<10000x128xf32, #tpu.memory_space<hbm>>) dst(%arg8 : memref<80x128xf32, #tpu.memory_space<vmem>>)
    %run_scoped3A_55 = arith.constant 124 : i32
    "tpu.region"() ({
      %run_scoped3A_83 = tpu.sem_alloc : memref<!tpu.dma_semaphore, #tpu.memory_space<semaphore_mem>>
      %dma_start3A_84 = arith.constant 0 : i32
      %dma_start3A_85 = tpu.memref_slice %arg6[%run_scoped3A_55, %dma_start3A_84] : memref<125x80xi32, #tpu.memory_space<vmem>> -> memref<1x80xi32, #tpu.memory_space<vmem>>
      %dma_start3A_86 = tpu.memref_squeeze %dma_start3A_85 : memref<1x80xi32, #tpu.memory_space<vmem>> -> memref<80xi32, #tpu.memory_space<vmem>>
      %dma_start3A_87 = arith.constant 0 : i32
      %dma_start3A_88 = arith.constant 0 : i32
      %dma_start3A_89 = tpu.memref_slice %arg10[%dma_start3A_87, %dma_start3A_88] : memref<10000x128xf32, #tpu.memory_space<vmem_shared>> -> memref<10000x128xf32, #tpu.memory_space<vmem_shared>>
      tpu.enqueue_indirect_dma source(%arg8 : memref<80x128xf32, #tpu.memory_space<vmem>>) target(%dma_start3A_89 : memref<10000x128xf32, #tpu.memory_space<vmem_shared>>) offsets(%dma_start3A_86 : memref<80xi32, #tpu.memory_space<vmem>>) semaphore(%run_scoped3A_83 : memref<!tpu.dma_semaphore, #tpu.memory_space<semaphore_mem>>) {add = true}
      %dma_wait3A_90 = arith.constant 0 : i32
      %dma_wait3A_91 = tpu.memref_slice %arg6[%run_scoped3A_55, %dma_wait3A_90] : memref<125x80xi32, #tpu.memory_space<vmem>> -> memref<1x80xi32, #tpu.memory_space<vmem>>
      %dma_wait3A_92 = tpu.memref_squeeze %dma_wait3A_91 : memref<1x80xi32, #tpu.memory_space<vmem>> -> memref<80xi32, #tpu.memory_space<vmem>>
      %dma_wait3A_93 = arith.constant 0 : i32
      %dma_wait3A_94 = arith.constant 0 : i32
      %dma_wait3A_95 = tpu.memref_slice %arg10[%dma_wait3A_93, %dma_wait3A_94] : memref<10000x128xf32, #tpu.memory_space<vmem_shared>> -> memref<10000x128xf32, #tpu.memory_space<vmem_shared>>
      tpu.wait_indirect_dma semaphore(%run_scoped3A_83 : memref<!tpu.dma_semaphore, #tpu.memory_space<semaphore_mem>>) src(%arg8 : memref<80x128xf32, #tpu.memory_space<vmem>>) dst(%dma_wait3A_95 : memref<10000x128xf32, #tpu.memory_space<vmem_shared>>)
      tpu.yield
    }) : () -> ()
    %dma_wait3A_56 = arith.constant 0 : i32
    %dma_wait3A_57 = arith.constant 0 : i32
    %dma_wait3A_58 = arith.constant 0 : i32
    %dma_wait3A_59 = tpu.memref_slice %arg7[%dma_wait3A_56, %dma_wait3A_57, %dma_wait3A_58] : memref<2x40x80xi32, #tpu.memory_space<vmem>> -> memref<1x1x80xi32, #tpu.memory_space<vmem>>
    %dma_wait3A_60 = tpu.memref_squeeze %dma_wait3A_59 : memref<1x1x80xi32, #tpu.memory_space<vmem>> -> memref<80xi32, #tpu.memory_space<vmem>>
    %dma_wait3A_61 = arith.constant 0 : i32
    %dma_wait3A_62 = arith.constant 0 : i32
    %dma_wait3A_63 = tpu.memref_slice %arg2[%dma_wait3A_61, %dma_wait3A_62] : memref<10000x128xf32, #tpu.memory_space<hbm>> -> memref<10000x128xf32, #tpu.memory_space<hbm>>
    tpu.wait_indirect_dma semaphore(%arg12 : memref<!tpu.dma_semaphore, #tpu.memory_space<semaphore_mem>>) src(%dma_wait3A_63 : memref<10000x128xf32, #tpu.memory_space<hbm>>) dst(%arg9 : memref<80x128xf32, #tpu.memory_space<vmem>>)
    %barrier3A_64 = arith.constant 0 : index
    tpu.barrier barrier_id(%barrier3A_64)
    %sub3A_65 = arith.constant 125 : i32
    %sub3A_66 = arith.subi %sub3A_65, %arg1 : i32
    %sub3A_67 = arith.constant 16 : i32
    %sub3A_68 = arith.constant 1 : i32
    %sub3A_69 = arith.subi %sub3A_67, %sub3A_68 : i32
    %add3A_70 = arith.addi %sub3A_66, %sub3A_69 : i32
    %div3A_71 = arith.constant 16 : i32
    %div3A_72 = arith.divsi %add3A_70, %div3A_71 : i32
    %while3A_73 = arith.constant 16 : i32
    %while3A_74 = arith.constant 0 : i32
    %while3A_75 = arith.subi %div3A_72, %while3A_74 : i32
    %while3A_76 = arith.addi %while3A_74, %while3A_75 : i32
    %while3A_77 = arith.constant 1 : i32
    %while3A_78 = arith.divsi %while3A_75, %while3A_77 : i32
    %while3A_79 = arith.muli %while3A_78, %while3A_77 : i32
    %while3A_80 = arith.addi %while3A_74, %while3A_79 : i32
    %while3A_81 = arith.constant 1 : i32
    scf.for %while3A_83 = %while3A_74 to %while3A_80 step %while3A_81  : i32 {
      %mul3A_84 = arith.muli %while3A_83, %while3A_73 : i32
      %add3A_85 = arith.addi %arg1, %mul3A_84 : i32
      %mul3A_86 = arith.constant 80 : i32
      %mul3A_87 = arith.muli %add3A_85, %mul3A_86 : i32
      %mul3A_88 = arith.constant 10000 : i32
      %mul3A_89 = arith.muli %arg0, %mul3A_88 : i32
      %mul3A_90 = arith.constant 80 : i32
      %mul3A_91 = arith.muli %add3A_85, %mul3A_90 : i32
      %add3A_92 = arith.addi %mul3A_89, %mul3A_91 : i32
      "tpu.region"() ({
        %run_scoped3A_93 = tpu.sem_alloc : memref<!tpu.dma_semaphore, #tpu.memory_space<semaphore_mem>>
        %dma_start3A_94 = arith.constant 0 : i32
        %dma_start3A_95 = tpu.memref_slice %arg5[%add3A_92, %dma_start3A_94] : memref<20000x128xf32, #tpu.memory_space<hbm>> -> memref<80x128xf32, #tpu.memory_space<hbm>>
        %dma_start3A_96 = arith.constant 0 : i32
        %dma_start3A_97 = tpu.memref_slice %arg10[%mul3A_87, %dma_start3A_96] : memref<10000x128xf32, #tpu.memory_space<vmem_shared>> -> memref<80x128xf32, #tpu.memory_space<vmem_shared>>
        tpu.enqueue_dma source(%dma_start3A_97 : memref<80x128xf32, #tpu.memory_space<vmem_shared>>) target(%dma_start3A_95 : memref<80x128xf32, #tpu.memory_space<hbm>>) target_semaphore(%run_scoped3A_93 : memref<!tpu.dma_semaphore, #tpu.memory_space<semaphore_mem>>)
        %dma_wait3A_98 = arith.constant 0 : i32
        %dma_wait3A_99 = tpu.memref_slice %arg5[%add3A_92, %dma_wait3A_98] : memref<20000x128xf32, #tpu.memory_space<hbm>> -> memref<80x128xf32, #tpu.memory_space<hbm>>
        %dma_wait3A_100 = arith.constant 0 : i32
        %dma_wait3A_101 = tpu.memref_slice %arg10[%mul3A_87, %dma_wait3A_100] : memref<10000x128xf32, #tpu.memory_space<vmem_shared>> -> memref<80x128xf32, #tpu.memory_space<vmem_shared>>
        tpu.wait_dma2 semaphore(%run_scoped3A_93 : memref<!tpu.dma_semaphore, #tpu.memory_space<semaphore_mem>>) src(%dma_wait3A_101 : memref<80x128xf32, #tpu.memory_space<vmem_shared>>) dst(%dma_wait3A_99 : memref<80x128xf32, #tpu.memory_space<hbm>>)
        tpu.yield
      }) : () -> ()
    }
    %while3A_82 = arith.constant 1 : i32
    scf.for %while3A_83 = %while3A_80 to %while3A_76 step %while3A_82  : i32 {
      %mul3A_84 = arith.muli %while3A_83, %while3A_73 : i32
      %add3A_85 = arith.addi %arg1, %mul3A_84 : i32
      %mul3A_86 = arith.constant 80 : i32
      %mul3A_87 = arith.muli %add3A_85, %mul3A_86 : i32
      %mul3A_88 = arith.constant 10000 : i32
      %mul3A_89 = arith.muli %arg0, %mul3A_88 : i32
      %mul3A_90 = arith.constant 80 : i32
      %mul3A_91 = arith.muli %add3A_85, %mul3A_90 : i32
      %add3A_92 = arith.addi %mul3A_89, %mul3A_91 : i32
      "tpu.region"() ({
        %run_scoped3A_93 = tpu.sem_alloc : memref<!tpu.dma_semaphore, #tpu.memory_space<semaphore_mem>>
        %dma_start3A_94 = arith.constant 0 : i32
        %dma_start3A_95 = tpu.memref_slice %arg5[%add3A_92, %dma_start3A_94] : memref<20000x128xf32, #tpu.memory_space<hbm>> -> memref<80x128xf32, #tpu.memory_space<hbm>>
        %dma_start3A_96 = arith.constant 0 : i32
        %dma_start3A_97 = tpu.memref_slice %arg10[%mul3A_87, %dma_start3A_96] : memref<10000x128xf32, #tpu.memory_space<vmem_shared>> -> memref<80x128xf32, #tpu.memory_space<vmem_shared>>
        tpu.enqueue_dma source(%dma_start3A_97 : memref<80x128xf32, #tpu.memory_space<vmem_shared>>) target(%dma_start3A_95 : memref<80x128xf32, #tpu.memory_space<hbm>>) target_semaphore(%run_scoped3A_93 : memref<!tpu.dma_semaphore, #tpu.memory_space<semaphore_mem>>)
        %dma_wait3A_98 = arith.constant 0 : i32
        %dma_wait3A_99 = tpu.memref_slice %arg5[%add3A_92, %dma_wait3A_98] : memref<20000x128xf32, #tpu.memory_space<hbm>> -> memref<80x128xf32, #tpu.memory_space<hbm>>
        %dma_wait3A_100 = arith.constant 0 : i32
        %dma_wait3A_101 = tpu.memref_slice %arg10[%mul3A_87, %dma_wait3A_100] : memref<10000x128xf32, #tpu.memory_space<vmem_shared>> -> memref<80x128xf32, #tpu.memory_space<vmem_shared>>
        tpu.wait_dma2 semaphore(%run_scoped3A_93 : memref<!tpu.dma_semaphore, #tpu.memory_space<semaphore_mem>>) src(%dma_wait3A_101 : memref<80x128xf32, #tpu.memory_space<vmem_shared>>) dst(%dma_wait3A_99 : memref<80x128xf32, #tpu.memory_space<hbm>>)
        tpu.yield
      }) : () -> ()
    }
    return
  }
}

#map = affine_map<(d0, d1) -> (0, 0)>
#map1 = affine_map<(d0, d1) -> (0, 0, 0)>
module attributes {stable_mosaic.version = 14 : i64} {
  func.func @k(%arg0: i32, %arg1: i32, %arg2: memref<10000x128xf32, #tpu.memory_space<hbm>>, %arg3: memref<32x160x80xi32, #tpu.memory_space<hbm>>, %arg4: memref<32x125x80xi32, #tpu.memory_space<hbm>>, %arg5: memref<20000x128xf32, #tpu.memory_space<hbm>>, %arg6: memref<125x80xi32, #tpu.memory_space<vmem>>, %arg7: memref<2x40x80xi32, #tpu.memory_space<vmem>>, %arg8: memref<80x128xf32, #tpu.memory_space<vmem>>, %arg9: memref<80x128xf32, #tpu.memory_space<vmem>>, %arg10: memref<10000x128xf32, #tpu.memory_space<vmem_shared>>, %arg11: memref<!tpu.dma_semaphore, #tpu.memory_space<semaphore_mem>>, %arg12: memref<!tpu.dma_semaphore, #tpu.memory_space<semaphore_mem>>) attributes {dimension_semantics = [#tpu.dimension_semantics<core_parallel>, #tpu.dimension_semantics<subcore_parallel>], iteration_bounds = array<i64: 2, 16>, scalar_prefetch = 0 : i64, scratch_operands = 7 : i64, tpu.core_type = #tpu.core_type<sc_vector_subcore>, window_params = [{transform_indices = #map}, {transform_indices = #map1}, {transform_indices = #map1}, {transform_indices = #map}]} {
    %mul3A = arith.constant 16 : i32
    %mul3A_0 = arith.muli %arg0, %mul3A : i32
    %add3A = arith.addi %mul3A_0, %arg1 : i32
    %broadcast_in_dim3A = arith.constant 0.000000e+00 : f32
    %broadcast_in_dim3A_1 = vector.broadcast %broadcast_in_dim3A : f32 to vector<16xf32>
    %scan3A = arith.constant 0 : i32
    %scan3A_2 = arith.constant 80 : i32
    %scan3A_3 = arith.addi %scan3A, %scan3A_2 : i32
    %scan3A_4 = arith.constant 1 : i32
    scf.for %scan3A_83 = %scan3A to %scan3A_3 step %scan3A_4  : i32 {
      %mul3A_84 = arith.constant 1 : i32
      %mul3A_85 = arith.muli %scan3A_83, %mul3A_84 : i32
      %add3A_86 = arith.constant 0 : i32
      %add3A_87 = arith.addi %add3A_86, %mul3A_85 : i32
      %scan3A_88 = arith.constant 0 : i32
      %scan3A_89 = arith.constant 8 : i32
      %scan3A_90 = arith.addi %scan3A_88, %scan3A_89 : i32
      %scan3A_91 = arith.constant 1 : i32
      scf.for %scan3A_93 = %scan3A_88 to %scan3A_90 step %scan3A_91  : i32 {
        %mul3A_94 = arith.constant 16 : i32
        %mul3A_95 = arith.muli %scan3A_93, %mul3A_94 : i32
        %add3A_96 = arith.constant 0 : i32
        %add3A_97 = arith.addi %add3A_96, %mul3A_95 : i32
        %swap3A = arith.index_cast %add3A_87 : i32 to index
        %swap3A_98 = arith.index_cast %add3A_97 : i32 to index
        %swap3A_99 = tpu.vector_load %arg8[%swap3A, %swap3A_98] {strides = array<i32>} : memref<80x128xf32, #tpu.memory_space<vmem>>, vector<1x16xf32>,
        %swap3A_100 = vector.shape_cast %swap3A_99 : vector<1x16xf32> to vector<16xf32>
        %swap3A_101 = vector.shape_cast %broadcast_in_dim3A_1 : vector<16xf32> to vector<1x16xf32>
        tpu.vector_store %arg8[%swap3A, %swap3A_98], %swap3A_101 {strides = array<i32>} : memref<80x128xf32, #tpu.memory_space<vmem>>, vector<1x16xf32>,
      }
      %scan3A_92 = arith.constant 8 : i32
    }
    %scan3A_5 = arith.constant 80 : i32
    %sub3A = arith.constant 125 : i32
    %sub3A_6 = arith.subi %sub3A, %arg1 : i32
    %sub3A_7 = arith.constant 16 : i32
    %sub3A_8 = arith.constant 1 : i32
    %sub3A_9 = arith.subi %sub3A_7, %sub3A_8 : i32
    %add3A_10 = arith.addi %sub3A_6, %sub3A_9 : i32
    %div3A = arith.constant 16 : i32
    %div3A_11 = arith.divsi %add3A_10, %div3A : i32
    %while3A = arith.constant 16 : i32
    %while3A_12 = arith.constant 0 : i32
    %while3A_13 = arith.subi %div3A_11, %while3A_12 : i32
    %while3A_14 = arith.addi %while3A_12, %while3A_13 : i32
    %while3A_15 = arith.constant 1 : i32
    %while3A_16 = arith.divsi %while3A_13, %while3A_15 : i32
    %while3A_17 = arith.muli %while3A_16, %while3A_15 : i32
    %while3A_18 = arith.addi %while3A_12, %while3A_17 : i32
    %while3A_19 = arith.constant 1 : i32
    scf.for %while3A_83 = %while3A_12 to %while3A_18 step %while3A_19  : i32 {
      %mul3A_84 = arith.muli %while3A_83, %while3A : i32
      %add3A_85 = arith.addi %arg1, %mul3A_84 : i32
      %mul3A_86 = arith.constant 80 : i32
      %mul3A_87 = arith.muli %add3A_85, %mul3A_86 : i32
      "tpu.region"() ({
        %run_scoped3A_88 = tpu.sem_alloc : memref<!tpu.dma_semaphore, #tpu.memory_space<semaphore_mem>>
        %dma_start3A_89 = arith.constant 0 : i32
        %dma_start3A_90 = tpu.memref_slice %arg10[%mul3A_87, %dma_start3A_89] : memref<10000x128xf32, #tpu.memory_space<vmem_shared>> -> memref<80x128xf32, #tpu.memory_space<vmem_shared>>
        %dma_start3A_91 = arith.constant 0 : i32
        %dma_start3A_92 = tpu.memref_slice %arg10[%mul3A_87, %dma_start3A_91] : memref<10000x128xf32, #tpu.memory_space<vmem_shared>> -> memref<80x128xf32, #tpu.memory_space<vmem_shared>>
        tpu.enqueue_dma source(%arg8 : memref<80x128xf32, #tpu.memory_space<vmem>>) target(%dma_start3A_92 : memref<80x128xf32, #tpu.memory_space<vmem_shared>>) target_semaphore(%run_scoped3A_88 : memref<!tpu.dma_semaphore, #tpu.memory_space<semaphore_mem>>)
        %dma_wait3A_93 = arith.constant 0 : i32
        %dma_wait3A_94 = tpu.memref_slice %arg10[%mul3A_87, %dma_wait3A_93] : memref<10000x128xf32, #tpu.memory_space<vmem_shared>> -> memref<80x128xf32, #tpu.memory_space<vmem_shared>>
        %dma_wait3A_95 = arith.constant 0 : i32
        %dma_wait3A_96 = tpu.memref_slice %arg10[%mul3A_87, %dma_wait3A_95] : memref<10000x128xf32, #tpu.memory_space<vmem_shared>> -> memref<80x128xf32, #tpu.memory_space<vmem_shared>>
        tpu.wait_dma2 semaphore(%run_scoped3A_88 : memref<!tpu.dma_semaphore, #tpu.memory_space<semaphore_mem>>) src(%arg8 : memref<80x128xf32, #tpu.memory_space<vmem>>) dst(%dma_wait3A_96 : memref<80x128xf32, #tpu.memory_space<vmem_shared>>)
        tpu.yield
      }) : () -> ()
    }
    %while3A_20 = arith.constant 1 : i32
    scf.for %while3A_83 = %while3A_18 to %while3A_14 step %while3A_20  : i32 {
      %mul3A_84 = arith.muli %while3A_83, %while3A : i32
      %add3A_85 = arith.addi %arg1, %mul3A_84 : i32
      %mul3A_86 = arith.constant 80 : i32
      %mul3A_87 = arith.muli %add3A_85, %mul3A_86 : i32
      "tpu.region"() ({
        %run_scoped3A_88 = tpu.sem_alloc : memref<!tpu.dma_semaphore, #tpu.memory_space<semaphore_mem>>
        %dma_start3A_89 = arith.constant 0 : i32
        %dma_start3A_90 = tpu.memref_slice %arg10[%mul3A_87, %dma_start3A_89] : memref<10000x128xf32, #tpu.memory_space<vmem_shared>> -> memref<80x128xf32, #tpu.memory_space<vmem_shared>>
        %dma_start3A_91 = arith.constant 0 : i32
        %dma_start3A_92 = tpu.memref_slice %arg10[%mul3A_87, %dma_start3A_91] : memref<10000x128xf32, #tpu.memory_space<vmem_shared>> -> memref<80x128xf32, #tpu.memory_space<vmem_shared>>
        tpu.enqueue_dma source(%arg8 : memref<80x128xf32, #tpu.memory_space<vmem>>) target(%dma_start3A_92 : memref<80x128xf32, #tpu.memory_space<vmem_shared>>) target_semaphore(%run_scoped3A_88 : memref<!tpu.dma_semaphore, #tpu.memory_space<semaphore_mem>>)
        %dma_wait3A_93 = arith.constant 0 : i32
        %dma_wait3A_94 = tpu.memref_slice %arg10[%mul3A_87, %dma_wait3A_93] : memref<10000x128xf32, #tpu.memory_space<vmem_shared>> -> memref<80x128xf32, #tpu.memory_space<vmem_shared>>
        %dma_wait3A_95 = arith.constant 0 : i32
        %dma_wait3A_96 = tpu.memref_slice %arg10[%mul3A_87, %dma_wait3A_95] : memref<10000x128xf32, #tpu.memory_space<vmem_shared>> -> memref<80x128xf32, #tpu.memory_space<vmem_shared>>
        tpu.wait_dma2 semaphore(%run_scoped3A_88 : memref<!tpu.dma_semaphore, #tpu.memory_space<semaphore_mem>>) src(%arg8 : memref<80x128xf32, #tpu.memory_space<vmem>>) dst(%dma_wait3A_96 : memref<80x128xf32, #tpu.memory_space<vmem_shared>>)
        tpu.yield
      }) : () -> ()
    }
    "tpu.region"() ({
      %run_scoped3A_83 = tpu.sem_alloc : memref<!tpu.dma_semaphore, #tpu.memory_space<semaphore_mem>>
      %dma_start3A_84 = arith.constant 0 : i32
      %dma_start3A_85 = arith.constant 0 : i32
      %dma_start3A_86 = tpu.memref_slice %arg4[%add3A, %dma_start3A_84, %dma_start3A_85] : memref<32x125x80xi32, #tpu.memory_space<hbm>> -> memref<1x125x80xi32, #tpu.memory_space<hbm>>
      %dma_start3A_87 = tpu.memref_squeeze %dma_start3A_86 : memref<1x125x80xi32, #tpu.memory_space<hbm>> -> memref<125x80xi32, #tpu.memory_space<hbm>>
      %dma_start3A_88 = arith.constant 0 : i32
      %dma_start3A_89 = arith.constant 0 : i32
      %dma_start3A_90 = tpu.memref_slice %arg4[%add3A, %dma_start3A_88, %dma_start3A_89] : memref<32x125x80xi32, #tpu.memory_space<hbm>> -> memref<1x125x80xi32, #tpu.memory_space<hbm>>
      %dma_start3A_91 = tpu.memref_squeeze %dma_start3A_90 : memref<1x125x80xi32, #tpu.memory_space<hbm>> -> memref<125x80xi32, #tpu.memory_space<hbm>>
      tpu.enqueue_dma source(%dma_start3A_91 : memref<125x80xi32, #tpu.memory_space<hbm>>) target(%arg6 : memref<125x80xi32, #tpu.memory_space<vmem>>) target_semaphore(%run_scoped3A_83 : memref<!tpu.dma_semaphore, #tpu.memory_space<semaphore_mem>>)
      %dma_wait3A_92 = arith.constant 0 : i32
      %dma_wait3A_93 = arith.constant 0 : i32
      %dma_wait3A_94 = tpu.memref_slice %arg4[%add3A, %dma_wait3A_92, %dma_wait3A_93] : memref<32x125x80xi32, #tpu.memory_space<hbm>> -> memref<1x125x80xi32, #tpu.memory_space<hbm>>
      %dma_wait3A_95 = tpu.memref_squeeze %dma_wait3A_94 : memref<1x125x80xi32, #tpu.memory_space<hbm>> -> memref<125x80xi32, #tpu.memory_space<hbm>>
      %dma_wait3A_96 = arith.constant 0 : i32
      %dma_wait3A_97 = arith.constant 0 : i32
      %dma_wait3A_98 = tpu.memref_slice %arg4[%add3A, %dma_wait3A_96, %dma_wait3A_97] : memref<32x125x80xi32, #tpu.memory_space<hbm>> -> memref<1x125x80xi32, #tpu.memory_space<hbm>>
      %dma_wait3A_99 = tpu.memref_squeeze %dma_wait3A_98 : memref<1x125x80xi32, #tpu.memory_space<hbm>> -> memref<125x80xi32, #tpu.memory_space<hbm>>
      tpu.wait_dma2 semaphore(%run_scoped3A_83 : memref<!tpu.dma_semaphore, #tpu.memory_space<semaphore_mem>>) src(%dma_wait3A_99 : memref<125x80xi32, #tpu.memory_space<hbm>>) dst(%arg6 : memref<125x80xi32, #tpu.memory_space<vmem>>)
      tpu.yield
    }) : () -> ()
    %run_scoped3A = arith.constant 0 : i32
    "tpu.region"() ({
      %run_scoped3A_83 = tpu.sem_alloc : memref<!tpu.dma_semaphore, #tpu.memory_space<semaphore_mem>>
      %dma_start3A_84 = arith.constant 0 : i32
      %dma_start3A_85 = arith.constant 0 : i32
      %dma_start3A_86 = tpu.memref_slice %arg7[%run_scoped3A, %dma_start3A_84, %dma_start3A_85] : memref<2x40x80xi32, #tpu.memory_space<vmem>> -> memref<1x40x80xi32, #tpu.memory_space<vmem>>
      %dma_start3A_87 = tpu.memref_squeeze %dma_start3A_86 : memref<1x40x80xi32, #tpu.memory_space<vmem>> -> memref<40x80xi32, #tpu.memory_space<vmem>>
      %dma_start3A_88 = arith.constant 0 : i32
      %dma_start3A_89 = arith.constant 0 : i32
      %dma_start3A_90 = tpu.memref_slice %arg3[%add3A, %dma_start3A_88, %dma_start3A_89] : memref<32x160x80xi32, #tpu.memory_space<hbm>> -> memref<1x40x80xi32, #tpu.memory_space<hbm>>
      %dma_start3A_91 = tpu.memref_squeeze %dma_start3A_90 : memref<1x40x80xi32, #tpu.memory_space<hbm>> -> memref<40x80xi32, #tpu.memory_space<hbm>>
      %dma_start3A_92 = arith.constant 0 : i32
      %dma_start3A_93 = arith.constant 0 : i32
      %dma_start3A_94 = tpu.memref_slice %arg7[%run_scoped3A, %dma_start3A_92, %dma_start3A_93] : memref<2x40x80xi32, #tpu.memory_space<vmem>> -> memref<1x40x80xi32, #tpu.memory_space<vmem>>
      %dma_start3A_95 = tpu.memref_squeeze %dma_start3A_94 : memref<1x40x80xi32, #tpu.memory_space<vmem>> -> memref<40x80xi32, #tpu.memory_space<vmem>>
      %dma_start3A_96 = arith.constant 0 : i32
      %dma_start3A_97 = arith.constant 0 : i32
      %dma_start3A_98 = tpu.memref_slice %arg3[%add3A, %dma_start3A_96, %dma_start3A_97] : memref<32x160x80xi32, #tpu.memory_space<hbm>> -> memref<1x40x80xi32, #tpu.memory_space<hbm>>
      %dma_start3A_99 = tpu.memref_squeeze %dma_start3A_98 : memref<1x40x80xi32, #tpu.memory_space<hbm>> -> memref<40x80xi32, #tpu.memory_space<hbm>>
      tpu.enqueue_dma source(%dma_start3A_99 : memref<40x80xi32, #tpu.memory_space<hbm>>) target(%dma_start3A_95 : memref<40x80xi32, #tpu.memory_space<vmem>>) target_semaphore(%run_scoped3A_83 : memref<!tpu.dma_semaphore, #tpu.memory_space<semaphore_mem>>)
      %dma_wait3A_100 = arith.constant 0 : i32
      %dma_wait3A_101 = arith.constant 0 : i32
      %dma_wait3A_102 = tpu.memref_slice %arg7[%run_scoped3A, %dma_wait3A_100, %dma_wait3A_101] : memref<2x40x80xi32, #tpu.memory_space<vmem>> -> memref<1x40x80xi32, #tpu.memory_space<vmem>>
      %dma_wait3A_103 = tpu.memref_squeeze %dma_wait3A_102 : memref<1x40x80xi32, #tpu.memory_space<vmem>> -> memref<40x80xi32, #tpu.memory_space<vmem>>
      %dma_wait3A_104 = arith.constant 0 : i32
      %dma_wait3A_105 = arith.constant 0 : i32
      %dma_wait3A_106 = tpu.memref_slice %arg3[%add3A, %dma_wait3A_104, %dma_wait3A_105] : memref<32x160x80xi32, #tpu.memory_space<hbm>> -> memref<1x40x80xi32, #tpu.memory_space<hbm>>
      %dma_wait3A_107 = tpu.memref_squeeze %dma_wait3A_106 : memref<1x40x80xi32, #tpu.memory_space<hbm>> -> memref<40x80xi32, #tpu.memory_space<hbm>>
      %dma_wait3A_108 = arith.constant 0 : i32
      %dma_wait3A_109 = arith.constant 0 : i32
      %dma_wait3A_110 = tpu.memref_slice %arg7[%run_scoped3A, %dma_wait3A_108, %dma_wait3A_109] : memref<2x40x80xi32, #tpu.memory_space<vmem>> -> memref<1x40x80xi32, #tpu.memory_space<vmem>>
      %dma_wait3A_111 = tpu.memref_squeeze %dma_wait3A_110 : memref<1x40x80xi32, #tpu.memory_space<vmem>> -> memref<40x80xi32, #tpu.memory_space<vmem>>
      %dma_wait3A_112 = arith.constant 0 : i32
      %dma_wait3A_113 = arith.constant 0 : i32
      %dma_wait3A_114 = tpu.memref_slice %arg3[%add3A, %dma_wait3A_112, %dma_wait3A_113] : memref<32x160x80xi32, #tpu.memory_space<hbm>> -> memref<1x40x80xi32, #tpu.memory_space<hbm>>
      %dma_wait3A_115 = tpu.memref_squeeze %dma_wait3A_114 : memref<1x40x80xi32, #tpu.memory_space<hbm>> -> memref<40x80xi32, #tpu.memory_space<hbm>>
      tpu.wait_dma2 semaphore(%run_scoped3A_83 : memref<!tpu.dma_semaphore, #tpu.memory_space<semaphore_mem>>) src(%dma_wait3A_115 : memref<40x80xi32, #tpu.memory_space<hbm>>) dst(%dma_wait3A_111 : memref<40x80xi32, #tpu.memory_space<vmem>>)
      tpu.yield
    }) : () -> ()
    %barrier3A = arith.constant 0 : index
    tpu.barrier barrier_id(%barrier3A)
    %rem3A = arith.constant 0 : i32
    %rem3A_21 = arith.constant 2 : i32
    %rem3A_22 = arith.remsi %rem3A, %rem3A_21 : i32
    %rem3A_23 = arith.constant 0 : i32
    %rem3A_24 = arith.constant 40 : i32
    %rem3A_25 = arith.remsi %rem3A_23, %rem3A_24 : i32
    %dma_start3A = arith.constant 0 : i32
    %dma_start3A_26 = tpu.memref_slice %arg7[%rem3A_22, %rem3A_25, %dma_start3A] : memref<2x40x80xi32, #tpu.memory_space<vmem>> -> memref<1x1x80xi32, #tpu.memory_space<vmem>>
    %dma_start3A_27 = tpu.memref_squeeze %dma_start3A_26 : memref<1x1x80xi32, #tpu.memory_space<vmem>> -> memref<80xi32, #tpu.memory_space<vmem>>
    %dma_start3A_28 = arith.constant 0 : i32
    %dma_start3A_29 = arith.constant 0 : i32
    %dma_start3A_30 = tpu.memref_slice %arg2[%dma_start3A_28, %dma_start3A_29] : memref<10000x128xf32, #tpu.memory_space<hbm>> -> memref<10000x128xf32, #tpu.memory_space<hbm>>
    tpu.enqueue_indirect_dma source(%dma_start3A_30 : memref<10000x128xf32, #tpu.memory_space<hbm>>) target(%arg8 : memref<80x128xf32, #tpu.memory_space<vmem>>) offsets(%dma_start3A_27 : memref<80xi32, #tpu.memory_space<vmem>>) semaphore(%arg11 : memref<!tpu.dma_semaphore, #tpu.memory_space<semaphore_mem>>)
    %rem3A_31 = arith.constant 0 : i32
    %rem3A_32 = arith.constant 2 : i32
    %rem3A_33 = arith.remsi %rem3A_31, %rem3A_32 : i32
    %rem3A_34 = arith.constant 1 : i32
    %rem3A_35 = arith.constant 40 : i32
    %rem3A_36 = arith.remsi %rem3A_34, %rem3A_35 : i32
    %dma_start3A_37 = arith.constant 0 : i32
    %dma_start3A_38 = tpu.memref_slice %arg7[%rem3A_33, %rem3A_36, %dma_start3A_37] : memref<2x40x80xi32, #tpu.memory_space<vmem>> -> memref<1x1x80xi32, #tpu.memory_space<vmem>>
    %dma_start3A_39 = tpu.memref_squeeze %dma_start3A_38 : memref<1x1x80xi32, #tpu.memory_space<vmem>> -> memref<80xi32, #tpu.memory_space<vmem>>
    %dma_start3A_40 = arith.constant 0 : i32
    %dma_start3A_41 = arith.constant 0 : i32
    %dma_start3A_42 = tpu.memref_slice %arg2[%dma_start3A_40, %dma_start3A_41] : memref<10000x128xf32, #tpu.memory_space<hbm>> -> memref<10000x128xf32, #tpu.memory_space<hbm>>
    tpu.enqueue_indirect_dma source(%dma_start3A_42 : memref<10000x128xf32, #tpu.memory_space<hbm>>) target(%arg9 : memref<80x128xf32, #tpu.memory_space<vmem>>) offsets(%dma_start3A_39 : memref<80xi32, #tpu.memory_space<vmem>>) semaphore(%arg12 : memref<!tpu.dma_semaphore, #tpu.memory_space<semaphore_mem>>)
    %scan3A_43 = arith.constant 0 : i32
    %scan3A_44 = arith.constant 62 : i32
    %scan3A_45 = arith.addi %scan3A_43, %scan3A_44 : i32
    %scan3A_46 = arith.constant 1 : i32
    scf.for %scan3A_83 = %scan3A_43 to %scan3A_45 step %scan3A_46  : i32 {
      %mul3A_84 = arith.constant 2 : i32
      %mul3A_85 = arith.muli %scan3A_83, %mul3A_84 : i32
      %add3A_86 = arith.constant 0 : i32
      %add3A_87 = arith.addi %add3A_86, %mul3A_85 : i32
      %add3A_88 = arith.constant 2 : i32
      %add3A_89 = arith.addi %add3A_87, %add3A_88 : i32
      %rem3A_90 = arith.constant 40 : i32
      %rem3A_91 = arith.remsi %add3A_89, %rem3A_90 : i32
      %eq3A = arith.constant 0 : i32
      %eq3A_92 = arith.cmpi eq, %rem3A_91, %eq3A : i32
      %convert_element_type3A = arith.extui %eq3A_92 : i1 to i32
      %cond3A = arith.constant 0 : i32
      %cond3A_93 = arith.cmpi ne, %convert_element_type3A, %cond3A : i32
      scf.if %cond3A_93 {
        %add3A_179 = arith.constant 2 : i32
        %add3A_180 = arith.addi %add3A_87, %add3A_179 : i32
        %multiple_of3A = tpu.assume_multiple %add3A_180, 40 : i32
        %add3A_181 = arith.constant 2 : i32
        %add3A_182 = arith.addi %add3A_87, %add3A_181 : i32
        %jit3A_183 = arith.constant 40 : i32
        %div3A_184 = arith.divsi %add3A_182, %jit3A_183 : i32
        %sign3A_185 = arith.constant 0 : i32
        %sign3A_186 = arith.cmpi sgt, %add3A_182, %sign3A_185 : i32
        %sign3A_187 = arith.extui %sign3A_186 : i1 to i32
        %sign3A_188 = arith.constant 0 : i32
        %sign3A_189 = arith.cmpi slt, %add3A_182, %sign3A_188 : i32
        %sign3A_190 = arith.extui %sign3A_189 : i1 to i32
        %sign3A_191 = arith.subi %sign3A_187, %sign3A_190 : i32
        %sign3A_192 = arith.constant 0 : i32
        %sign3A_193 = arith.cmpi sgt, %jit3A_183, %sign3A_192 : i32
        %sign3A_194 = arith.extui %sign3A_193 : i1 to i32
        %sign3A_195 = arith.constant 0 : i32
        %sign3A_196 = arith.cmpi slt, %jit3A_183, %sign3A_195 : i32
        %sign3A_197 = arith.extui %sign3A_196 : i1 to i32
        %sign3A_198 = arith.subi %sign3A_194, %sign3A_197 : i32
        %ne3A_199 = arith.cmpi ne, %sign3A_191, %sign3A_198 : i32
        %rem3A_200 = arith.remsi %add3A_182, %jit3A_183 : i32
        %ne3A_201 = arith.constant 0 : i32
        %ne3A_202 = arith.cmpi ne, %rem3A_200, %ne3A_201 : i32
        %and3A_203 = arith.andi %ne3A_199, %ne3A_202 : i1
        %sub3A_204 = arith.constant 1 : i32
        %sub3A_205 = arith.subi %div3A_184, %sub3A_204 : i32
        %select_n3A_206 = arith.select %and3A_203, %sub3A_205, %div3A_184 : i32
        %rem3A_207 = arith.constant 2 : i32
        %rem3A_208 = arith.remsi %select_n3A_206, %rem3A_207 : i32
        "tpu.region"() ({
          %run_scoped3A_209 = tpu.sem_alloc : memref<!tpu.dma_semaphore, #tpu.memory_space<semaphore_mem>>
          %dma_start3A_210 = arith.constant 0 : i32
          %dma_start3A_211 = arith.constant 0 : i32
          %dma_start3A_212 = tpu.memref_slice %arg7[%rem3A_208, %dma_start3A_210, %dma_start3A_211] : memref<2x40x80xi32, #tpu.memory_space<vmem>> -> memref<1x40x80xi32, #tpu.memory_space<vmem>>
          %dma_start3A_213 = tpu.memref_squeeze %dma_start3A_212 : memref<1x40x80xi32, #tpu.memory_space<vmem>> -> memref<40x80xi32, #tpu.memory_space<vmem>>
          %dma_start3A_214 = arith.constant 0 : i32
          %dma_start3A_215 = tpu.memref_slice %arg3[%add3A, %multiple_of3A, %dma_start3A_214] : memref<32x160x80xi32, #tpu.memory_space<hbm>> -> memref<1x40x80xi32, #tpu.memory_space<hbm>>
          %dma_start3A_216 = tpu.memref_squeeze %dma_start3A_215 : memref<1x40x80xi32, #tpu.memory_space<hbm>> -> memref<40x80xi32, #tpu.memory_space<hbm>>
          %dma_start3A_217 = arith.constant 0 : i32
          %dma_start3A_218 = arith.constant 0 : i32
          %dma_start3A_219 = tpu.memref_slice %arg7[%rem3A_208, %dma_start3A_217, %dma_start3A_218] : memref<2x40x80xi32, #tpu.memory_space<vmem>> -> memref<1x40x80xi32, #tpu.memory_space<vmem>>
          %dma_start3A_220 = tpu.memref_squeeze %dma_start3A_219 : memref<1x40x80xi32, #tpu.memory_space<vmem>> -> memref<40x80xi32, #tpu.memory_space<vmem>>
          %dma_start3A_221 = arith.constant 0 : i32
          %dma_start3A_222 = tpu.memref_slice %arg3[%add3A, %multiple_of3A, %dma_start3A_221] : memref<32x160x80xi32, #tpu.memory_space<hbm>> -> memref<1x40x80xi32, #tpu.memory_space<hbm>>
          %dma_start3A_223 = tpu.memref_squeeze %dma_start3A_222 : memref<1x40x80xi32, #tpu.memory_space<hbm>> -> memref<40x80xi32, #tpu.memory_space<hbm>>
          tpu.enqueue_dma source(%dma_start3A_223 : memref<40x80xi32, #tpu.memory_space<hbm>>) target(%dma_start3A_220 : memref<40x80xi32, #tpu.memory_space<vmem>>) target_semaphore(%run_scoped3A_209 : memref<!tpu.dma_semaphore, #tpu.memory_space<semaphore_mem>>)
          %dma_wait3A_224 = arith.constant 0 : i32
          %dma_wait3A_225 = arith.constant 0 : i32
          %dma_wait3A_226 = tpu.memref_slice %arg7[%rem3A_208, %dma_wait3A_224, %dma_wait3A_225] : memref<2x40x80xi32, #tpu.memory_space<vmem>> -> memref<1x40x80xi32, #tpu.memory_space<vmem>>
          %dma_wait3A_227 = tpu.memref_squeeze %dma_wait3A_226 : memref<1x40x80xi32, #tpu.memory_space<vmem>> -> memref<40x80xi32, #tpu.memory_space<vmem>>
          %dma_wait3A_228 = arith.constant 0 : i32
          %dma_wait3A_229 = tpu.memref_slice %arg3[%add3A, %multiple_of3A, %dma_wait3A_228] : memref<32x160x80xi32, #tpu.memory_space<hbm>> -> memref<1x40x80xi32, #tpu.memory_space<hbm>>
          %dma_wait3A_230 = tpu.memref_squeeze %dma_wait3A_229 : memref<1x40x80xi32, #tpu.memory_space<hbm>> -> memref<40x80xi32, #tpu.memory_space<hbm>>
          %dma_wait3A_231 = arith.constant 0 : i32
          %dma_wait3A_232 = arith.constant 0 : i32
          %dma_wait3A_233 = tpu.memref_slice %arg7[%rem3A_208, %dma_wait3A_231, %dma_wait3A_232] : memref<2x40x80xi32, #tpu.memory_space<vmem>> -> memref<1x40x80xi32, #tpu.memory_space<vmem>>
          %dma_wait3A_234 = tpu.memref_squeeze %dma_wait3A_233 : memref<1x40x80xi32, #tpu.memory_space<vmem>> -> memref<40x80xi32, #tpu.memory_space<vmem>>
          %dma_wait3A_235 = arith.constant 0 : i32
          %dma_wait3A_236 = tpu.memref_slice %arg3[%add3A, %multiple_of3A, %dma_wait3A_235] : memref<32x160x80xi32, #tpu.memory_space<hbm>> -> memref<1x40x80xi32, #tpu.memory_space<hbm>>
          %dma_wait3A_237 = tpu.memref_squeeze %dma_wait3A_236 : memref<1x40x80xi32, #tpu.memory_space<hbm>> -> memref<40x80xi32, #tpu.memory_space<hbm>>
          tpu.wait_dma2 semaphore(%run_scoped3A_209 : memref<!tpu.dma_semaphore, #tpu.memory_space<semaphore_mem>>) src(%dma_wait3A_237 : memref<40x80xi32, #tpu.memory_space<hbm>>) dst(%dma_wait3A_234 : memref<40x80xi32, #tpu.memory_space<vmem>>)
          tpu.yield
        }) : () -> ()
      } else {
      }
      %dma_wait3A_94 = arith.constant 0 : i32
      %dma_wait3A_95 = arith.constant 0 : i32
      %dma_wait3A_96 = arith.constant 0 : i32
      %dma_wait3A_97 = tpu.memref_slice %arg7[%dma_wait3A_94, %dma_wait3A_95, %dma_wait3A_96] : memref<2x40x80xi32, #tpu.memory_space<vmem>> -> memref<1x1x80xi32, #tpu.memory_space<vmem>>
      %dma_wait3A_98 = tpu.memref_squeeze %dma_wait3A_97 : memref<1x1x80xi32, #tpu.memory_space<vmem>> -> memref<80xi32, #tpu.memory_space<vmem>>
      %dma_wait3A_99 = arith.constant 0 : i32
      %dma_wait3A_100 = arith.constant 0 : i32
      %dma_wait3A_101 = tpu.memref_slice %arg2[%dma_wait3A_99, %dma_wait3A_100] : memref<10000x128xf32, #tpu.memory_space<hbm>> -> memref<10000x128xf32, #tpu.memory_space<hbm>>
      tpu.wait_indirect_dma semaphore(%arg11 : memref<!tpu.dma_semaphore, #tpu.memory_space<semaphore_mem>>) src(%dma_wait3A_101 : memref<10000x128xf32, #tpu.memory_space<hbm>>) dst(%arg8 : memref<80x128xf32, #tpu.memory_space<vmem>>)
      "tpu.region"() ({
        %run_scoped3A_179 = tpu.sem_alloc : memref<!tpu.dma_semaphore, #tpu.memory_space<semaphore_mem>>
        %dma_start3A_180 = arith.constant 0 : i32
        %dma_start3A_181 = tpu.memref_slice %arg6[%add3A_87, %dma_start3A_180] : memref<125x80xi32, #tpu.memory_space<vmem>> -> memref<1x80xi32, #tpu.memory_space<vmem>>
        %dma_start3A_182 = tpu.memref_squeeze %dma_start3A_181 : memref<1x80xi32, #tpu.memory_space<vmem>> -> memref<80xi32, #tpu.memory_space<vmem>>
        %dma_start3A_183 = arith.constant 0 : i32
        %dma_start3A_184 = arith.constant 0 : i32
        %dma_start3A_185 = tpu.memref_slice %arg10[%dma_start3A_183, %dma_start3A_184] : memref<10000x128xf32, #tpu.memory_space<vmem_shared>> -> memref<10000x128xf32, #tpu.memory_space<vmem_shared>>
        tpu.enqueue_indirect_dma source(%arg8 : memref<80x128xf32, #tpu.memory_space<vmem>>) target(%dma_start3A_185 : memref<10000x128xf32, #tpu.memory_space<vmem_shared>>) offsets(%dma_start3A_182 : memref<80xi32, #tpu.memory_space<vmem>>) semaphore(%run_scoped3A_179 : memref<!tpu.dma_semaphore, #tpu.memory_space<semaphore_mem>>) {add = true}
        %dma_wait3A_186 = arith.constant 0 : i32
        %dma_wait3A_187 = tpu.memref_slice %arg6[%add3A_87, %dma_wait3A_186] : memref<125x80xi32, #tpu.memory_space<vmem>> -> memref<1x80xi32, #tpu.memory_space<vmem>>
        %dma_wait3A_188 = tpu.memref_squeeze %dma_wait3A_187 : memref<1x80xi32, #tpu.memory_space<vmem>> -> memref<80xi32, #tpu.memory_space<vmem>>
        %dma_wait3A_189 = arith.constant 0 : i32
        %dma_wait3A_190 = arith.constant 0 : i32
        %dma_wait3A_191 = tpu.memref_slice %arg10[%dma_wait3A_189, %dma_wait3A_190] : memref<10000x128xf32, #tpu.memory_space<vmem_shared>> -> memref<10000x128xf32, #tpu.memory_space<vmem_shared>>
        tpu.wait_indirect_dma semaphore(%run_scoped3A_179 : memref<!tpu.dma_semaphore, #tpu.memory_space<semaphore_mem>>) src(%arg8 : memref<80x128xf32, #tpu.memory_space<vmem>>) dst(%dma_wait3A_191 : memref<10000x128xf32, #tpu.memory_space<vmem_shared>>)
        tpu.yield
      }) : () -> ()
      %add3A_102 = arith.constant 2 : i32
      %add3A_103 = arith.addi %add3A_87, %add3A_102 : i32
      %jit3A = arith.constant 40 : i32
      %div3A_104 = arith.divsi %add3A_103, %jit3A : i32
      %sign3A = arith.constant 0 : i32
      %sign3A_105 = arith.cmpi sgt, %add3A_103, %sign3A : i32
      %sign3A_106 = arith.extui %sign3A_105 : i1 to i32
      %sign3A_107 = arith.constant 0 : i32
      %sign3A_108 = arith.cmpi slt, %add3A_103, %sign3A_107 : i32
      %sign3A_109 = arith.extui %sign3A_108 : i1 to i32
      %sign3A_110 = arith.subi %sign3A_106, %sign3A_109 : i32
      %sign3A_111 = arith.constant 0 : i32
      %sign3A_112 = arith.cmpi sgt, %jit3A, %sign3A_111 : i32
      %sign3A_113 = arith.extui %sign3A_112 : i1 to i32
      %sign3A_114 = arith.constant 0 : i32
      %sign3A_115 = arith.cmpi slt, %jit3A, %sign3A_114 : i32
      %sign3A_116 = arith.extui %sign3A_115 : i1 to i32
      %sign3A_117 = arith.subi %sign3A_113, %sign3A_116 : i32
      %ne3A = arith.cmpi ne, %sign3A_110, %sign3A_117 : i32
      %rem3A_118 = arith.remsi %add3A_103, %jit3A : i32
      %ne3A_119 = arith.constant 0 : i32
      %ne3A_120 = arith.cmpi ne, %rem3A_118, %ne3A_119 : i32
      %and3A = arith.andi %ne3A, %ne3A_120 : i1
      %sub3A_121 = arith.constant 1 : i32
      %sub3A_122 = arith.subi %div3A_104, %sub3A_121 : i32
      %select_n3A = arith.select %and3A, %sub3A_122, %div3A_104 : i32
      %rem3A_123 = arith.constant 2 : i32
      %rem3A_124 = arith.remsi %select_n3A, %rem3A_123 : i32
      %rem3A_125 = arith.constant 40 : i32
      %rem3A_126 = arith.remsi %add3A_103, %rem3A_125 : i32
      %dma_start3A_127 = arith.constant 0 : i32
      %dma_start3A_128 = tpu.memref_slice %arg7[%rem3A_124, %rem3A_126, %dma_start3A_127] : memref<2x40x80xi32, #tpu.memory_space<vmem>> -> memref<1x1x80xi32, #tpu.memory_space<vmem>>
      %dma_start3A_129 = tpu.memref_squeeze %dma_start3A_128 : memref<1x1x80xi32, #tpu.memory_space<vmem>> -> memref<80xi32, #tpu.memory_space<vmem>>
      %dma_start3A_130 = arith.constant 0 : i32
      %dma_start3A_131 = arith.constant 0 : i32
      %dma_start3A_132 = tpu.memref_slice %arg2[%dma_start3A_130, %dma_start3A_131] : memref<10000x128xf32, #tpu.memory_space<hbm>> -> memref<10000x128xf32, #tpu.memory_space<hbm>>
      tpu.enqueue_indirect_dma source(%dma_start3A_132 : memref<10000x128xf32, #tpu.memory_space<hbm>>) target(%arg8 : memref<80x128xf32, #tpu.memory_space<vmem>>) offsets(%dma_start3A_129 : memref<80xi32, #tpu.memory_space<vmem>>) semaphore(%arg11 : memref<!tpu.dma_semaphore, #tpu.memory_space<semaphore_mem>>)
      %dma_wait3A_133 = arith.constant 0 : i32
      %dma_wait3A_134 = arith.constant 0 : i32
      %dma_wait3A_135 = arith.constant 0 : i32
      %dma_wait3A_136 = tpu.memref_slice %arg7[%dma_wait3A_133, %dma_wait3A_134, %dma_wait3A_135] : memref<2x40x80xi32, #tpu.memory_space<vmem>> -> memref<1x1x80xi32, #tpu.memory_space<vmem>>
      %dma_wait3A_137 = tpu.memref_squeeze %dma_wait3A_136 : memref<1x1x80xi32, #tpu.memory_space<vmem>> -> memref<80xi32, #tpu.memory_space<vmem>>
      %dma_wait3A_138 = arith.constant 0 : i32
      %dma_wait3A_139 = arith.constant 0 : i32
      %dma_wait3A_140 = tpu.memref_slice %arg2[%dma_wait3A_138, %dma_wait3A_139] : memref<10000x128xf32, #tpu.memory_space<hbm>> -> memref<10000x128xf32, #tpu.memory_space<hbm>>
      tpu.wait_indirect_dma semaphore(%arg12 : memref<!tpu.dma_semaphore, #tpu.memory_space<semaphore_mem>>) src(%dma_wait3A_140 : memref<10000x128xf32, #tpu.memory_space<hbm>>) dst(%arg9 : memref<80x128xf32, #tpu.memory_space<vmem>>)
      %add3A_141 = arith.constant 1 : i32
      %add3A_142 = arith.addi %add3A_87, %add3A_141 : i32
      "tpu.region"() ({
        %run_scoped3A_179 = tpu.sem_alloc : memref<!tpu.dma_semaphore, #tpu.memory_space<semaphore_mem>>
        %dma_start3A_180 = arith.constant 0 : i32
        %dma_start3A_181 = tpu.memref_slice %arg6[%add3A_142, %dma_start3A_180] : memref<125x80xi32, #tpu.memory_space<vmem>> -> memref<1x80xi32, #tpu.memory_space<vmem>>
        %dma_start3A_182 = tpu.memref_squeeze %dma_start3A_181 : memref<1x80xi32, #tpu.memory_space<vmem>> -> memref<80xi32, #tpu.memory_space<vmem>>
        %dma_start3A_183 = arith.constant 0 : i32
        %dma_start3A_184 = arith.constant 0 : i32
        %dma_start3A_185 = tpu.memref_slice %arg10[%dma_start3A_183, %dma_start3A_184] : memref<10000x128xf32, #tpu.memory_space<vmem_shared>> -> memref<10000x128xf32, #tpu.memory_space<vmem_shared>>
        tpu.enqueue_indirect_dma source(%arg9 : memref<80x128xf32, #tpu.memory_space<vmem>>) target(%dma_start3A_185 : memref<10000x128xf32, #tpu.memory_space<vmem_shared>>) offsets(%dma_start3A_182 : memref<80xi32, #tpu.memory_space<vmem>>) semaphore(%run_scoped3A_179 : memref<!tpu.dma_semaphore, #tpu.memory_space<semaphore_mem>>) {add = true}
        %dma_wait3A_186 = arith.constant 0 : i32
        %dma_wait3A_187 = tpu.memref_slice %arg6[%add3A_142, %dma_wait3A_186] : memref<125x80xi32, #tpu.memory_space<vmem>> -> memref<1x80xi32, #tpu.memory_space<vmem>>
        %dma_wait3A_188 = tpu.memref_squeeze %dma_wait3A_187 : memref<1x80xi32, #tpu.memory_space<vmem>> -> memref<80xi32, #tpu.memory_space<vmem>>
        %dma_wait3A_189 = arith.constant 0 : i32
        %dma_wait3A_190 = arith.constant 0 : i32
        %dma_wait3A_191 = tpu.memref_slice %arg10[%dma_wait3A_189, %dma_wait3A_190] : memref<10000x128xf32, #tpu.memory_space<vmem_shared>> -> memref<10000x128xf32, #tpu.memory_space<vmem_shared>>
        tpu.wait_indirect_dma semaphore(%run_scoped3A_179 : memref<!tpu.dma_semaphore, #tpu.memory_space<semaphore_mem>>) src(%arg9 : memref<80x128xf32, #tpu.memory_space<vmem>>) dst(%dma_wait3A_191 : memref<10000x128xf32, #tpu.memory_space<vmem_shared>>)
        tpu.yield
      }) : () -> ()
      %add3A_143 = arith.constant 3 : i32
      %add3A_144 = arith.addi %add3A_87, %add3A_143 : i32
      %jit3A_145 = arith.constant 40 : i32
      %div3A_146 = arith.divsi %add3A_144, %jit3A_145 : i32
      %sign3A_147 = arith.constant 0 : i32
      %sign3A_148 = arith.cmpi sgt, %add3A_144, %sign3A_147 : i32
      %sign3A_149 = arith.extui %sign3A_148 : i1 to i32
      %sign3A_150 = arith.constant 0 : i32
      %sign3A_151 = arith.cmpi slt, %add3A_144, %sign3A_150 : i32
      %sign3A_152 = arith.extui %sign3A_151 : i1 to i32
      %sign3A_153 = arith.subi %sign3A_149, %sign3A_152 : i32
      %sign3A_154 = arith.constant 0 : i32
      %sign3A_155 = arith.cmpi sgt, %jit3A_145, %sign3A_154 : i32
      %sign3A_156 = arith.extui %sign3A_155 : i1 to i32
      %sign3A_157 = arith.constant 0 : i32
      %sign3A_158 = arith.cmpi slt, %jit3A_145, %sign3A_157 : i32
      %sign3A_159 = arith.extui %sign3A_158 : i1 to i32
      %sign3A_160 = arith.subi %sign3A_156, %sign3A_159 : i32
      %ne3A_161 = arith.cmpi ne, %sign3A_153, %sign3A_160 : i32
      %rem3A_162 = arith.remsi %add3A_144, %jit3A_145 : i32
      %ne3A_163 = arith.constant 0 : i32
      %ne3A_164 = arith.cmpi ne, %rem3A_162, %ne3A_163 : i32
      %and3A_165 = arith.andi %ne3A_161, %ne3A_164 : i1
      %sub3A_166 = arith.constant 1 : i32
      %sub3A_167 = arith.subi %div3A_146, %sub3A_166 : i32
      %select_n3A_168 = arith.select %and3A_165, %sub3A_167, %div3A_146 : i32
      %rem3A_169 = arith.constant 2 : i32
      %rem3A_170 = arith.remsi %select_n3A_168, %rem3A_169 : i32
      %rem3A_171 = arith.constant 40 : i32
      %rem3A_172 = arith.remsi %add3A_144, %rem3A_171 : i32
      %dma_start3A_173 = arith.constant 0 : i32
      %dma_start3A_174 = tpu.memref_slice %arg7[%rem3A_170, %rem3A_172, %dma_start3A_173] : memref<2x40x80xi32, #tpu.memory_space<vmem>> -> memref<1x1x80xi32, #tpu.memory_space<vmem>>
      %dma_start3A_175 = tpu.memref_squeeze %dma_start3A_174 : memref<1x1x80xi32, #tpu.memory_space<vmem>> -> memref<80xi32, #tpu.memory_space<vmem>>
      %dma_start3A_176 = arith.constant 0 : i32
      %dma_start3A_177 = arith.constant 0 : i32
      %dma_start3A_178 = tpu.memref_slice %arg2[%dma_start3A_176, %dma_start3A_177] : memref<10000x128xf32, #tpu.memory_space<hbm>> -> memref<10000x128xf32, #tpu.memory_space<hbm>>
      tpu.enqueue_indirect_dma source(%dma_start3A_178 : memref<10000x128xf32, #tpu.memory_space<hbm>>) target(%arg9 : memref<80x128xf32, #tpu.memory_space<vmem>>) offsets(%dma_start3A_175 : memref<80xi32, #tpu.memory_space<vmem>>) semaphore(%arg12 : memref<!tpu.dma_semaphore, #tpu.memory_space<semaphore_mem>>)
    }
    %scan3A_47 = arith.constant 62 : i32
    %dma_wait3A = arith.constant 0 : i32
    %dma_wait3A_48 = arith.constant 0 : i32
    %dma_wait3A_49 = arith.constant 0 : i32
    %dma_wait3A_50 = tpu.memref_slice %arg7[%dma_wait3A, %dma_wait3A_48, %dma_wait3A_49] : memref<2x40x80xi32, #tpu.memory_space<vmem>> -> memref<1x1x80xi32, #tpu.memory_space<vmem>>
    %dma_wait3A_51 = tpu.memref_squeeze %dma_wait3A_50 : memref<1x1x80xi32, #tpu.memory_space<vmem>> -> memref<80xi32, #tpu.memory_space<vmem>>
    %dma_wait3A_52 = arith.constant 0 : i32
    %dma_wait3A_53 = arith.constant 0 : i32
    %dma_wait3A_54 = tpu.memref_slice %arg2[%dma_wait3A_52, %dma_wait3A_53] : memref<10000x128xf32, #tpu.memory_space<hbm>> -> memref<10000x128xf32, #tpu.memory_space<hbm>>
    tpu.wait_indirect_dma semaphore(%arg11 : memref<!tpu.dma_semaphore, #tpu.memory_space<semaphore_mem>>) src(%dma_wait3A_54 : memref<10000x128xf32, #tpu.memory_space<hbm>>) dst(%arg8 : memref<80x128xf32, #tpu.memory_space<vmem>>)
    %run_scoped3A_55 = arith.constant 124 : i32
    "tpu.region"() ({
      %run_scoped3A_83 = tpu.sem_alloc : memref<!tpu.dma_semaphore, #tpu.memory_space<semaphore_mem>>
      %dma_start3A_84 = arith.constant 0 : i32
      %dma_start3A_85 = tpu.memref_slice %arg6[%run_scoped3A_55, %dma_start3A_84] : memref<125x80xi32, #tpu.memory_space<vmem>> -> memref<1x80xi32, #tpu.memory_space<vmem>>
      %dma_start3A_86 = tpu.memref_squeeze %dma_start3A_85 : memref<1x80xi32, #tpu.memory_space<vmem>> -> memref<80xi32, #tpu.memory_space<vmem>>
      %dma_start3A_87 = arith.constant 0 : i32
      %dma_start3A_88 = arith.constant 0 : i32
      %dma_start3A_89 = tpu.memref_slice %arg10[%dma_start3A_87, %dma_start3A_88] : memref<10000x128xf32, #tpu.memory_space<vmem_shared>> -> memref<10000x128xf32, #tpu.memory_space<vmem_shared>>
      tpu.enqueue_indirect_dma source(%arg8 : memref<80x128xf32, #tpu.memory_space<vmem>>) target(%dma_start3A_89 : memref<10000x128xf32, #tpu.memory_space<vmem_shared>>) offsets(%dma_start3A_86 : memref<80xi32, #tpu.memory_space<vmem>>) semaphore(%run_scoped3A_83 : memref<!tpu.dma_semaphore, #tpu.memory_space<semaphore_mem>>) {add = true}
      %dma_wait3A_90 = arith.constant 0 : i32
      %dma_wait3A_91 = tpu.memref_slice %arg6[%run_scoped3A_55, %dma_wait3A_90] : memref<125x80xi32, #tpu.memory_space<vmem>> -> memref<1x80xi32, #tpu.memory_space<vmem>>
      %dma_wait3A_92 = tpu.memref_squeeze %dma_wait3A_91 : memref<1x80xi32, #tpu.memory_space<vmem>> -> memref<80xi32, #tpu.memory_space<vmem>>
      %dma_wait3A_93 = arith.constant 0 : i32
      %dma_wait3A_94 = arith.constant 0 : i32
      %dma_wait3A_95 = tpu.memref_slice %arg10[%dma_wait3A_93, %dma_wait3A_94] : memref<10000x128xf32, #tpu.memory_space<vmem_shared>> -> memref<10000x128xf32, #tpu.memory_space<vmem_shared>>
      tpu.wait_indirect_dma semaphore(%run_scoped3A_83 : memref<!tpu.dma_semaphore, #tpu.memory_space<semaphore_mem>>) src(%arg8 : memref<80x128xf32, #tpu.memory_space<vmem>>) dst(%dma_wait3A_95 : memref<10000x128xf32, #tpu.memory_space<vmem_shared>>)
      tpu.yield
    }) : () -> ()
    %dma_wait3A_56 = arith.constant 0 : i32
    %dma_wait3A_57 = arith.constant 0 : i32
    %dma_wait3A_58 = arith.constant 0 : i32
    %dma_wait3A_59 = tpu.memref_slice %arg7[%dma_wait3A_56, %dma_wait3A_57, %dma_wait3A_58] : memref<2x40x80xi32, #tpu.memory_space<vmem>> -> memref<1x1x80xi32, #tpu.memory_space<vmem>>
    %dma_wait3A_60 = tpu.memref_squeeze %dma_wait3A_59 : memref<1x1x80xi32, #tpu.memory_space<vmem>> -> memref<80xi32, #tpu.memory_space<vmem>>
    %dma_wait3A_61 = arith.constant 0 : i32
    %dma_wait3A_62 = arith.constant 0 : i32
    %dma_wait3A_63 = tpu.memref_slice %arg2[%dma_wait3A_61, %dma_wait3A_62] : memref<10000x128xf32, #tpu.memory_space<hbm>> -> memref<10000x128xf32, #tpu.memory_space<hbm>>
    tpu.wait_indirect_dma semaphore(%arg12 : memref<!tpu.dma_semaphore, #tpu.memory_space<semaphore_mem>>) src(%dma_wait3A_63 : memref<10000x128xf32, #tpu.memory_space<hbm>>) dst(%arg9 : memref<80x128xf32, #tpu.memory_space<vmem>>)
    %barrier3A_64 = arith.constant 0 : index
    tpu.barrier barrier_id(%barrier3A_64)
    %sub3A_65 = arith.constant 125 : i32
    %sub3A_66 = arith.subi %sub3A_65, %arg1 : i32
    %sub3A_67 = arith.constant 16 : i32
    %sub3A_68 = arith.constant 1 : i32
    %sub3A_69 = arith.subi %sub3A_67, %sub3A_68 : i32
    %add3A_70 = arith.addi %sub3A_66, %sub3A_69 : i32
    %div3A_71 = arith.constant 16 : i32
    %div3A_72 = arith.divsi %add3A_70, %div3A_71 : i32
    %while3A_73 = arith.constant 16 : i32
    %while3A_74 = arith.constant 0 : i32
    %while3A_75 = arith.subi %div3A_72, %while3A_74 : i32
    %while3A_76 = arith.addi %while3A_74, %while3A_75 : i32
    %while3A_77 = arith.constant 1 : i32
    %while3A_78 = arith.divsi %while3A_75, %while3A_77 : i32
    %while3A_79 = arith.muli %while3A_78, %while3A_77 : i32
    %while3A_80 = arith.addi %while3A_74, %while3A_79 : i32
    %while3A_81 = arith.constant 1 : i32
    scf.for %while3A_83 = %while3A_74 to %while3A_80 step %while3A_81  : i32 {
      %mul3A_84 = arith.muli %while3A_83, %while3A_73 : i32
      %add3A_85 = arith.addi %arg1, %mul3A_84 : i32
      %mul3A_86 = arith.constant 80 : i32
      %mul3A_87 = arith.muli %add3A_85, %mul3A_86 : i32
      %mul3A_88 = arith.constant 10000 : i32
      %mul3A_89 = arith.muli %arg0, %mul3A_88 : i32
      %mul3A_90 = arith.constant 80 : i32
      %mul3A_91 = arith.muli %add3A_85, %mul3A_90 : i32
      %add3A_92 = arith.addi %mul3A_89, %mul3A_91 : i32
      "tpu.region"() ({
        %run_scoped3A_93 = tpu.sem_alloc : memref<!tpu.dma_semaphore, #tpu.memory_space<semaphore_mem>>
        %dma_start3A_94 = arith.constant 0 : i32
        %dma_start3A_95 = tpu.memref_slice %arg5[%add3A_92, %dma_start3A_94] : memref<20000x128xf32, #tpu.memory_space<hbm>> -> memref<80x128xf32, #tpu.memory_space<hbm>>
        %dma_start3A_96 = arith.constant 0 : i32
        %dma_start3A_97 = tpu.memref_slice %arg10[%mul3A_87, %dma_start3A_96] : memref<10000x128xf32, #tpu.memory_space<vmem_shared>> -> memref<80x128xf32, #tpu.memory_space<vmem_shared>>
        tpu.enqueue_dma source(%dma_start3A_97 : memref<80x128xf32, #tpu.memory_space<vmem_shared>>) target(%dma_start3A_95 : memref<80x128xf32, #tpu.memory_space<hbm>>) target_semaphore(%run_scoped3A_93 : memref<!tpu.dma_semaphore, #tpu.memory_space<semaphore_mem>>)
        %dma_wait3A_98 = arith.constant 0 : i32
        %dma_wait3A_99 = tpu.memref_slice %arg5[%add3A_92, %dma_wait3A_98] : memref<20000x128xf32, #tpu.memory_space<hbm>> -> memref<80x128xf32, #tpu.memory_space<hbm>>
        %dma_wait3A_100 = arith.constant 0 : i32
        %dma_wait3A_101 = tpu.memref_slice %arg10[%mul3A_87, %dma_wait3A_100] : memref<10000x128xf32, #tpu.memory_space<vmem_shared>> -> memref<80x128xf32, #tpu.memory_space<vmem_shared>>
        tpu.wait_dma2 semaphore(%run_scoped3A_93 : memref<!tpu.dma_semaphore, #tpu.memory_space<semaphore_mem>>) src(%dma_wait3A_101 : memref<80x128xf32, #tpu.memory_space<vmem_shared>>) dst(%dma_wait3A_99 : memref<80x128xf32, #tpu.memory_space<hbm>>)
        tpu.yield
      }) : () -> ()
    }
    %while3A_82 = arith.constant 1 : i32
    scf.for %while3A_83 = %while3A_80 to %while3A_76 step %while3A_82  : i32 {
      %mul3A_84 = arith.muli %while3A_83, %while3A_73 : i32
      %add3A_85 = arith.addi %arg1, %mul3A_84 : i32
      %mul3A_86 = arith.constant 80 : i32
      %mul3A_87 = arith.muli %add3A_85, %mul3A_86 : i32
      %mul3A_88 = arith.constant 10000 : i32
      %mul3A_89 = arith.muli %arg0, %mul3A_88 : i32
      %mul3A_90 = arith.constant 80 : i32
      %mul3A_91 = arith.muli %add3A_85, %mul3A_90 : i32
      %add3A_92 = arith.addi %mul3A_89, %mul3A_91 : i32
      "tpu.region"() ({
        %run_scoped3A_93 = tpu.sem_alloc : memref<!tpu.dma_semaphore, #tpu.memory_space<semaphore_mem>>
        %dma_start3A_94 = arith.constant 0 : i32
        %dma_start3A_95 = tpu.memref_slice %arg5[%add3A_92, %dma_start3A_94] : memref<20000x128xf32, #tpu.memory_space<hbm>> -> memref<80x128xf32, #tpu.memory_space<hbm>>
        %dma_start3A_96 = arith.constant 0 : i32
        %dma_start3A_97 = tpu.memref_slice %arg10[%mul3A_87, %dma_start3A_96] : memref<10000x128xf32, #tpu.memory_space<vmem_shared>> -> memref<80x128xf32, #tpu.memory_space<vmem_shared>>
        tpu.enqueue_dma source(%dma_start3A_97 : memref<80x128xf32, #tpu.memory_space<vmem_shared>>) target(%dma_start3A_95 : memref<80x128xf32, #tpu.memory_space<hbm>>) target_semaphore(%run_scoped3A_93 : memref<!tpu.dma_semaphore, #tpu.memory_space<semaphore_mem>>)
        %dma_wait3A_98 = arith.constant 0 : i32
        %dma_wait3A_99 = tpu.memref_slice %arg5[%add3A_92, %dma_wait3A_98] : memref<20000x128xf32, #tpu.memory_space<hbm>> -> memref<80x128xf32, #tpu.memory_space<hbm>>
        %dma_wait3A_100 = arith.constant 0 : i32
        %dma_wait3A_101 = tpu.memref_slice %arg10[%mul3A_87, %dma_wait3A_100] : memref<10000x128xf32, #tpu.memory_space<vmem_shared>> -> memref<80x128xf32, #tpu.memory_space<vmem_shared>>
        tpu.wait_dma2 semaphore(%run_scoped3A_93 : memref<!tpu.dma_semaphore, #tpu.memory_space<semaphore_mem>>) src(%dma_wait3A_101 : memref<80x128xf32, #tpu.memory_space<vmem_shared>>) dst(%dma_wait3A_99 : memref<80x128xf32, #tpu.memory_space<hbm>>)
        tpu.yield
      }) : () -> ()
    }
    return
  }
}

#map = affine_map<(d0, d1) -> (0, 0, 0)>
#map1 = affine_map<(d0, d1) -> (0, 0)>
module attributes {stable_mosaic.version = 14 : i64} {
  func.func @k(%arg0: i32, %arg1: i32, %arg2: memref<32x125x80xi32, #tpu.memory_space<hbm>>, %arg3: memref<20000x128xf32, #tpu.memory_space<hbm>>, %arg4: memref<125x80xi32, #tpu.memory_space<vmem>>, %arg5: memref<80x128xf32, #tpu.memory_space<vmem>>, %arg6: memref<10000x128xf32, #tpu.memory_space<vmem_shared>>) attributes {dimension_semantics = [#tpu.dimension_semantics<core_parallel>, #tpu.dimension_semantics<subcore_parallel>], iteration_bounds = array<i64: 2, 16>, scalar_prefetch = 0 : i64, scratch_operands = 3 : i64, tpu.core_type = #tpu.core_type<sc_vector_subcore>, window_params = [{transform_indices = #map}, {transform_indices = #map1}]} {
    %mul3A = arith.constant 16 : i32
    %mul3A_0 = arith.muli %arg0, %mul3A : i32
    %add3A = arith.addi %mul3A_0, %arg1 : i32
    %broadcast_in_dim3A = arith.constant 0.000000e+00 : f32
    %broadcast_in_dim3A_1 = vector.broadcast %broadcast_in_dim3A : f32 to vector<16xf32>
    %scan3A = arith.constant 0 : i32
    %scan3A_2 = arith.constant 80 : i32
    %scan3A_3 = arith.addi %scan3A, %scan3A_2 : i32
    %scan3A_4 = arith.constant 1 : i32
    scf.for %scan3A_52 = %scan3A to %scan3A_3 step %scan3A_4  : i32 {
      %mul3A_53 = arith.constant 1 : i32
      %mul3A_54 = arith.muli %scan3A_52, %mul3A_53 : i32
      %add3A_55 = arith.constant 0 : i32
      %add3A_56 = arith.addi %add3A_55, %mul3A_54 : i32
      %scan3A_57 = arith.constant 0 : i32
      %scan3A_58 = arith.constant 8 : i32
      %scan3A_59 = arith.addi %scan3A_57, %scan3A_58 : i32
      %scan3A_60 = arith.constant 1 : i32
      scf.for %scan3A_62 = %scan3A_57 to %scan3A_59 step %scan3A_60  : i32 {
        %mul3A_63 = arith.constant 16 : i32
        %mul3A_64 = arith.muli %scan3A_62, %mul3A_63 : i32
        %add3A_65 = arith.constant 0 : i32
        %add3A_66 = arith.addi %add3A_65, %mul3A_64 : i32
        %swap3A = arith.index_cast %add3A_56 : i32 to index
        %swap3A_67 = arith.index_cast %add3A_66 : i32 to index
        %swap3A_68 = tpu.vector_load %arg5[%swap3A, %swap3A_67] {strides = array<i32>} : memref<80x128xf32, #tpu.memory_space<vmem>>, vector<1x16xf32>,
        %swap3A_69 = vector.shape_cast %swap3A_68 : vector<1x16xf32> to vector<16xf32>
        %swap3A_70 = vector.shape_cast %broadcast_in_dim3A_1 : vector<16xf32> to vector<1x16xf32>
        tpu.vector_store %arg5[%swap3A, %swap3A_67], %swap3A_70 {strides = array<i32>} : memref<80x128xf32, #tpu.memory_space<vmem>>, vector<1x16xf32>,
      }
      %scan3A_61 = arith.constant 8 : i32
    }
    %scan3A_5 = arith.constant 80 : i32
    %sub3A = arith.constant 125 : i32
    %sub3A_6 = arith.subi %sub3A, %arg1 : i32
    %sub3A_7 = arith.constant 16 : i32
    %sub3A_8 = arith.constant 1 : i32
    %sub3A_9 = arith.subi %sub3A_7, %sub3A_8 : i32
    %add3A_10 = arith.addi %sub3A_6, %sub3A_9 : i32
    %div3A = arith.constant 16 : i32
    %div3A_11 = arith.divsi %add3A_10, %div3A : i32
    %while3A = arith.constant 16 : i32
    %while3A_12 = arith.constant 0 : i32
    %while3A_13 = arith.subi %div3A_11, %while3A_12 : i32
    %while3A_14 = arith.addi %while3A_12, %while3A_13 : i32
    %while3A_15 = arith.constant 1 : i32
    %while3A_16 = arith.divsi %while3A_13, %while3A_15 : i32
    %while3A_17 = arith.muli %while3A_16, %while3A_15 : i32
    %while3A_18 = arith.addi %while3A_12, %while3A_17 : i32
    %while3A_19 = arith.constant 1 : i32
    scf.for %while3A_52 = %while3A_12 to %while3A_18 step %while3A_19  : i32 {
      %mul3A_53 = arith.muli %while3A_52, %while3A : i32
      %add3A_54 = arith.addi %arg1, %mul3A_53 : i32
      %mul3A_55 = arith.constant 80 : i32
      %mul3A_56 = arith.muli %add3A_54, %mul3A_55 : i32
      "tpu.region"() ({
        %run_scoped3A = tpu.sem_alloc : memref<!tpu.dma_semaphore, #tpu.memory_space<semaphore_mem>>
        %dma_start3A = arith.constant 0 : i32
        %dma_start3A_57 = tpu.memref_slice %arg6[%mul3A_56, %dma_start3A] : memref<10000x128xf32, #tpu.memory_space<vmem_shared>> -> memref<80x128xf32, #tpu.memory_space<vmem_shared>>
        %dma_start3A_58 = arith.constant 0 : i32
        %dma_start3A_59 = tpu.memref_slice %arg6[%mul3A_56, %dma_start3A_58] : memref<10000x128xf32, #tpu.memory_space<vmem_shared>> -> memref<80x128xf32, #tpu.memory_space<vmem_shared>>
        tpu.enqueue_dma source(%arg5 : memref<80x128xf32, #tpu.memory_space<vmem>>) target(%dma_start3A_59 : memref<80x128xf32, #tpu.memory_space<vmem_shared>>) target_semaphore(%run_scoped3A : memref<!tpu.dma_semaphore, #tpu.memory_space<semaphore_mem>>)
        %dma_wait3A = arith.constant 0 : i32
        %dma_wait3A_60 = tpu.memref_slice %arg6[%mul3A_56, %dma_wait3A] : memref<10000x128xf32, #tpu.memory_space<vmem_shared>> -> memref<80x128xf32, #tpu.memory_space<vmem_shared>>
        %dma_wait3A_61 = arith.constant 0 : i32
        %dma_wait3A_62 = tpu.memref_slice %arg6[%mul3A_56, %dma_wait3A_61] : memref<10000x128xf32, #tpu.memory_space<vmem_shared>> -> memref<80x128xf32, #tpu.memory_space<vmem_shared>>
        tpu.wait_dma2 semaphore(%run_scoped3A : memref<!tpu.dma_semaphore, #tpu.memory_space<semaphore_mem>>) src(%arg5 : memref<80x128xf32, #tpu.memory_space<vmem>>) dst(%dma_wait3A_62 : memref<80x128xf32, #tpu.memory_space<vmem_shared>>)
        tpu.yield
      }) : () -> ()
    }
    %while3A_20 = arith.constant 1 : i32
    scf.for %while3A_52 = %while3A_18 to %while3A_14 step %while3A_20  : i32 {
      %mul3A_53 = arith.muli %while3A_52, %while3A : i32
      %add3A_54 = arith.addi %arg1, %mul3A_53 : i32
      %mul3A_55 = arith.constant 80 : i32
      %mul3A_56 = arith.muli %add3A_54, %mul3A_55 : i32
      "tpu.region"() ({
        %run_scoped3A = tpu.sem_alloc : memref<!tpu.dma_semaphore, #tpu.memory_space<semaphore_mem>>
        %dma_start3A = arith.constant 0 : i32
        %dma_start3A_57 = tpu.memref_slice %arg6[%mul3A_56, %dma_start3A] : memref<10000x128xf32, #tpu.memory_space<vmem_shared>> -> memref<80x128xf32, #tpu.memory_space<vmem_shared>>
        %dma_start3A_58 = arith.constant 0 : i32
        %dma_start3A_59 = tpu.memref_slice %arg6[%mul3A_56, %dma_start3A_58] : memref<10000x128xf32, #tpu.memory_space<vmem_shared>> -> memref<80x128xf32, #tpu.memory_space<vmem_shared>>
        tpu.enqueue_dma source(%arg5 : memref<80x128xf32, #tpu.memory_space<vmem>>) target(%dma_start3A_59 : memref<80x128xf32, #tpu.memory_space<vmem_shared>>) target_semaphore(%run_scoped3A : memref<!tpu.dma_semaphore, #tpu.memory_space<semaphore_mem>>)
        %dma_wait3A = arith.constant 0 : i32
        %dma_wait3A_60 = tpu.memref_slice %arg6[%mul3A_56, %dma_wait3A] : memref<10000x128xf32, #tpu.memory_space<vmem_shared>> -> memref<80x128xf32, #tpu.memory_space<vmem_shared>>
        %dma_wait3A_61 = arith.constant 0 : i32
        %dma_wait3A_62 = tpu.memref_slice %arg6[%mul3A_56, %dma_wait3A_61] : memref<10000x128xf32, #tpu.memory_space<vmem_shared>> -> memref<80x128xf32, #tpu.memory_space<vmem_shared>>
        tpu.wait_dma2 semaphore(%run_scoped3A : memref<!tpu.dma_semaphore, #tpu.memory_space<semaphore_mem>>) src(%arg5 : memref<80x128xf32, #tpu.memory_space<vmem>>) dst(%dma_wait3A_62 : memref<80x128xf32, #tpu.memory_space<vmem_shared>>)
        tpu.yield
      }) : () -> ()
    }
    %broadcast_in_dim3A_21 = arith.constant 1.000000e+00 : f32
    %broadcast_in_dim3A_22 = vector.broadcast %broadcast_in_dim3A_21 : f32 to vector<16xf32>
    %scan3A_23 = arith.constant 0 : i32
    %scan3A_24 = arith.constant 80 : i32
    %scan3A_25 = arith.addi %scan3A_23, %scan3A_24 : i32
    %scan3A_26 = arith.constant 1 : i32
    scf.for %scan3A_52 = %scan3A_23 to %scan3A_25 step %scan3A_26  : i32 {
      %mul3A_53 = arith.constant 1 : i32
      %mul3A_54 = arith.muli %scan3A_52, %mul3A_53 : i32
      %add3A_55 = arith.constant 0 : i32
      %add3A_56 = arith.addi %add3A_55, %mul3A_54 : i32
      %scan3A_57 = arith.constant 0 : i32
      %scan3A_58 = arith.constant 8 : i32
      %scan3A_59 = arith.addi %scan3A_57, %scan3A_58 : i32
      %scan3A_60 = arith.constant 1 : i32
      scf.for %scan3A_62 = %scan3A_57 to %scan3A_59 step %scan3A_60  : i32 {
        %mul3A_63 = arith.constant 16 : i32
        %mul3A_64 = arith.muli %scan3A_62, %mul3A_63 : i32
        %add3A_65 = arith.constant 0 : i32
        %add3A_66 = arith.addi %add3A_65, %mul3A_64 : i32
        %swap3A = arith.index_cast %add3A_56 : i32 to index
        %swap3A_67 = arith.index_cast %add3A_66 : i32 to index
        %swap3A_68 = tpu.vector_load %arg5[%swap3A, %swap3A_67] {strides = array<i32>} : memref<80x128xf32, #tpu.memory_space<vmem>>, vector<1x16xf32>,
        %swap3A_69 = vector.shape_cast %swap3A_68 : vector<1x16xf32> to vector<16xf32>
        %swap3A_70 = vector.shape_cast %broadcast_in_dim3A_22 : vector<16xf32> to vector<1x16xf32>
        tpu.vector_store %arg5[%swap3A, %swap3A_67], %swap3A_70 {strides = array<i32>} : memref<80x128xf32, #tpu.memory_space<vmem>>, vector<1x16xf32>,
      }
      %scan3A_61 = arith.constant 8 : i32
    }
    %scan3A_27 = arith.constant 80 : i32
    "tpu.region"() ({
      %run_scoped3A = tpu.sem_alloc : memref<!tpu.dma_semaphore, #tpu.memory_space<semaphore_mem>>
      %dma_start3A = arith.constant 0 : i32
      %dma_start3A_52 = arith.constant 0 : i32
      %dma_start3A_53 = tpu.memref_slice %arg2[%add3A, %dma_start3A, %dma_start3A_52] : memref<32x125x80xi32, #tpu.memory_space<hbm>> -> memref<1x125x80xi32, #tpu.memory_space<hbm>>
      %dma_start3A_54 = tpu.memref_squeeze %dma_start3A_53 : memref<1x125x80xi32, #tpu.memory_space<hbm>> -> memref<125x80xi32, #tpu.memory_space<hbm>>
      %dma_start3A_55 = arith.constant 0 : i32
      %dma_start3A_56 = arith.constant 0 : i32
      %dma_start3A_57 = tpu.memref_slice %arg2[%add3A, %dma_start3A_55, %dma_start3A_56] : memref<32x125x80xi32, #tpu.memory_space<hbm>> -> memref<1x125x80xi32, #tpu.memory_space<hbm>>
      %dma_start3A_58 = tpu.memref_squeeze %dma_start3A_57 : memref<1x125x80xi32, #tpu.memory_space<hbm>> -> memref<125x80xi32, #tpu.memory_space<hbm>>
      tpu.enqueue_dma source(%dma_start3A_58 : memref<125x80xi32, #tpu.memory_space<hbm>>) target(%arg4 : memref<125x80xi32, #tpu.memory_space<vmem>>) target_semaphore(%run_scoped3A : memref<!tpu.dma_semaphore, #tpu.memory_space<semaphore_mem>>)
      %dma_wait3A = arith.constant 0 : i32
      %dma_wait3A_59 = arith.constant 0 : i32
      %dma_wait3A_60 = tpu.memref_slice %arg2[%add3A, %dma_wait3A, %dma_wait3A_59] : memref<32x125x80xi32, #tpu.memory_space<hbm>> -> memref<1x125x80xi32, #tpu.memory_space<hbm>>
      %dma_wait3A_61 = tpu.memref_squeeze %dma_wait3A_60 : memref<1x125x80xi32, #tpu.memory_space<hbm>> -> memref<125x80xi32, #tpu.memory_space<hbm>>
      %dma_wait3A_62 = arith.constant 0 : i32
      %dma_wait3A_63 = arith.constant 0 : i32
      %dma_wait3A_64 = tpu.memref_slice %arg2[%add3A, %dma_wait3A_62, %dma_wait3A_63] : memref<32x125x80xi32, #tpu.memory_space<hbm>> -> memref<1x125x80xi32, #tpu.memory_space<hbm>>
      %dma_wait3A_65 = tpu.memref_squeeze %dma_wait3A_64 : memref<1x125x80xi32, #tpu.memory_space<hbm>> -> memref<125x80xi32, #tpu.memory_space<hbm>>
      tpu.wait_dma2 semaphore(%run_scoped3A : memref<!tpu.dma_semaphore, #tpu.memory_space<semaphore_mem>>) src(%dma_wait3A_65 : memref<125x80xi32, #tpu.memory_space<hbm>>) dst(%arg4 : memref<125x80xi32, #tpu.memory_space<vmem>>)
      tpu.yield
    }) : () -> ()
    %barrier3A = arith.constant 0 : index
    tpu.barrier barrier_id(%barrier3A)
    %scan3A_28 = arith.constant 0 : i32
    %scan3A_29 = arith.constant 125 : i32
    %scan3A_30 = arith.addi %scan3A_28, %scan3A_29 : i32
    %scan3A_31 = arith.constant 1 : i32
    scf.for %scan3A_52 = %scan3A_28 to %scan3A_30 step %scan3A_31  : i32 {
      %mul3A_53 = arith.constant 1 : i32
      %mul3A_54 = arith.muli %scan3A_52, %mul3A_53 : i32
      %add3A_55 = arith.constant 0 : i32
      %add3A_56 = arith.addi %add3A_55, %mul3A_54 : i32
      "tpu.region"() ({
        %run_scoped3A = tpu.sem_alloc : memref<!tpu.dma_semaphore, #tpu.memory_space<semaphore_mem>>
        %dma_start3A = arith.constant 0 : i32
        %dma_start3A_57 = tpu.memref_slice %arg4[%add3A_56, %dma_start3A] : memref<125x80xi32, #tpu.memory_space<vmem>> -> memref<1x80xi32, #tpu.memory_space<vmem>>
        %dma_start3A_58 = tpu.memref_squeeze %dma_start3A_57 : memref<1x80xi32, #tpu.memory_space<vmem>> -> memref<80xi32, #tpu.memory_space<vmem>>
        %dma_start3A_59 = arith.constant 0 : i32
        %dma_start3A_60 = arith.constant 0 : i32
        %dma_start3A_61 = tpu.memref_slice %arg6[%dma_start3A_59, %dma_start3A_60] : memref<10000x128xf32, #tpu.memory_space<vmem_shared>> -> memref<10000x128xf32, #tpu.memory_space<vmem_shared>>
        tpu.enqueue_indirect_dma source(%arg5 : memref<80x128xf32, #tpu.memory_space<vmem>>) target(%dma_start3A_61 : memref<10000x128xf32, #tpu.memory_space<vmem_shared>>) offsets(%dma_start3A_58 : memref<80xi32, #tpu.memory_space<vmem>>) semaphore(%run_scoped3A : memref<!tpu.dma_semaphore, #tpu.memory_space<semaphore_mem>>) {add = true}
        %dma_wait3A = arith.constant 0 : i32
        %dma_wait3A_62 = tpu.memref_slice %arg4[%add3A_56, %dma_wait3A] : memref<125x80xi32, #tpu.memory_space<vmem>> -> memref<1x80xi32, #tpu.memory_space<vmem>>
        %dma_wait3A_63 = tpu.memref_squeeze %dma_wait3A_62 : memref<1x80xi32, #tpu.memory_space<vmem>> -> memref<80xi32, #tpu.memory_space<vmem>>
        %dma_wait3A_64 = arith.constant 0 : i32
        %dma_wait3A_65 = arith.constant 0 : i32
        %dma_wait3A_66 = tpu.memref_slice %arg6[%dma_wait3A_64, %dma_wait3A_65] : memref<10000x128xf32, #tpu.memory_space<vmem_shared>> -> memref<10000x128xf32, #tpu.memory_space<vmem_shared>>
        tpu.wait_indirect_dma semaphore(%run_scoped3A : memref<!tpu.dma_semaphore, #tpu.memory_space<semaphore_mem>>) src(%arg5 : memref<80x128xf32, #tpu.memory_space<vmem>>) dst(%dma_wait3A_66 : memref<10000x128xf32, #tpu.memory_space<vmem_shared>>)
        tpu.yield
      }) : () -> ()
    }
    %scan3A_32 = arith.constant 125 : i32
    %barrier3A_33 = arith.constant 0 : index
    tpu.barrier barrier_id(%barrier3A_33)
    %sub3A_34 = arith.constant 125 : i32
    %sub3A_35 = arith.subi %sub3A_34, %arg1 : i32
    %sub3A_36 = arith.constant 16 : i32
    %sub3A_37 = arith.constant 1 : i32
    %sub3A_38 = arith.subi %sub3A_36, %sub3A_37 : i32
    %add3A_39 = arith.addi %sub3A_35, %sub3A_38 : i32
    %div3A_40 = arith.constant 16 : i32
    %div3A_41 = arith.divsi %add3A_39, %div3A_40 : i32
    %while3A_42 = arith.constant 16 : i32
    %while3A_43 = arith.constant 0 : i32
    %while3A_44 = arith.subi %div3A_41, %while3A_43 : i32
    %while3A_45 = arith.addi %while3A_43, %while3A_44 : i32
    %while3A_46 = arith.constant 1 : i32
    %while3A_47 = arith.divsi %while3A_44, %while3A_46 : i32
    %while3A_48 = arith.muli %while3A_47, %while3A_46 : i32
    %while3A_49 = arith.addi %while3A_43, %while3A_48 : i32
    %while3A_50 = arith.constant 1 : i32
    scf.for %while3A_52 = %while3A_43 to %while3A_49 step %while3A_50  : i32 {
      %mul3A_53 = arith.muli %while3A_52, %while3A_42 : i32
      %add3A_54 = arith.addi %arg1, %mul3A_53 : i32
      %mul3A_55 = arith.constant 80 : i32
      %mul3A_56 = arith.muli %add3A_54, %mul3A_55 : i32
      %mul3A_57 = arith.constant 10000 : i32
      %mul3A_58 = arith.muli %arg0, %mul3A_57 : i32
      %mul3A_59 = arith.constant 80 : i32
      %mul3A_60 = arith.muli %add3A_54, %mul3A_59 : i32
      %add3A_61 = arith.addi %mul3A_58, %mul3A_60 : i32
      "tpu.region"() ({
        %run_scoped3A = tpu.sem_alloc : memref<!tpu.dma_semaphore, #tpu.memory_space<semaphore_mem>>
        %dma_start3A = arith.constant 0 : i32
        %dma_start3A_62 = tpu.memref_slice %arg3[%add3A_61, %dma_start3A] : memref<20000x128xf32, #tpu.memory_space<hbm>> -> memref<80x128xf32, #tpu.memory_space<hbm>>
        %dma_start3A_63 = arith.constant 0 : i32
        %dma_start3A_64 = tpu.memref_slice %arg6[%mul3A_56, %dma_start3A_63] : memref<10000x128xf32, #tpu.memory_space<vmem_shared>> -> memref<80x128xf32, #tpu.memory_space<vmem_shared>>
        tpu.enqueue_dma source(%dma_start3A_64 : memref<80x128xf32, #tpu.memory_space<vmem_shared>>) target(%dma_start3A_62 : memref<80x128xf32, #tpu.memory_space<hbm>>) target_semaphore(%run_scoped3A : memref<!tpu.dma_semaphore, #tpu.memory_space<semaphore_mem>>)
        %dma_wait3A = arith.constant 0 : i32
        %dma_wait3A_65 = tpu.memref_slice %arg3[%add3A_61, %dma_wait3A] : memref<20000x128xf32, #tpu.memory_space<hbm>> -> memref<80x128xf32, #tpu.memory_space<hbm>>
        %dma_wait3A_66 = arith.constant 0 : i32
        %dma_wait3A_67 = tpu.memref_slice %arg6[%mul3A_56, %dma_wait3A_66] : memref<10000x128xf32, #tpu.memory_space<vmem_shared>> -> memref<80x128xf32, #tpu.memory_space<vmem_shared>>
        tpu.wait_dma2 semaphore(%run_scoped3A : memref<!tpu.dma_semaphore, #tpu.memory_space<semaphore_mem>>) src(%dma_wait3A_67 : memref<80x128xf32, #tpu.memory_space<vmem_shared>>) dst(%dma_wait3A_65 : memref<80x128xf32, #tpu.memory_space<hbm>>)
        tpu.yield
      }) : () -> ()
    }
    %while3A_51 = arith.constant 1 : i32
    scf.for %while3A_52 = %while3A_49 to %while3A_45 step %while3A_51  : i32 {
      %mul3A_53 = arith.muli %while3A_52, %while3A_42 : i32
      %add3A_54 = arith.addi %arg1, %mul3A_53 : i32
      %mul3A_55 = arith.constant 80 : i32
      %mul3A_56 = arith.muli %add3A_54, %mul3A_55 : i32
      %mul3A_57 = arith.constant 10000 : i32
      %mul3A_58 = arith.muli %arg0, %mul3A_57 : i32
      %mul3A_59 = arith.constant 80 : i32
      %mul3A_60 = arith.muli %add3A_54, %mul3A_59 : i32
      %add3A_61 = arith.addi %mul3A_58, %mul3A_60 : i32
      "tpu.region"() ({
        %run_scoped3A = tpu.sem_alloc : memref<!tpu.dma_semaphore, #tpu.memory_space<semaphore_mem>>
        %dma_start3A = arith.constant 0 : i32
        %dma_start3A_62 = tpu.memref_slice %arg3[%add3A_61, %dma_start3A] : memref<20000x128xf32, #tpu.memory_space<hbm>> -> memref<80x128xf32, #tpu.memory_space<hbm>>
        %dma_start3A_63 = arith.constant 0 : i32
        %dma_start3A_64 = tpu.memref_slice %arg6[%mul3A_56, %dma_start3A_63] : memref<10000x128xf32, #tpu.memory_space<vmem_shared>> -> memref<80x128xf32, #tpu.memory_space<vmem_shared>>
        tpu.enqueue_dma source(%dma_start3A_64 : memref<80x128xf32, #tpu.memory_space<vmem_shared>>) target(%dma_start3A_62 : memref<80x128xf32, #tpu.memory_space<hbm>>) target_semaphore(%run_scoped3A : memref<!tpu.dma_semaphore, #tpu.memory_space<semaphore_mem>>)
        %dma_wait3A = arith.constant 0 : i32
        %dma_wait3A_65 = tpu.memref_slice %arg3[%add3A_61, %dma_wait3A] : memref<20000x128xf32, #tpu.memory_space<hbm>> -> memref<80x128xf32, #tpu.memory_space<hbm>>
        %dma_wait3A_66 = arith.constant 0 : i32
        %dma_wait3A_67 = tpu.memref_slice %arg6[%mul3A_56, %dma_wait3A_66] : memref<10000x128xf32, #tpu.memory_space<vmem_shared>> -> memref<80x128xf32, #tpu.memory_space<vmem_shared>>
        tpu.wait_dma2 semaphore(%run_scoped3A : memref<!tpu.dma_semaphore, #tpu.memory_space<semaphore_mem>>) src(%dma_wait3A_67 : memref<80x128xf32, #tpu.memory_space<vmem_shared>>) dst(%dma_wait3A_65 : memref<80x128xf32, #tpu.memory_space<hbm>>)
        tpu.yield
      }) : () -> ()
    }
    return
  }
}

module attributes {stable_mosaic.version = 14 : i64} {
  func.func @_tc_node_body(%arg0: i32, %arg1: memref<2x1000x128xf32, #tpu.memory_space<vmem>>, %arg2: memref<2x1000x128xf32, #tpu.memory_space<vmem>>, %arg3: memref<1000x128xf32, #tpu.memory_space<vmem>>, %arg4: memref<128x128xf32, #tpu.memory_space<vmem>>, %arg5: memref<128x128xf32, #tpu.memory_space<vmem>>, %arg6: memref<3x128xf32, #tpu.memory_space<vmem>>, %arg7: memref<1000x128xf32, #tpu.memory_space<vmem>>) attributes {dimension_semantics = [#tpu.dimension_semantics<arbitrary>], iteration_bounds = array<i64: 10>, scalar_prefetch = 0 : i64, scratch_operands = 0 : i64, tpu.core_type = #tpu.core_type<tc>, window_params = [{transform_indices = @transform_0, window_bounds = array<i64: 2, 1000, 128>}, {transform_indices = @transform_1, window_bounds = array<i64: 2, 1000, 128>}, {transform_indices = @transform_2, window_bounds = array<i64: 1000, 128>}, {pipeline_mode = #tpu.pipeline_mode<synchronous>, transform_indices = @transform_3, window_bounds = array<i64: 128, 128>}, {pipeline_mode = #tpu.pipeline_mode<synchronous>, transform_indices = @transform_4, window_bounds = array<i64: 128, 128>}, {pipeline_mode = #tpu.pipeline_mode<synchronous>, transform_indices = @transform_5, window_bounds = array<i64: 3, 128>}, {transform_indices = @transform_6, window_bounds = array<i64: 1000, 128>}]} {
    %get3A = arith.constant 0 : index
    %get3A_0 = arith.constant 0 : index
    %get3A_1 = arith.constant 0 : index
    %get3A_2 = vector.load %arg1[%get3A, %get3A_0, %get3A_1] : memref<2x1000x128xf32, #tpu.memory_space<vmem>>, vector<1x1000x128xf32>
    %get3A_3 = vector.shape_cast %get3A_2 : vector<1x1000x128xf32> to vector<1000x128xf32>
    %get3A_4 = arith.constant 1 : index
    %get3A_5 = arith.constant 0 : index
    %get3A_6 = arith.constant 0 : index
    %get3A_7 = vector.load %arg1[%get3A_4, %get3A_5, %get3A_6] : memref<2x1000x128xf32, #tpu.memory_space<vmem>>, vector<1x1000x128xf32>
    %get3A_8 = vector.shape_cast %get3A_7 : vector<1x1000x128xf32> to vector<1000x128xf32>
    %add3A = arith.addf %get3A_3, %get3A_8 : vector<1000x128xf32>
    %get3A_9 = arith.constant 0 : index
    %get3A_10 = arith.constant 0 : index
    %get3A_11 = arith.constant 0 : index
    %get3A_12 = vector.load %arg2[%get3A_9, %get3A_10, %get3A_11] : memref<2x1000x128xf32, #tpu.memory_space<vmem>>, vector<1x1000x128xf32>
    %get3A_13 = vector.shape_cast %get3A_12 : vector<1x1000x128xf32> to vector<1000x128xf32>
    %slice3A = vector.extract_strided_slice %get3A_13 {offsets = [0, 0], sizes = [1000, 1], strides = [1, 1]} : vector<1000x128xf32> to vector<1000x1xf32>
    %get3A_14 = arith.constant 1 : index
    %get3A_15 = arith.constant 0 : index
    %get3A_16 = arith.constant 0 : index
    %get3A_17 = vector.load %arg2[%get3A_14, %get3A_15, %get3A_16] : memref<2x1000x128xf32, #tpu.memory_space<vmem>>, vector<1x1000x128xf32>
    %get3A_18 = vector.shape_cast %get3A_17 : vector<1x1000x128xf32> to vector<1000x128xf32>
    %slice3A_19 = vector.extract_strided_slice %get3A_18 {offsets = [0, 0], sizes = [1000, 1], strides = [1, 1]} : vector<1000x128xf32> to vector<1000x1xf32>
    %add3A_20 = arith.addf %slice3A, %slice3A_19 : vector<1000x1xf32>
    %max3A = arith.constant 1.000000e+00 : f32
    %max3A_21 = vector.broadcast %max3A : f32 to vector<1000x1xf32>
    %max3A_22 = arith.maximumf %add3A_20, %max3A_21 : vector<1000x1xf32>
    %div3A = vector.broadcast %max3A_22 : vector<1000x1xf32> to vector<1000x128xf32>
    %div3A_23 = arith.divf %add3A, %div3A : vector<1000x128xf32>
    %get3A_24 = arith.constant 0 : index
    %get3A_25 = arith.constant 0 : index
    %get3A_26 = vector.load %arg4[%get3A_24, %get3A_25] : memref<128x128xf32, #tpu.memory_space<vmem>>, vector<128x128xf32>
    %dot_general3A = arith.constant dense<0.000000e+00> : vector<1000x128xf32>
    %dot_general3A_27 = tpu.matmul %div3A_23, %get3A_26, %dot_general3A {dimension_numbers = #tpu.dot_dimension_numbers<[1], [0], [0], [1], [0, 0, 1, 1], [], []>, transpose_lhs_hint = false} : vector<1000x128xf32>, vector<128x128xf32>, vector<1000x128xf32> -> vector<1000x128xf32>
    %get3A_28 = arith.constant 0 : index
    %get3A_29 = arith.constant 0 : index
    %get3A_30 = vector.load %arg3[%get3A_28, %get3A_29] : memref<1000x128xf32, #tpu.memory_space<vmem>>, vector<1000x128xf32>
    %get3A_31 = arith.constant 0 : index
    %get3A_32 = arith.constant 0 : index
    %get3A_33 = vector.load %arg5[%get3A_31, %get3A_32] : memref<128x128xf32, #tpu.memory_space<vmem>>, vector<128x128xf32>
    %dot_general3A_34 = arith.constant dense<0.000000e+00> : vector<1000x128xf32>
    %dot_general3A_35 = tpu.matmul %get3A_30, %get3A_33, %dot_general3A_34 {dimension_numbers = #tpu.dot_dimension_numbers<[1], [0], [0], [1], [0, 0, 1, 1], [], []>, transpose_lhs_hint = false} : vector<1000x128xf32>, vector<128x128xf32>, vector<1000x128xf32> -> vector<1000x128xf32>
    %add3A_36 = arith.addf %dot_general3A_27, %dot_general3A_35 : vector<1000x128xf32>
    %get3A_37 = arith.constant 0 : index
    %get3A_38 = arith.constant 0 : index
    %get3A_39 = vector.load %arg6[%get3A_37, %get3A_38] : memref<3x128xf32, #tpu.memory_space<vmem>>, vector<1x128xf32>
    %add3A_40 = vector.broadcast %get3A_39 : vector<1x128xf32> to vector<1000x128xf32>
    %add3A_41 = arith.addf %add3A_36, %add3A_40 : vector<1000x128xf32>
    %reduce_sum3A = arith.constant dense<0.000000e+00> : vector<1000xf32>
    %reduce_sum3A_42 = vector.multi_reduction <add>, %add3A_41, %reduce_sum3A [1] : vector<1000x128xf32> to vector<1000xf32>
    %broadcast_in_dim3A = vector.shape_cast %reduce_sum3A_42 : vector<1000xf32> to vector<1000x1xf32>
    %div3A_43 = arith.constant 1.280000e+02 : f32
    %div3A_44 = vector.broadcast %div3A_43 : f32 to vector<1000x1xf32>
    %div3A_45 = arith.divf %broadcast_in_dim3A, %div3A_44 : vector<1000x1xf32>
    %sub3A = vector.broadcast %div3A_45 : vector<1000x1xf32> to vector<1000x128xf32>
    %sub3A_46 = arith.subf %add3A_41, %sub3A : vector<1000x128xf32>
    %integer_pow3A = arith.mulf %sub3A_46, %sub3A_46 : vector<1000x128xf32>
    %reduce_sum3A_47 = arith.constant dense<0.000000e+00> : vector<1000xf32>
    %reduce_sum3A_48 = vector.multi_reduction <add>, %integer_pow3A, %reduce_sum3A_47 [1] : vector<1000x128xf32> to vector<1000xf32>
    %broadcast_in_dim3A_49 = vector.shape_cast %reduce_sum3A_48 : vector<1000xf32> to vector<1000x1xf32>
    %div3A_50 = arith.constant 1.280000e+02 : f32
    %div3A_51 = vector.broadcast %div3A_50 : f32 to vector<1000x1xf32>
    %div3A_52 = arith.divf %broadcast_in_dim3A_49, %div3A_51 : vector<1000x1xf32>
    %sub3A_53 = vector.broadcast %div3A_45 : vector<1000x1xf32> to vector<1000x128xf32>
    %sub3A_54 = arith.subf %add3A_41, %sub3A_53 : vector<1000x128xf32>
    %add3A_55 = arith.constant 9.99999974E-6 : f32
    %add3A_56 = vector.broadcast %add3A_55 : f32 to vector<1000x1xf32>
    %add3A_57 = arith.addf %div3A_52, %add3A_56 : vector<1000x1xf32>
    %rsqrt3A = math.rsqrt %add3A_57 : vector<1000x1xf32>
    %mul3A = vector.broadcast %rsqrt3A : vector<1000x1xf32> to vector<1000x128xf32>
    %mul3A_58 = arith.mulf %sub3A_54, %mul3A : vector<1000x128xf32>
    %get3A_59 = arith.constant 1 : index
    %get3A_60 = arith.constant 0 : index
    %get3A_61 = vector.load %arg6[%get3A_59, %get3A_60] : memref<3x128xf32, #tpu.memory_space<vmem>>, vector<1x128xf32>
    %mul3A_62 = vector.broadcast %get3A_61 : vector<1x128xf32> to vector<1000x128xf32>
    %mul3A_63 = arith.mulf %mul3A_58, %mul3A_62 : vector<1000x128xf32>
    %get3A_64 = arith.constant 2 : index
    %get3A_65 = arith.constant 0 : index
    %get3A_66 = vector.load %arg6[%get3A_64, %get3A_65] : memref<3x128xf32, #tpu.memory_space<vmem>>, vector<1x128xf32>
    %add3A_67 = vector.broadcast %get3A_66 : vector<1x128xf32> to vector<1000x128xf32>
    %add3A_68 = arith.addf %mul3A_63, %add3A_67 : vector<1000x128xf32>
    %max3A_69 = arith.constant 0.000000e+00 : f32
    %max3A_70 = vector.broadcast %max3A_69 : f32 to vector<1000x128xf32>
    %max3A_71 = arith.maximumf %add3A_68, %max3A_70 : vector<1000x128xf32>
    %swap3A = arith.constant 0 : index
    %swap3A_72 = arith.constant 0 : index
    %swap3A_73 = vector.load %arg7[%swap3A, %swap3A_72] : memref<1000x128xf32, #tpu.memory_space<vmem>>, vector<1000x128xf32>
    tpu.vector_store %arg7[%swap3A, %swap3A_72], %max3A_71 {strides = array<i32>} : memref<1000x128xf32, #tpu.memory_space<vmem>>, vector<1000x128xf32>,
    return
  }
  func.func @transform_0(%arg0: i32) -> (i32, i32, i32) {
    %c0_i32 = arith.constant 0 : i32
    %c0_i32_0 = arith.constant 0 : i32
    %c0_i32_1 = arith.constant 0 : i32
    return %c0_i32, %arg0, %c0_i32_0 : i32, i32, i32
  }
  func.func @transform_1(%arg0: i32) -> (i32, i32, i32) {
    %c0_i32 = arith.constant 0 : i32
    %c0_i32_0 = arith.constant 0 : i32
    %c0_i32_1 = arith.constant 0 : i32
    return %c0_i32, %arg0, %c0_i32_0 : i32, i32, i32
  }
  func.func @transform_2(%arg0: i32) -> (i32, i32) {
    %c0_i32 = arith.constant 0 : i32
    %c0_i32_0 = arith.constant 0 : i32
    return %arg0, %c0_i32 : i32, i32
  }
  func.func @transform_3(%arg0: i32) -> (i32, i32) {
    %c0_i32 = arith.constant 0 : i32
    %c0_i32_0 = arith.constant 0 : i32
    %c0_i32_1 = arith.constant 0 : i32
    return %c0_i32, %c0_i32_0 : i32, i32
  }
  func.func @transform_4(%arg0: i32) -> (i32, i32) {
    %c0_i32 = arith.constant 0 : i32
    %c0_i32_0 = arith.constant 0 : i32
    %c0_i32_1 = arith.constant 0 : i32
    return %c0_i32, %c0_i32_0 : i32, i32
  }
  func.func @transform_5(%arg0: i32) -> (i32, i32) {
    %c0_i32 = arith.constant 0 : i32
    %c0_i32_0 = arith.constant 0 : i32
    %c0_i32_1 = arith.constant 0 : i32
    return %c0_i32, %c0_i32_0 : i32, i32
  }
  func.func @transform_6(%arg0: i32) -> (i32, i32) {
    %c0_i32 = arith.constant 0 : i32
    %c0_i32_0 = arith.constant 0 : i32
    return %arg0, %c0_i32 : i32, i32
  }
}

module attributes {stable_mosaic.version = 14 : i64} {
  func.func @_tc_edge_body(%arg0: i32, %arg1: memref<1000x128xf32, #tpu.memory_space<vmem>>, %arg2: memref<1000x128xf32, #tpu.memory_space<vmem>>, %arg3: memref<1000x16xf32, #tpu.memory_space<vmem>>, %arg4: memref<128x128xbf16, #tpu.memory_space<vmem>>, %arg5: memref<128x128xbf16, #tpu.memory_space<vmem>>, %arg6: memref<128x128xbf16, #tpu.memory_space<vmem>>, %arg7: memref<16x128xbf16, #tpu.memory_space<vmem>>, %arg8: memref<128x128xbf16, #tpu.memory_space<vmem>>, %arg9: memref<4x128xf32, #tpu.memory_space<vmem>>, %arg10: memref<1000x1xf32, #tpu.memory_space<vmem>>) attributes {dimension_semantics = [#tpu.dimension_semantics<arbitrary>], iteration_bounds = array<i64: 320>, scalar_prefetch = 0 : i64, scratch_operands = 0 : i64, tpu.core_type = #tpu.core_type<tc>, window_params = [{transform_indices = @transform_0, window_bounds = array<i64: 1000, 128>}, {transform_indices = @transform_1, window_bounds = array<i64: 1000, 128>}, {transform_indices = @transform_2, window_bounds = array<i64: 1000, 16>}, {pipeline_mode = #tpu.pipeline_mode<synchronous>, transform_indices = @transform_3, window_bounds = array<i64: 128, 128>}, {pipeline_mode = #tpu.pipeline_mode<synchronous>, transform_indices = @transform_4, window_bounds = array<i64: 128, 128>}, {pipeline_mode = #tpu.pipeline_mode<synchronous>, transform_indices = @transform_5, window_bounds = array<i64: 128, 128>}, {pipeline_mode = #tpu.pipeline_mode<synchronous>, transform_indices = @transform_6, window_bounds = array<i64: 16, 128>}, {pipeline_mode = #tpu.pipeline_mode<synchronous>, transform_indices = @transform_7, window_bounds = array<i64: 128, 128>}, {pipeline_mode = #tpu.pipeline_mode<synchronous>, transform_indices = @transform_8, window_bounds = array<i64: 4, 128>}, {transform_indices = @transform_9, window_bounds = array<i64: 1000, 1>}]} {
    %get3A = arith.constant 0 : index
    %get3A_0 = arith.constant 0 : index
    %get3A_1 = vector.load %arg1[%get3A, %get3A_0] : memref<1000x128xf32, #tpu.memory_space<vmem>>, vector<1000x128xf32>
    %get3A_2 = arith.constant 0 : index
    %get3A_3 = arith.constant 0 : index
    %get3A_4 = vector.load %arg2[%get3A_2, %get3A_3] : memref<1000x128xf32, #tpu.memory_space<vmem>>, vector<1000x128xf32>
    %convert_element_type3A = arith.truncf %get3A_1 : vector<1000x128xf32> to vector<1000x128xbf16>
    %get3A_5 = arith.constant 0 : index
    %get3A_6 = arith.constant 0 : index
    %get3A_7 = vector.load %arg4[%get3A_5, %get3A_6] : memref<128x128xbf16, #tpu.memory_space<vmem>>, vector<128x128xbf16>
    %dot_general3A = arith.constant dense<0.000000e+00> : vector<1000x128xf32>
    %dot_general3A_8 = tpu.matmul %convert_element_type3A, %get3A_7, %dot_general3A {dimension_numbers = #tpu.dot_dimension_numbers<[1], [0], [0], [1], [0, 0, 1, 1], [], []>, transpose_lhs_hint = false} : vector<1000x128xbf16>, vector<128x128xbf16>, vector<1000x128xf32> -> vector<1000x128xf32>
    %convert_element_type3A_9 = arith.truncf %get3A_4 : vector<1000x128xf32> to vector<1000x128xbf16>
    %get3A_10 = arith.constant 0 : index
    %get3A_11 = arith.constant 0 : index
    %get3A_12 = vector.load %arg5[%get3A_10, %get3A_11] : memref<128x128xbf16, #tpu.memory_space<vmem>>, vector<128x128xbf16>
    %dot_general3A_13 = arith.constant dense<0.000000e+00> : vector<1000x128xf32>
    %dot_general3A_14 = tpu.matmul %convert_element_type3A_9, %get3A_12, %dot_general3A_13 {dimension_numbers = #tpu.dot_dimension_numbers<[1], [0], [0], [1], [0, 0, 1, 1], [], []>, transpose_lhs_hint = false} : vector<1000x128xbf16>, vector<128x128xbf16>, vector<1000x128xf32> -> vector<1000x128xf32>
    %add3A = arith.addf %dot_general3A_8, %dot_general3A_14 : vector<1000x128xf32>
    %mul3A = arith.mulf %get3A_1, %get3A_4 : vector<1000x128xf32>
    %convert_element_type3A_15 = arith.truncf %mul3A : vector<1000x128xf32> to vector<1000x128xbf16>
    %get3A_16 = arith.constant 0 : index
    %get3A_17 = arith.constant 0 : index
    %get3A_18 = vector.load %arg6[%get3A_16, %get3A_17] : memref<128x128xbf16, #tpu.memory_space<vmem>>, vector<128x128xbf16>
    %dot_general3A_19 = arith.constant dense<0.000000e+00> : vector<1000x128xf32>
    %dot_general3A_20 = tpu.matmul %convert_element_type3A_15, %get3A_18, %dot_general3A_19 {dimension_numbers = #tpu.dot_dimension_numbers<[1], [0], [0], [1], [0, 0, 1, 1], [], []>, transpose_lhs_hint = false} : vector<1000x128xbf16>, vector<128x128xbf16>, vector<1000x128xf32> -> vector<1000x128xf32>
    %add3A_21 = arith.addf %add3A, %dot_general3A_20 : vector<1000x128xf32>
    %get3A_22 = arith.constant 0 : index
    %get3A_23 = arith.constant 0 : index
    %get3A_24 = vector.load %arg3[%get3A_22, %get3A_23] : memref<1000x16xf32, #tpu.memory_space<vmem>>, vector<1000x16xf32>
    %convert_element_type3A_25 = arith.truncf %get3A_24 : vector<1000x16xf32> to vector<1000x16xbf16>
    %get3A_26 = arith.constant 0 : index
    %get3A_27 = arith.constant 0 : index
    %get3A_28 = vector.load %arg7[%get3A_26, %get3A_27] : memref<16x128xbf16, #tpu.memory_space<vmem>>, vector<16x128xbf16>
    %dot_general3A_29 = arith.constant dense<0.000000e+00> : vector<1000x128xf32>
    %dot_general3A_30 = tpu.matmul %convert_element_type3A_25, %get3A_28, %dot_general3A_29 {dimension_numbers = #tpu.dot_dimension_numbers<[1], [0], [0], [1], [0, 0, 1, 1], [], []>, transpose_lhs_hint = false} : vector<1000x16xbf16>, vector<16x128xbf16>, vector<1000x128xf32> -> vector<1000x128xf32>
    %add3A_31 = arith.addf %add3A_21, %dot_general3A_30 : vector<1000x128xf32>
    %get3A_32 = arith.constant 0 : index
    %get3A_33 = arith.constant 0 : index
    %get3A_34 = vector.load %arg9[%get3A_32, %get3A_33] : memref<4x128xf32, #tpu.memory_space<vmem>>, vector<1x128xf32>
    %add3A_35 = vector.broadcast %get3A_34 : vector<1x128xf32> to vector<1000x128xf32>
    %add3A_36 = arith.addf %add3A_31, %add3A_35 : vector<1000x128xf32>
    %max3A = arith.constant 0.000000e+00 : f32
    %max3A_37 = vector.broadcast %max3A : f32 to vector<1000x128xf32>
    %max3A_38 = arith.maximumf %add3A_36, %max3A_37 : vector<1000x128xf32>
    %convert_element_type3A_39 = arith.truncf %max3A_38 : vector<1000x128xf32> to vector<1000x128xbf16>
    %get3A_40 = arith.constant 0 : index
    %get3A_41 = arith.constant 0 : index
    %get3A_42 = vector.load %arg8[%get3A_40, %get3A_41] : memref<128x128xbf16, #tpu.memory_space<vmem>>, vector<128x128xbf16>
    %dot_general3A_43 = arith.constant dense<0.000000e+00> : vector<1000x128xf32>
    %dot_general3A_44 = tpu.matmul %convert_element_type3A_39, %get3A_42, %dot_general3A_43 {dimension_numbers = #tpu.dot_dimension_numbers<[1], [0], [0], [1], [0, 0, 1, 1], [], []>, transpose_lhs_hint = false} : vector<1000x128xbf16>, vector<128x128xbf16>, vector<1000x128xf32> -> vector<1000x128xf32>
    %get3A_45 = arith.constant 1 : index
    %get3A_46 = arith.constant 0 : index
    %get3A_47 = vector.load %arg9[%get3A_45, %get3A_46] : memref<4x128xf32, #tpu.memory_space<vmem>>, vector<1x128xf32>
    %add3A_48 = vector.broadcast %get3A_47 : vector<1x128xf32> to vector<1000x128xf32>
    %add3A_49 = arith.addf %dot_general3A_44, %add3A_48 : vector<1000x128xf32>
    %max3A_50 = arith.constant 0.000000e+00 : f32
    %max3A_51 = vector.broadcast %max3A_50 : f32 to vector<1000x128xf32>
    %max3A_52 = arith.maximumf %add3A_49, %max3A_51 : vector<1000x128xf32>
    %get3A_53 = arith.constant 2 : index
    %get3A_54 = arith.constant 0 : index
    %get3A_55 = vector.load %arg9[%get3A_53, %get3A_54] : memref<4x128xf32, #tpu.memory_space<vmem>>, vector<1x128xf32>
    %mul3A_56 = vector.broadcast %get3A_55 : vector<1x128xf32> to vector<1000x128xf32>
    %mul3A_57 = arith.mulf %max3A_52, %mul3A_56 : vector<1000x128xf32>
    %reduce_sum3A = arith.constant dense<0.000000e+00> : vector<1000xf32>
    %reduce_sum3A_58 = vector.multi_reduction <add>, %mul3A_57, %reduce_sum3A [1] : vector<1000x128xf32> to vector<1000xf32>
    %broadcast_in_dim3A = vector.shape_cast %reduce_sum3A_58 : vector<1000xf32> to vector<1000x1xf32>
    %get3A_59 = arith.constant 3 : index
    %get3A_60 = arith.constant 0 : index
    %get3A_61 = vector.load %arg9[%get3A_59, %get3A_60] : memref<4x128xf32, #tpu.memory_space<vmem>>, vector<1x1xf32>
    %add3A_62 = vector.broadcast %get3A_61 : vector<1x1xf32> to vector<1000x1xf32>
    %add3A_63 = arith.addf %broadcast_in_dim3A, %add3A_62 : vector<1000x1xf32>
    %swap3A = arith.constant 0 : index
    %swap3A_64 = arith.constant 0 : index
    %swap3A_65 = vector.load %arg10[%swap3A, %swap3A_64] : memref<1000x1xf32, #tpu.memory_space<vmem>>, vector<1000x1xf32>
    tpu.vector_store %arg10[%swap3A, %swap3A_64], %add3A_63 {strides = array<i32>} : memref<1000x1xf32, #tpu.memory_space<vmem>>, vector<1000x1xf32>,
    return
  }
  func.func @transform_0(%arg0: i32) -> (i32, i32) {
    %c0_i32 = arith.constant 0 : i32
    %c0_i32_0 = arith.constant 0 : i32
    return %arg0, %c0_i32 : i32, i32
  }
  func.func @transform_1(%arg0: i32) -> (i32, i32) {
    %c0_i32 = arith.constant 0 : i32
    %c0_i32_0 = arith.constant 0 : i32
    return %arg0, %c0_i32 : i32, i32
  }
  func.func @transform_2(%arg0: i32) -> (i32, i32) {
    %c0_i32 = arith.constant 0 : i32
    %c0_i32_0 = arith.constant 0 : i32
    return %arg0, %c0_i32 : i32, i32
  }
  func.func @transform_3(%arg0: i32) -> (i32, i32) {
    %c0_i32 = arith.constant 0 : i32
    %c0_i32_0 = arith.constant 0 : i32
    %c0_i32_1 = arith.constant 0 : i32
    return %c0_i32, %c0_i32_0 : i32, i32
  }
  func.func @transform_4(%arg0: i32) -> (i32, i32) {
    %c0_i32 = arith.constant 0 : i32
    %c0_i32_0 = arith.constant 0 : i32
    %c0_i32_1 = arith.constant 0 : i32
    return %c0_i32, %c0_i32_0 : i32, i32
  }
  func.func @transform_5(%arg0: i32) -> (i32, i32) {
    %c0_i32 = arith.constant 0 : i32
    %c0_i32_0 = arith.constant 0 : i32
    %c0_i32_1 = arith.constant 0 : i32
    return %c0_i32, %c0_i32_0 : i32, i32
  }
  func.func @transform_6(%arg0: i32) -> (i32, i32) {
    %c0_i32 = arith.constant 0 : i32
    %c0_i32_0 = arith.constant 0 : i32
    %c0_i32_1 = arith.constant 0 : i32
    return %c0_i32, %c0_i32_0 : i32, i32
  }
  func.func @transform_7(%arg0: i32) -> (i32, i32) {
    %c0_i32 = arith.constant 0 : i32
    %c0_i32_0 = arith.constant 0 : i32
    %c0_i32_1 = arith.constant 0 : i32
    return %c0_i32, %c0_i32_0 : i32, i32
  }
  func.func @transform_8(%arg0: i32) -> (i32, i32) {
    %c0_i32 = arith.constant 0 : i32
    %c0_i32_0 = arith.constant 0 : i32
    %c0_i32_1 = arith.constant 0 : i32
    return %c0_i32, %c0_i32_0 : i32, i32
  }
  func.func @transform_9(%arg0: i32) -> (i32, i32) {
    %c0_i32 = arith.constant 0 : i32
    %c0_i32_0 = arith.constant 0 : i32
    return %arg0, %c0_i32 : i32, i32
  }
}

</mosaic_0001>

<sc_bundles>
// kernel: kernel.12.cloned.1.call-start
scs
__scs_entry_jumppad:
0x0: {  	(pc) =	sbr.rel $0x88, $3  }
0x1: {  	(tag) =	ssettag $0x0;
	lr =	simm.s32 $0x1  }
0x2: {  	[smem:$0x3F8E] =	sst lr;
	_ =	strace $0xD0000000  }
0x3: {  	_ = 	snop  }
0x4: {  	_ = 	snop  }
0x5: {  	_ = 	snop  }
0x6: {  	_ = 	snop  }
0x7: {  	_ = 	snop  }
__scs_overlays_trampoline_lowered:
0x8: {  	[smem:$0x3F9D] =	sst s0  }
0x9: {  	[smem:$0x3F9E] =	sst s1  }
0xa: {  	[smem:$0x3F9F] =	sst s2  }
0xb: {  	[smem:$0x3FA0] =	sst s3  }
0xc: {  	[smem:$0x3FA1] =	sst s4  }
0xd: {  	[smem:$0x3FA2] =	sst s5  }
0xe: {  	[smem:$0x3FA3] =	sst s6  }
0xf: {  	[smem:$0x3FA4] =	sst s7  }
0x10: {  	[smem:$0x3FA5] =	sst s8  }
0x11: {  	[smem:$0x3FA6] =	sst s9;
	s0 =	simm.s32 @!p0 $0x0  }
0x12: {  	s1 =	sld [smem:$0x3F8C];
	s0 =	simm.s32 @p0 $0x1  }
0x13: {  	[smem:$0x3FA7] =	sst s0;
	s0 =	simm.s32 @!p1 $0x0  }
0x14: {  	s2 =	sld [smem:$0x3F8B];
	s0 =	simm.s32 @p1 $0x1  }
0x15: {  	[smem:$0x3FA8] =	sst s0;
	s0 =	simm.s32 @!p2 $0x0  }
0x16: {  	s3 =	sld [smem:$0x3FDB];
	s0 =	simm.s32 @p2 $0x1  }
0x17: {  	s4 =	simm.s32 $0x1BF5;
	[smem:$0x3FAA] =	sst s0  }
0x18: {  	s0 =	sld [smem:$0x3F8D];
	_ =	swait.ge [sflag:s4], $0x0  }
0x19: {  	s7 =	sld [smem:$0x3F8E]  }
0x1a: {  	s8 =	sadd.s32 $0xFFFFE003, lr  }
0x1b: {  	s9 =	sadd.s32 $0xFFFFFEF7, lr;
	s5 =	simm.s32 $0xFFFFFFFF;
	p2 =	slt.u32 s8, $0xFFFFF086  }
0x1c: {  	p1 =	slt.u32 s9, $0xF7A;
	s5 =	simm.s32 @!p2 $0x0  }
0x1d: {  	s5 =	simm.s32 @p1 $0x1;
	p0 =	seq.s32 s7, s2  }
0x1e: {  	s7 =	smul.u32 @!p0 $0xF7A, s2;
	p2 =	seq.s32 @!p0 s5, $0x0  }
0x1f: {  	s9 =	smul.u32 $0xF7A, s1;
	s8 =	simm.s32 @!p0 $0x1BF5;
	p2 =	por !p2, p0  }
0x20: {  	[sflag:s8] =	ssyncset.s32 @!p0 $0xFFFFF086;
	s6 =	sadd.s32 @!p0 s3, s7;
	s7 =	simm.s32 @!p0 $0x108  }
0x21: {  	s3 =	sadd.s32 s3, s9;
	s6 =	sadd.s32 @!p0 $0x88, s6;
	s7 =	simm.s32 @p2 $0x1082  }
0x22: {  	[simem:s7], [sflag:s8] =	dma.local @!p0 [hbm:s6], $0xF7A  }
0x23: {  	s9 =	sor.u32 $0xD0000000, s2;
	s6 =	simm.s32 $0x108;
	_ =	swait.ge @!p0 [sflag:s8], $0x0  }
0x24: {  	s3 =	sadd.s32 $0x88, s3;
	s6 =	simm.s32 @!p1 $0x1082;
	[sflag:s4] =	ssyncset.s32 $0xFFFFF086  }
0x25: {  	[simem:s6], [sflag:s4] =	dma.local [hbm:s3], $0xF7A  }
0x26: {  	[smem:$0x3F8E] =	sst s1;
	(tag) =	ssettag s2;
	_ =	strace s9  }
0x27: {  	s1 =	sld [smem:$0x3F9E]  }
0x28: {  	s2 =	sld [smem:$0x3F9F]  }
0x29: {  	s4 =	sld [smem:$0x3FA1]  }
0x2a: {  	p0 =	seq.s32 s5, $0x0;
	s5 =	sld [smem:$0x3FA2]  }
0x2b: {  	s6 =	sld [smem:$0x3FA3]  }
0x2c: {  	s7 =	sld [smem:$0x3FA4]  }
0x2d: {  	s3 =	simm.s32 $0x108;
	s8 =	sld [smem:$0x3FA5]  }
0x2e: {  	s3 =	simm.s32 @!p0 $0x1082;
	s9 =	sld [smem:$0x3FA6]  }
0x2f: {  	lr =	sadd.s32 s0, s3;
	s0 =	sld [smem:$0x3F9D]  }
0x30: {  	s3 =	sld [smem:$0x3FA0]  }
0x31: {  	[smem:$0x3FA9] =	sst s10  }
0x32: {  	s10 =	sld [smem:$0x3FA7];
	_ =	sdelay $0x3  }
0x33: {  	p0 =	seq.s32 s10, $0x1;
	s10 =	sld [smem:$0x3FA9];
	_ =	sdelay $0x3  }
0x34: {  	[smem:$0x3FA9] =	sst s10  }
0x35: {  	s10 =	sld [smem:$0x3FA8];
	_ =	sdelay $0x3  }
0x36: {  	p1 =	seq.s32 s10, $0x1;
	s10 =	sld [smem:$0x3FA9];
	_ =	sdelay $0x3  }
0x37: {  	[smem:$0x3FA9] =	sst s10  }
0x38: {  	s10 =	sld [smem:$0x3FAA]  }
0x39: {  	_ = 	snop;
	(pc) =	sbr.ind lr, $3  }
0x3a: {  	_ = 	snop  }
0x3b: {  	_ = 	snop  }
0x3c: {  	p2 =	seq.s32 s10, $0x1;
	s10 =	sld [smem:$0x3FA9]  }
0x3d: {  	_ =	shalt  }
0x3e: {  	_ =	shalt  }
0x3f: {  	_ =	shalt  }
0x40: {  	_ =	shalt  }
0x41: {  	_ =	shalt  }
0x42: {  	_ =	shalt  }
0x43: {  	_ =	shalt  }
0x44: {  	_ =	shalt  }
0x45: {  	_ =	shalt  }
0x46: {  	_ =	shalt  }
0x47: {  	_ =	shalt  }
0x48: {  	_ =	shalt  }
0x49: {  	_ =	shalt  }
0x4a: {  	_ =	shalt  }
0x4b: {  	_ =	shalt  }
0x4c: {  	_ =	shalt  }
0x4d: {  	_ =	shalt  }
0x4e: {  	_ =	shalt  }
0x4f: {  	_ =	shalt  }
0x50: {  	_ =	shalt  }
0x51: {  	_ =	shalt  }
0x52: {  	_ =	shalt  }
0x53: {  	_ =	shalt  }
0x54: {  	_ =	shalt  }
0x55: {  	_ =	shalt  }
0x56: {  	_ =	shalt  }
0x57: {  	_ =	shalt  }
0x58: {  	_ =	shalt  }
0x59: {  	_ =	shalt  }
0x5a: {  	_ =	shalt  }
0x5b: {  	_ =	shalt  }
0x5c: {  	_ =	shalt  }
0x5d: {  	_ =	shalt  }
0x5e: {  	_ =	shalt  }
0x5f: {  	_ =	shalt  }
0x60: {  	_ =	shalt  }
0x61: {  	_ =	shalt  }
0x62: {  	_ =	shalt  }
0x63: {  	_ =	shalt  }
0x64: {  	_ =	shalt  }
0x65: {  	_ =	shalt  }
0x66: {  	_ =	shalt  }
0x67: {  	_ =	shalt  }
0x68: {  	_ =	shalt  }
0x69: {  	_ =	shalt  }
0x6a: {  	_ =	shalt  }
0x6b: {  	_ =	shalt  }
0x6c: {  	_ =	shalt  }
0x6d: {  	_ =	shalt  }
0x6e: {  	_ =	shalt  }
0x6f: {  	_ =	shalt  }
0x70: {  	_ =	shalt  }
0x71: {  	_ =	shalt  }
0x72: {  	_ =	shalt  }
0x73: {  	_ =	shalt  }
0x74: {  	_ =	shalt  }
0x75: {  	_ =	shalt  }
0x76: {  	_ =	shalt  }
0x77: {  	_ =	shalt  }
0x78: {  	_ =	shalt  }
0x79: {  	_ =	shalt  }
0x7a: {  	_ =	shalt  }
0x7b: {  	_ =	shalt  }
0x7c: {  	_ =	shalt  }
0x7d: {  	_ =	shalt  }
0x7e: {  	_ =	shalt  }
0x7f: {  	_ =	shalt  }
0x80: {  	_ =	shalt  }
0x81: {  	_ =	shalt  }
0x82: {  	_ =	shalt  }
0x83: {  	_ =	shalt  }
0x84: {  	_ =	shalt  }
0x85: {  	_ =	shalt  }
0x86: {  	_ =	shalt  }
0x87: {  	_ =	shalt  }
.Lfunc_end0:
.L_simem_size_0:
called_computation.1_lowered:
.L_overlay_start_0:
0x88: {  	s2 =	sld [smem:$0x3FD9]  }
0x89: {  	s3 =	sld [smem:$0x3FFE];
	_ =	sdelay $0x1  }
0x8a: {  	s1 =	srdreg.scid  }
0x8b: {  	s0 =	sand.u32 $0x1, s1  }
0x8c: {  	s17 =	sshll.u32 s0, $0xA;
	s2 =	sadd.s32 s3, s2  }
0x8d: {  	s2 =	sadd.s32 s2, s17  }
0x8e: {  	[smem:$0x3FB5] =	sst s2  }
0x8f: {  	_ = 	snop  }
0x90: {  	s2 =	sld [smem:$0x3FC9];
	(tm) =	ssettm $0x1  }
0x91: {  	s18 =	sld [smem:$0x3FFB];
	_ =	sdelay $0x3  }
0x92: {  	_ =	strace s18  }
0x93: {  	s3 =	sld [smem:$0x3FFC];
	_ =	sdelay $0x3  }
0x94: {  	_ =	strace s3  }
0x95: {  	s3 =	sld [smem:$0x3FFD];
	_ =	sdelay $0x3  }
0x96: {  	_ =	strace s3  }
0x97: {  	_ =	strace $0x8FFFFFFF  }
0x98: {  	s19 =	sld [smem:$0x3FDB];
	_ =	sdelay $0x1  }
0x99: {  	s4 =	simm.s32 $_scs_section_size  }
0x9a: {  	s5 =	simm.s32 $_size__tile_overlayer_lowered;
	s6 =	simm.s32 $_tile_overlayer_lowered  }
0x9b: {  	s22 =	simm.s32 $0x1BFF;
	s21 =	sshll.u32 s6, $0x1;
	s3 =	sadd.s32 s4, s19  }
0x9c: {  	s7 =	simm.s32 $0x0;
	s20 =	sshll.u32 s5, $0x1;
	s5 =	sadd.s32 s21, s3  }
0x9d: {  	[timem:s7], [sflag:s22] =	dma.local [hbm:s5], s20  }
0x9e: {  	_ =	swait.ge [sflag:s22], s20  }
0x9f: {  	s4 =	ssub.s32 $0x0, s20;
	[sflag:s22] =	ssyncset.done $0x0  }
0xa0: {  	[sflag:s22] =	ssyncadd.s32 s4;
	_ =	sdelay $0x1  }
0xa1: {  	s23 =	simm.s32 $0x1B8B  }
0xa2: {  	_ =	swait.ge [sflag:s23], $0x1  }
0xa3: {  	[sflag:s23] =	ssyncset.done $0x0  }
0xa4: {  	s25 =	simm.s32 $0x1B8E;
	s24 =	sld [smem:$0x3FFE];
	[sflag:s23] =	ssyncadd.s32 $0xFFFFFFFF  }
0xa5: {  	s26 =	simm.s32 $execute0_lowered;
	[smem:$0x3FD2] =	sst s25  }
0xa6: {  	s5 =	sshll.u32 s26, $0x1;
	_ =	strace $0x80000046;
	[dreg:$0x1] =	wrdreg $0xFFFFFFFF  }
0xa7: {  	s28 =	simm.s32 $_size_execute0_lowered;
	s3 =	sadd.s32 s3, s5;
	[dreg:$0x0] =	wrdreg $0x0  }
0xa8: {  	s5 =	sshll.u32 s28, $0x1;
	[dreg:$0x2] =	wrdreg s3  }
0xa9: {  	[dreg:$0x3] =	wrdreg s5  }
0xaa: {  	[dreg:$0x4] =	wrdreg $0xC0  }
0xab: {  	_ =	task [dreg:s7], $0x5FFFF  }
0xac: {  	[dreg:$0x1] =	wrdreg $0xFFFFFFFF  }
0xad: {  	[dreg:$0x0] =	wrdreg $0x60  }
0xae: {  	[dreg:$0x2] =	wrdreg s2  }
0xaf: {  	[dreg:$0x3] =	wrdreg s24  }
0xb0: {  	[dreg:$0x4] =	wrdreg $0xB8000  }
0xb1: {  	[dreg:$0x5] =	wrdreg $0xA  }
0xb2: {  	_ =	task.clear_ibuf [dreg:s7], $0x6FFFF;
	_ =	strace $0x90000046  }
0xb3: {  	s29 =	simm.s32 $0xA;
	_ =	strace $0x80000048  }
0xb4: {  	_ =	swait.ge [sflag:s29], $0x1  }
0xb5: {  	[sflag:s29] =	ssyncadd.s32 $0xFFFFFFFF  }
0xb6: {  	_ =	strace $0x90000048  }
0xb7: {  	_ =	sfence  }
0xb8: {  	s30 =	sld [smem:$0x0];
	_ =	sdelay $0x2  }
0xb9: {  	s31 =	sshll.u32 s1, $0xD;
	s1 =	sshrl.u32 s1, $0x2  }
0xba: {  	s3 =	sand.u32 $0x4000, s31;
	s1 =	sadd.s32 s1, s30  }
0xbb: {  	s0 =	sor.u32 s3, s0;
	s1 =	sshll.u32 s1, $0x11  }
0xbc: {  	s0 =	sor.u32 s1, s0  }
0xbd: {  	s0 =	sadd.s32 $0x8F2B, s0  }
0xbe: {  	[sflag:s0] =	ssyncadd.remote.s32 $0x1  }
0xbf: {  	_ =	sfence.sel $0xFFFF  }
0xc0: {  	[dreg:$0x0] =	wrdreg $0xFFFFFFFF;
	(pc) =	sbr.abs _section_cstart, $3  }
0xc1: {  	[dreg:$0x1] =	wrdreg $0xFFFFFFFF  }
0xc2: {  	_ =	task.clear_ibuf [dreg:s7], $0x2FFFF;
	_ =	strace $0x9FFFFFFF  }
0xc3: {  	(tm) =	ssettm $0x7FFFFFFF  }
tec
execute0_lowered:
.L_overlay_start_1:
0x0: {  	(tag) =	ssettag $0x1  }
0x1: {  	s1 =	rddreg [dreg:$0x0]  }
0x2: {  	s0 =	rddreg [dreg:$0x1]  }
0x3: {  	s2 =	rddreg [dreg:$0x2]  }
0x4: {  	s3 =	srdreg.scid;
	s4 =	simm.s32 $0x0;
	s24 =	stileid.u32  }
0x5: {  	s13 =	simm.s32 $0x6800;
	s14 =	simm.s32 $0x3;
	s16 =	simm.s32 $0x50  }
0x6: {  	s18 =	simm.s32 $0x9000;
	s19 =	simm.s32 $0x1;
	s31 =	simm.s32 $0x1400  }
0x7: {  	s20 =	simm.s32 $0x2;
	s6 =	sand.u32 $0x1, s3;
	s11 =	smul.u32 $0xA000, s24  }
0x8: {  	[smem:$0x7FF] =	sst s4;
	s26 =	ssub.s32 $0x8C, s24;
	s12 =	smul.u32 $0x500, s24  }
0x9: {  	s5 =	sshll.u32 s6, $0x4;
	_ =	strace $0x80000047;
	s9 =	smul.u32 $0x27100, s6  }
0xa: {  	s10 =	ssub.s32 $0x2, s6;
	[dreg:$0x4] =	wrdreg s31;
	s7 =	sor.u32 s24, s5  }
0xb: {  	s5 =	sadd.s32 $0x25000, s0;
	s25 =	sshrl.u32 s10, $0x1;
	s11 =	sshrl.u32 s11, $0x2  }
0xc: {  	s8 =	sshll.u32 s7, $0xB;
	s6 =	smul.u32 $0x5000, s7;
	s10 =	ssub.s32 s10, s25  }
0xd: {  	s7 =	sshrl.u32 s26, $0x4;
	s11 =	sadd.s32 s11, s2;
	s8 =	sadd.s32 s8, s0  }
0xe: {  	s0 =	sadd.s32 s9, s0;
	s28 =	sshrl.u32 s6, $0x3;
	s29 =	sadd.s32 $0x5000, s8  }
0xf: {  	s0 =	sadd.s32 s12, s0;
	[dreg:$0x5] =	wrdreg s29;
	s30 =	sadd.s32 s5, s28  }
0x10: {  	v0 =	vimm.f32 $0.0e+00;
	s10 =	smax.u32 s10, $0x1;
	s12 =	sadd.s32 $0x39000, s0;
	[dreg:$0x6] =	wrdreg s30  }
.LBB2_1:
0x11: {  	s0 =	simm.s32 $0x70;
	s17 =	simm.s32 $0x3C0  }
.LBB2_2:
0x12: {  	p0 =	sne.s32 s17, $0x9FC0;
	[tilespmem:s0+$0x6800] =	vst v0  }
0x13: {  	[tilespmem:s0+$0x6790] =	vst v0  }
0x14: {  	[tilespmem:s0+$0x67A0] =	vst v0  }
.Ltmp0:
0x15: {  	[tilespmem:s0+$0x67B0] =	vst v0;
	(pc) =	sbr.rel @p0 .LBB2_2-.Ltmp0, $4  }
0x16: {  	[tilespmem:s0+$0x67C0] =	vst v0  }
0x17: {  	[tilespmem:s0+$0x67D0] =	vst v0  }
0x18: {  	[tilespmem:s0+$0x67E0] =	vst v0  }
0x19: {  	[tilespmem:s0+$0x67F0] =	vst v0;
	s0 =	sshra.s32 s17, $0x2;
	s17 =	sadd.s32 $0x200, s17  }
0x1a: {  	[tilespmem:s0+$0x6800] =	vst v0  }
0x1b: {  	[tilespmem:s0+$0x6790] =	vst v0  }
0x1c: {  	[tilespmem:s0+$0x67A0] =	vst v0  }
0x1d: {  	[tilespmem:s0+$0x67B0] =	vst v0  }
0x1e: {  	[tilespmem:s0+$0x67C0] =	vst v0  }
0x1f: {  	[tilespmem:s0+$0x67D0] =	vst v0;
	p0 =	sne.s32 s7, $0x1  }
.Ltmp1:
0x20: {  	[tilespmem:s0+$0x67E0] =	vst v0;
	(pc) =	sbr.rel @!p0 .LBB2_5-.Ltmp1, $4  }
0x21: {  	[tilespmem:s0+$0x67F0] =	vst v0  }
0x22: {  	[spmem:s11] =	stream.linear.scatter [tilespmem:s13], [sflag:$0x3], $0x2800, $0x38;
	[tilespmem:$0x1F080] =	vst v63  }
0x23: {  	_ =	swait.ge [sflag:s14], $0x2800  }
0x24: {  	s0 =	sadd.s32 $0xFFFFFFFF, s7;
	s17 =	smov.u32 s11;
	[sflag:s14] =	ssyncset.done $0x0  }
.LBB2_4:
0x25: {  	p1 =	sne.s32 s0, $0x1;
	[sflag:s14] =	ssyncadd.s32 $0xFFFFD800;
	s17 =	sadd.s32 $0x28000, s17  }
.Ltmp2:
0x26: {  	s0 =	sadd.s32 $0xFFFFFFFF, s0;
	(pc) =	sbr.rel @p1 .LBB2_4-.Ltmp2, $4  }
0x27: {  	_ = 	snop  }
0x28: {  	[spmem:s17] =	stream.linear.scatter [tilespmem:s13], [sflag:$0x3], $0x2800, $0x38;
	[tilespmem:$0x1F080] =	vst v63  }
0x29: {  	_ =	swait.ge [sflag:s14], $0x2800  }
0x2a: {  	[sflag:s14] =	ssyncset.done $0x0  }
.LBB2_5:
0x2b: {  	[sflag:s14] =	ssyncadd.s32 $0xFFFFD800;
	s0 =	simm.s32 $0x0;
	s3 =	rddreg [dreg:$0x5]  }
0x2c: {  	[tilespmem:s0], [sflag:$0x3] =	stream.linear.gather [hbm4b:s3+s0], $0x3E80, $0x38;
	[tilespmem:$0x1F080] =	vst v63  }
0x2d: {  	_ =	swait.ge [sflag:s14], $0x3E80  }
0x2e: {  	s8 =	simm.s32 $0x4000;
	s22 =	simm.s32 $0x2;
	[sflag:s14] =	ssyncset.done $0x0  }
0x2f: {  	s3 =	smul.u32 $0xCD, s22;
	s31 =	rddreg [dreg:$0x6];
	[sflag:s14] =	ssyncadd.s32 $0xFFFFC180  }
0x30: {  	[tilespmem:s8], [sflag:$0x3] =	stream.linear.gather [hbm4b:s31+s0], $0x1400, $0x38;
	[tilespmem:$0x1F080] =	vst v63  }
0x31: {  	s0 =	sshrl.u32 s3, $0xD  }
0x32: {  	_ =	swait.ge [sflag:s14], $0x1400;
	s0 =	sand.u32 $0x7, s0  }
0x33: {  	[sflag:s14] =	ssyncset.done $0x0;
	s17 =	smul.u32 $0x28, s0  }
0x34: {  	[sflag:s14] =	ssyncadd.s32 $0xFFFFEC00  }
0x35: {  	[bflag:$0x0] =	sbarrier.arrive $0xFFFF;
	s17 =	ssub.s32 $0x2, s17  }
0x36: {  	[tilespmem:s13], [sflag:$0x1] =	stream.indirect.gather [hbm4b:s1+s16], $0x80, s8, s16, $0xb8;
	[tilespmem:$0x1F080] =	vst v63  }
0x37: {  	s17 =	sand.u32 $0xFF, s17  }
0x38: {  	s9 =	simm.s32 $0x4080;
	p1 =	seq.s32 s17, $0x0  }
0x39: {  	[tilespmem:s18], [sflag:$0x2] =	stream.indirect.gather [hbm4b:s1+s16], $0x80, s9, s16, $0xb8;
	[tilespmem:$0x1F080] =	vst v63  }
0x3a: {  	s23 =	simm.s32 $0x100;
	s24 =	sand.u32 @p1 $0x1, s0;
	s25 =	simm.s32 @p1 $0x5000  }
0x3b: {  	s26 =	sand.u32 @p1 $0x7C00, s23;
	s23 =	sand.u32 @p1 $0x300, s23;
	p2 =	seq.s32 @p1 s24, $0x1  }
0x3c: {  	s0 =	sand.u32 @!p1 $0x1, s0;
	s24 =	sadd.s32 @p1 s6, s26;
	p2 =	por !p2, !p1  }
0x3d: {  	s26 =	simm.s32 @p1 $0x3;
	s23 =	sor.u32 @p1 s23, s24;
	s25 =	simm.s32 @p2 $0x0  }
0x3e: {  	s23 =	sshrl.u32 @p1 s23, $0x3;
	p2 =	seq.s32 @!p1 s0, $0x1;
	s24 =	sshrl.u32 @p1 s25, $0x2  }
0x3f: {  	s0 =	simm.s32 @p1 $0x0;
	s23 =	sadd.s32 @p1 s5, s23;
	s24 =	sor.u32 @p1 $0x4000, s24  }
0x40: {  	[tilespmem:s24], [sflag:$0x3] =	stream.linear.gather @p1 [hbm4b:s23+s0], $0x1400, $0x38;
	[tilespmem:$0x1F080] =	vst v63  }
0x41: {  	s30 =	simm.s32 $0x200;
	s15 =	simm.s32 $0x0;
	_ =	swait.ge @p1 [sflag:s26], $0x1400  }
0x42: {  	p2 =	por !p2, p1;
	s0 =	simm.s32 @!p1 $0x5000;
	[sflag:s26] =	ssyncset.done @p1 $0x0  }
0x43: {  	s28 =	simm.s32 $0x300;
	s0 =	simm.s32 @p2 $0x0;
	[sflag:s26] =	ssyncadd.s32 @p1 $0xFFFFEC00  }
0x44: {  	s17 =	sshll.u32 s17, $0x7;
	s0 =	smov.u32 @p1 s25;
	_ =	swait.ge [sflag:s19], $0x2800  }
0x45: {  	s25 =	simm.s32 $0x4;
	s0 =	sshrl.u32 s0, $0x2;
	[sflag:s19] =	ssyncset.done $0x0  }
0x46: {  	s21 =	smul.u32 $0xCD, s25;
	s0 =	sadd.s32 s17, s0;
	[sflag:s19] =	ssyncadd.s32 $0xFFFFD800  }
0x47: {  	[spmem:s2] =	stream.indirect.scatter.add.f32 [tilespmem:s13], [sflag:$0x3], $0x80, s15, s16, $0xb8;
	[tilespmem:$0x1F080] =	vst v63  }
0x48: {  	s17 =	sshrl.u32 s21, $0xD;
	s26 =	sadd.s32 $0x4000, s0;
	_ =	swait.ge [sflag:s14], $0x2800  }
0x49: {  	s0 =	simm.s32 $0x3;
	s29 =	sand.u32 $0x7, s17;
	[sflag:s14] =	ssyncset.done $0x0  }
0x4a: {  	s31 =	sand.u32 $0xFF, s0;
	s17 =	smul.u32 $0x28, s29;
	[sflag:s14] =	ssyncadd.s32 $0xFFFFD800  }
0x4b: {  	[tilespmem:s13], [sflag:$0x1] =	stream.indirect.gather [hbm4b:s1+s16], $0x80, s26, s16, $0xb8;
	[tilespmem:$0x1F080] =	vst v63  }
0x4c: {  	s24 =	simm.s32 $0x80;
	s31 =	smul.u32 $0xCD, s31;
	_ =	swait.ge [sflag:s20], $0x2800  }
0x4d: {  	s23 =	simm.s32 $0x180;
	s17 =	ssub.s32 $0x4, s17;
	[sflag:s20] =	ssyncset.done $0x0  }
0x4e: {  	s26 =	sand.u32 $0xFF, s17;
	s17 =	sshrl.u32 s31, $0xD;
	[sflag:s20] =	ssyncadd.s32 $0xFFFFD800  }
.LBB2_6:
0x4f: {  	[spmem:s2] =	stream.indirect.scatter.add.f32 [tilespmem:s18], [sflag:$0x3], $0x80, s24, s16, $0xb8;
	[tilespmem:$0x1F080] =	vst v63  }
0x50: {  	s21 =	smov.u32 s28;
	s31 =	smov.u32 s25;
	s24 =	smov.u32 s23  }
0x51: {  	p1 =	seq.s32 s26, $0x0;
	s3 =	sand.u32 $0x1, s17;
	s17 =	smul.u32 $0x28, s17  }
0x52: {  	s28 =	sadd.s32 $0x100, s28;
	s25 =	sadd.s32 $0x2, s25;
	_ =	swait.ge [sflag:s14], $0x2800  }
0x53: {  	s8 =	sand.u32 @p1 $0x1, s29;
	s9 =	simm.s32 @p1 $0x5000;
	s15 =	sand.u32 @p1 $0x7C00, s30  }
0x54: {  	s30 =	sand.u32 @p1 $0x300, s30;
	[sflag:s14] =	ssyncset.done $0x0;
	p2 =	seq.s32 @p1 s8, $0x1  }
0x55: {  	s8 =	rddreg [dreg:$0x4];
	s15 =	sadd.s32 @p1 s6, s15;
	s0 =	ssub.s32 s0, s17  }
0x56: {  	s17 =	sand.u32 @!p1 $0x1, s29;
	p2 =	por !p2, !p1;
	s0 =	sand.u32 $0xFF, s0  }
0x57: {  	[sflag:s14] =	ssyncadd.s32 $0xFFFFD800;
	s9 =	simm.s32 @p2 $0x0;
	p2 =	seq.s32 s3, $0x1  }
0x58: {  	p3 =	seq.s32 @!p1 s17, $0x1;
	s0 =	sshll.u32 s0, $0x7;
	s8 =	simm.s32 @!p2 $0x0  }
0x59: {  	s17 =	simm.s32 @p1 $0x3;
	s3 =	sor.u32 @p1 s30, s15;
	s0 =	sadd.s32 s0, s8  }
0x5a: {  	s15 =	sshrl.u32 @p1 s9, $0x2;
	s3 =	sshrl.u32 @p1 s3, $0x3;
	s0 =	sor.u32 $0x4000, s0  }
0x5b: {  	[tilespmem:s18], [sflag:$0x2] =	stream.indirect.gather [hbm4b:s1+s16], $0x80, s0, s16, $0xb8;
	[tilespmem:$0x1F080] =	vst v63  }
0x5c: {  	s15 =	sor.u32 @p1 $0x4000, s15;
	s3 =	sadd.s32 @p1 s5, s3;
	s8 =	simm.s32 @p1 $0x0  }
0x5d: {  	[tilespmem:s15], [sflag:$0x3] =	stream.linear.gather @p1 [hbm4b:s3+s8], $0x1400, $0x38;
	[tilespmem:$0x1F080] =	vst v63  }
0x5e: {  	s29 =	sadd.s32 $0xFFFFFF80, s23;
	s23 =	sadd.s32 $0x100, s23;
	_ =	swait.ge @p1 [sflag:s17], $0x1400  }
0x5f: {  	p3 =	por !p3, p1;
	s0 =	simm.s32 @!p1 $0x5000;
	[sflag:s17] =	ssyncset.done @p1 $0x0  }
0x60: {  	p2 =	sne.s32 s28, $0x3F00;
	s0 =	simm.s32 @p3 $0x0;
	[sflag:s17] =	ssyncadd.s32 @p1 $0xFFFFEC00  }
0x61: {  	s0 =	smov.u32 @p1 s9;
	s9 =	smul.u32 $0xCD, s25;
	_ =	swait.ge [sflag:s19], $0x2800  }
0x62: {  	s8 =	sshll.u32 s26, $0x7;
	s0 =	sshrl.u32 s0, $0x2;
	[sflag:s19] =	ssyncset.done $0x0  }
0x63: {  	s0 =	sadd.s32 s8, s0;
	s3 =	sshrl.u32 s9, $0xD;
	[sflag:s19] =	ssyncadd.s32 $0xFFFFD800  }
0x64: {  	[spmem:s2] =	stream.indirect.scatter.add.f32 [tilespmem:s13], [sflag:$0x3], $0x80, s29, s16, $0xb8;
	[tilespmem:$0x1F080] =	vst v63  }
0x65: {  	s15 =	sadd.s32 $0x4000, s0;
	s29 =	sand.u32 $0x7, s3;
	_ =	swait.ge [sflag:s14], $0x2800  }
0x66: {  	s0 =	sadd.s32 $0x3, s22;
	s3 =	smul.u32 $0x28, s29;
	[sflag:s14] =	ssyncset.done $0x0  }
.Ltmp3:
0x67: {  	s17 =	sand.u32 $0xFF, s0;
	[sflag:s14] =	ssyncadd.s32 $0xFFFFD800;
	(pc) =	sbr.rel @p2 .LBB2_6-.Ltmp3, $4  }
0x68: {  	[tilespmem:s13], [sflag:$0x1] =	stream.indirect.gather [hbm4b:s1+s16], $0x80, s15, s16, $0xb8;
	[tilespmem:$0x1F080] =	vst v63  }
0x69: {  	s30 =	smov.u32 s21;
	s21 =	smul.u32 $0xCD, s17;
	_ =	swait.ge [sflag:s20], $0x2800  }
0x6a: {  	s22 =	smov.u32 s31;
	s3 =	ssub.s32 s25, s3;
	[sflag:s20] =	ssyncset.done $0x0  }
0x6b: {  	s17 =	sshrl.u32 s21, $0xD;
	s26 =	sand.u32 $0xFF, s3;
	[sflag:s20] =	ssyncadd.s32 $0xFFFFD800  }
0x6c: {  	[spmem:s2] =	stream.indirect.scatter.add.f32 [tilespmem:s18], [sflag:$0x3], $0x80, s24, s16, $0xb8;
	[tilespmem:$0x1F080] =	vst v63  }
0x6d: {  	p1 =	seq.s32 s26, $0x0;
	s3 =	sand.u32 $0x1, s17  }
0x6e: {  	s31 =	smul.u32 $0x28, s17;
	_ =	swait.ge [sflag:s14], $0x2800;
	s8 =	sand.u32 @p1 $0x1, s29  }
0x6f: {  	s9 =	simm.s32 @p1 $0x5000;
	s15 =	sand.u32 @p1 $0x7C00, s30;
	s21 =	sand.u32 @p1 $0x300, s30  }
0x70: {  	[sflag:s14] =	ssyncset.done $0x0;
	p2 =	seq.s32 @p1 s8, $0x1;
	s8 =	rddreg [dreg:$0x4]  }
0x71: {  	s15 =	sadd.s32 @p1 s6, s15;
	s0 =	ssub.s32 s0, s31;
	p2 =	por !p2, !p1  }
0x72: {  	s0 =	sand.u32 $0xFF, s0;
	s9 =	simm.s32 @p2 $0x0;
	p2 =	seq.s32 s3, $0x1  }
0x73: {  	[sflag:s14] =	ssyncadd.s32 $0xFFFFD800;
	s0 =	sshll.u32 s0, $0x7;
	s8 =	simm.s32 @!p2 $0x0  }
0x74: {  	s3 =	sor.u32 @p1 s21, s15;
	s15 =	sshrl.u32 @p1 s9, $0x2;
	s0 =	sadd.s32 s0, s8  }
0x75: {  	s3 =	sshrl.u32 @p1 s3, $0x3;
	s8 =	sor.u32 @p1 $0x4000, s15;
	s0 =	sor.u32 $0x4000, s0  }
0x76: {  	[tilespmem:s18], [sflag:$0x2] =	stream.indirect.gather [hbm4b:s1+s16], $0x80, s0, s16, $0xb8;
	[tilespmem:$0x1F080] =	vst v63  }
0x77: {  	s15 =	simm.s32 @p1 $0x3;
	s0 =	sadd.s32 @p1 s5, s3;
	s3 =	simm.s32 @p1 $0x0  }
0x78: {  	[tilespmem:s8], [sflag:$0x3] =	stream.linear.gather @p1 [hbm4b:s0+s3], $0x1400, $0x38;
	[tilespmem:$0x1F080] =	vst v63  }
0x79: {  	_ =	swait.ge @p1 [sflag:s15], $0x1400  }
0x7a: {  	s0 =	sand.u32 @!p1 $0x1, s29;
	[sflag:s15] =	ssyncset.done @p1 $0x0  }
0x7b: {  	p2 =	seq.s32 @!p1 s0, $0x1;
	[sflag:s15] =	ssyncadd.s32 @p1 $0xFFFFEC00  }
0x7c: {  	s0 =	simm.s32 @!p1 $0x5000;
	p2 =	por !p2, p1;
	_ =	swait.ge [sflag:s19], $0x2800  }
0x7d: {  	s17 =	sadd.s32 $0xFFFFFF80, s23;
	s0 =	simm.s32 @p2 $0x0;
	[sflag:s19] =	ssyncset.done $0x0  }
0x7e: {  	s22 =	sadd.s32 $0x3, s22;
	s0 =	smov.u32 @p1 s9;
	[sflag:s19] =	ssyncadd.s32 $0xFFFFD800  }
0x7f: {  	[spmem:s2] =	stream.indirect.scatter.add.f32 [tilespmem:s13], [sflag:$0x3], $0x80, s17, s16, $0xb8;
	[tilespmem:$0x1F080] =	vst v63  }
0x80: {  	s21 =	sshll.u32 s26, $0x7;
	s0 =	sshrl.u32 s0, $0x2;
	_ =	swait.ge [sflag:s14], $0x2800  }
0x81: {  	s24 =	sand.u32 $0xFF, s22;
	s0 =	sadd.s32 s21, s0;
	[sflag:s14] =	ssyncset.done $0x0  }
0x82: {  	s25 =	smul.u32 $0xCD, s24;
	s0 =	sadd.s32 $0x4000, s0;
	[sflag:s14] =	ssyncadd.s32 $0xFFFFD800  }
0x83: {  	[tilespmem:s13], [sflag:$0x1] =	stream.indirect.gather [hbm4b:s1+s16], $0x80, s0, s16, $0xb8;
	[tilespmem:$0x1F080] =	vst v63  }
0x84: {  	_ =	swait.ge [sflag:s20], $0x2800  }
0x85: {  	s0 =	sshrl.u32 s25, $0xD;
	[sflag:s20] =	ssyncset.done $0x0  }
0x86: {  	s26 =	smul.u32 $0x28, s0;
	[sflag:s20] =	ssyncadd.s32 $0xFFFFD800  }
0x87: {  	[spmem:s2] =	stream.indirect.scatter.add.f32 [tilespmem:s18], [sflag:$0x3], $0x80, s23, s16, $0xb8;
	[tilespmem:$0x1F080] =	vst v63  }
0x88: {  	s0 =	sand.u32 $0x1, s0;
	s3 =	ssub.s32 s22, s26;
	_ =	swait.ge [sflag:s14], $0x2800  }
0x89: {  	p1 =	seq.s32 s0, $0x1;
	s28 =	sand.u32 $0xFF, s3;
	s9 =	rddreg [dreg:$0x4]  }
0x8a: {  	s0 =	sshll.u32 s28, $0x7;
	s9 =	simm.s32 @!p1 $0x0  }
0x8b: {  	[sflag:s14] =	ssyncset.done $0x0;
	s0 =	sadd.s32 s0, s9  }
0x8c: {  	[sflag:s14] =	ssyncadd.s32 $0xFFFFD800;
	s0 =	sor.u32 $0x4000, s0  }
0x8d: {  	[tilespmem:s18], [sflag:$0x2] =	stream.indirect.gather [hbm4b:s1+s16], $0x80, s0, s16, $0xb8;
	[tilespmem:$0x1F080] =	vst v63  }
0x8e: {  	_ =	swait.ge [sflag:s19], $0x2800  }
0x8f: {  	[sflag:s19] =	ssyncset.done $0x0  }
0x90: {  	s29 =	simm.s32 $0x3E00;
	[sflag:s19] =	ssyncadd.s32 $0xFFFFD800  }
0x91: {  	[spmem:s2] =	stream.indirect.scatter.add.f32 [tilespmem:s13], [sflag:$0x3], $0x80, s29, s16, $0xb8;
	[tilespmem:$0x1F080] =	vst v63  }
0x92: {  	_ =	swait.ge [sflag:s14], $0x2800  }
0x93: {  	[sflag:s14] =	ssyncset.done $0x0  }
0x94: {  	[sflag:s14] =	ssyncadd.s32 $0xFFFFD800  }
0x95: {  	_ =	swait.ge [sflag:s20], $0x2800  }
.Ltmp4:
0x96: {  	s30 =	stileid.u32;
	[sflag:s20] =	ssyncset.done $0x0;
	(pc) =	sbr.rel @!p0 .LBB2_9-.Ltmp4, $4  }
0x97: {  	s31 =	sshrl.u32 s11, $0x3;
	s0 =	sshll.u32 s30, $0x6;
	[sflag:s20] =	ssyncadd.s32 $0xFFFFD800  }
0x98: {  	s17 =	sadd.s32 $0xFFFFFFFF, s7;
	s0 =	sor.u32 $0x1C03, s0;
	[bflag:$0x0] =	sbarrier.arrive $0xFFFF  }
0x99: {  	[hbm:s12], [sflag:s0] =	dma.local [spmem:s31], $0x500  }
0x9a: {  	s22 =	sadd.s32 $0x28000, s11;
	s23 =	smov.u32 s12;
	_ =	swait.ge [sflag:s14], $0x500  }
.LBB2_8:
0x9b: {  	[sflag:s14] =	ssyncset.done $0x0;
	s23 =	sadd.s32 $0x5000, s23;
	p0 =	sne.s32 s17, $0x1  }
.Ltmp5:
0x9c: {  	s3 =	sshrl.u32 s22, $0x3;
	[sflag:s14] =	ssyncadd.s32 $0xFFFFFB00;
	(pc) =	sbr.rel @p0 .LBB2_8-.Ltmp5, $3  }
0x9d: {  	[hbm:s23], [sflag:s0] =	dma.local [spmem:s3], $0x500  }
0x9e: {  	s17 =	sadd.s32 $0xFFFFFFFF, s17;
	_ =	sdelay $0x1  }
0x9f: {  	s22 =	sadd.s32 $0x28000, s22;
	_ =	swait.ge [sflag:s14], $0x500  }
.LBB2_9:
0xa0: {  	s4 =	sadd.s32 $0x1, s4  }
0xa1: {  	p0 =	sne.s32 s4, s10  }
.Ltmp6:
0xa2: {  	_ = 	snop;
	(pc) =	sbr.rel @p0 .LBB2_1-.Ltmp6, $3  }
0xa3: {  	_ =	sdelay $0x1  }
0xa4: {  	[sflag:s14] =	ssyncset.done $0x0  }
0xa5: {  	[sflag:s14] =	ssyncadd.s32 $0xFFFFFB00  }
0xa6: {  	_ =	sfence.sel $0x180000  }
0xa7: {  	[bflag:$0x0] =	sbarrier.arrive $0xFFFF  }
0xa8: {  	_ =	strace $0x90000047  }
0xa9: {  	s0 =	stileid.u32;
	[bflag:$0x2] =	sbarrier.arrive $0xFFFF  }
0xaa: {  	p0 =	sne.s32 s0, $0x0;
	s0 =	rddreg [dreg:$0x3]  }
0xab: {  	s0 =	sadd.s32 @!p0 $0x100000, s0  }
0xac: {  	[sflag:s0] =	ssyncadd.tile.s32 @!p0 $0x1;
	_ =	shalt  }
.Lfunc_end2:
_tile_overlayer_lowered:
.L_overlay_start_2:
0xad: {  	(tag) =	ssettag $0x2  }
0xae: {  	s0 =	rddreg [dreg:$0x0];
	s2 =	stileid.u32  }
0xaf: {  	s1 =	rddreg [dreg:$0x1];
	p0 =	sne.s32 s2, $0x0  }
0xb0: {  	s3 =	rddreg [dreg:$0x2];
	[bflag:$0x3] =	sbarrier.arrive $0xFFFF;
	s2 =	simm.s32 @!p0 $0x1C03  }
0xb1: {  	[timem:s3], [sflag:s2] =	dma.local @!p0 [hbm:s0], s1  }
0xb2: {  	s0 =	simm.s32 @!p0 $0x3  }
0xb3: {  	_ =	swait.ge @!p0 [sflag:s0], s1  }
0xb4: {  	s1 =	ssub.s32 @!p0 $0x0, s1;
	[sflag:s0] =	ssyncset.done @!p0 $0x0  }
0xb5: {  	[sflag:s0] =	ssyncadd.s32 @!p0 s1  }
0xb6: {  	[bflag:$0x3] =	sbarrier.arrive $0xFFFF  }
0xb7: {  	_ =	shalt  }

// kernel: kernel.15.cloned.1.call-start
scs
__scs_entry_jumppad:
0x0: {  	(pc) =	sbr.rel $0x88, $3  }
0x1: {  	(tag) =	ssettag $0x0;
	lr =	simm.s32 $0x1  }
0x2: {  	[smem:$0x3F8E] =	sst lr;
	_ =	strace $0xD0000000  }
0x3: {  	_ = 	snop  }
0x4: {  	_ = 	snop  }
0x5: {  	_ = 	snop  }
0x6: {  	_ = 	snop  }
0x7: {  	_ = 	snop  }
__scs_overlays_trampoline_lowered:
0x8: {  	[smem:$0x3F9D] =	sst s0  }
0x9: {  	[smem:$0x3F9E] =	sst s1  }
0xa: {  	[smem:$0x3F9F] =	sst s2  }
0xb: {  	[smem:$0x3FA0] =	sst s3  }
0xc: {  	[smem:$0x3FA1] =	sst s4  }
0xd: {  	[smem:$0x3FA2] =	sst s5  }
0xe: {  	[smem:$0x3FA3] =	sst s6  }
0xf: {  	[smem:$0x3FA4] =	sst s7  }
0x10: {  	[smem:$0x3FA5] =	sst s8  }
0x11: {  	[smem:$0x3FA6] =	sst s9;
	s0 =	simm.s32 @!p0 $0x0  }
0x12: {  	s1 =	sld [smem:$0x3F8C];
	s0 =	simm.s32 @p0 $0x1  }
0x13: {  	[smem:$0x3FA7] =	sst s0;
	s0 =	simm.s32 @!p1 $0x0  }
0x14: {  	s2 =	sld [smem:$0x3F8B];
	s0 =	simm.s32 @p1 $0x1  }
0x15: {  	[smem:$0x3FA8] =	sst s0;
	s0 =	simm.s32 @!p2 $0x0  }
0x16: {  	s3 =	sld [smem:$0x3FDB];
	s0 =	simm.s32 @p2 $0x1  }
0x17: {  	s4 =	simm.s32 $0x1BF5;
	[smem:$0x3FAA] =	sst s0  }
0x18: {  	s0 =	sld [smem:$0x3F8D];
	_ =	swait.ge [sflag:s4], $0x0  }
0x19: {  	s7 =	sld [smem:$0x3F8E]  }
0x1a: {  	s8 =	sadd.s32 $0xFFFFE003, lr  }
0x1b: {  	s9 =	sadd.s32 $0xFFFFFEF7, lr;
	s5 =	simm.s32 $0xFFFFFFFF;
	p2 =	slt.u32 s8, $0xFFFFF086  }
0x1c: {  	p1 =	slt.u32 s9, $0xF7A;
	s5 =	simm.s32 @!p2 $0x0  }
0x1d: {  	s5 =	simm.s32 @p1 $0x1;
	p0 =	seq.s32 s7, s2  }
0x1e: {  	s7 =	smul.u32 @!p0 $0xF7A, s2;
	p2 =	seq.s32 @!p0 s5, $0x0  }
0x1f: {  	s9 =	smul.u32 $0xF7A, s1;
	s8 =	simm.s32 @!p0 $0x1BF5;
	p2 =	por !p2, p0  }
0x20: {  	[sflag:s8] =	ssyncset.s32 @!p0 $0xFFFFF086;
	s6 =	sadd.s32 @!p0 s3, s7;
	s7 =	simm.s32 @!p0 $0x108  }
0x21: {  	s3 =	sadd.s32 s3, s9;
	s6 =	sadd.s32 @!p0 $0x88, s6;
	s7 =	simm.s32 @p2 $0x1082  }
0x22: {  	[simem:s7], [sflag:s8] =	dma.local @!p0 [hbm:s6], $0xF7A  }
0x23: {  	s9 =	sor.u32 $0xD0000000, s2;
	s6 =	simm.s32 $0x108;
	_ =	swait.ge @!p0 [sflag:s8], $0x0  }
0x24: {  	s3 =	sadd.s32 $0x88, s3;
	s6 =	simm.s32 @!p1 $0x1082;
	[sflag:s4] =	ssyncset.s32 $0xFFFFF086  }
0x25: {  	[simem:s6], [sflag:s4] =	dma.local [hbm:s3], $0xF7A  }
0x26: {  	[smem:$0x3F8E] =	sst s1;
	(tag) =	ssettag s2;
	_ =	strace s9  }
0x27: {  	s1 =	sld [smem:$0x3F9E]  }
0x28: {  	s2 =	sld [smem:$0x3F9F]  }
0x29: {  	s4 =	sld [smem:$0x3FA1]  }
0x2a: {  	p0 =	seq.s32 s5, $0x0;
	s5 =	sld [smem:$0x3FA2]  }
0x2b: {  	s6 =	sld [smem:$0x3FA3]  }
0x2c: {  	s7 =	sld [smem:$0x3FA4]  }
0x2d: {  	s3 =	simm.s32 $0x108;
	s8 =	sld [smem:$0x3FA5]  }
0x2e: {  	s3 =	simm.s32 @!p0 $0x1082;
	s9 =	sld [smem:$0x3FA6]  }
0x2f: {  	lr =	sadd.s32 s0, s3;
	s0 =	sld [smem:$0x3F9D]  }
0x30: {  	s3 =	sld [smem:$0x3FA0]  }
0x31: {  	[smem:$0x3FA9] =	sst s10  }
0x32: {  	s10 =	sld [smem:$0x3FA7];
	_ =	sdelay $0x3  }
0x33: {  	p0 =	seq.s32 s10, $0x1;
	s10 =	sld [smem:$0x3FA9];
	_ =	sdelay $0x3  }
0x34: {  	[smem:$0x3FA9] =	sst s10  }
0x35: {  	s10 =	sld [smem:$0x3FA8];
	_ =	sdelay $0x3  }
0x36: {  	p1 =	seq.s32 s10, $0x1;
	s10 =	sld [smem:$0x3FA9];
	_ =	sdelay $0x3  }
0x37: {  	[smem:$0x3FA9] =	sst s10  }
0x38: {  	s10 =	sld [smem:$0x3FAA]  }
0x39: {  	_ = 	snop;
	(pc) =	sbr.ind lr, $3  }
0x3a: {  	_ = 	snop  }
0x3b: {  	_ = 	snop  }
0x3c: {  	p2 =	seq.s32 s10, $0x1;
	s10 =	sld [smem:$0x3FA9]  }
0x3d: {  	_ =	shalt  }
0x3e: {  	_ =	shalt  }
0x3f: {  	_ =	shalt  }
0x40: {  	_ =	shalt  }
0x41: {  	_ =	shalt  }
0x42: {  	_ =	shalt  }
0x43: {  	_ =	shalt  }
0x44: {  	_ =	shalt  }
0x45: {  	_ =	shalt  }
0x46: {  	_ =	shalt  }
0x47: {  	_ =	shalt  }
0x48: {  	_ =	shalt  }
0x49: {  	_ =	shalt  }
0x4a: {  	_ =	shalt  }
0x4b: {  	_ =	shalt  }
0x4c: {  	_ =	shalt  }
0x4d: {  	_ =	shalt  }
0x4e: {  	_ =	shalt  }
0x4f: {  	_ =	shalt  }
0x50: {  	_ =	shalt  }
0x51: {  	_ =	shalt  }
0x52: {  	_ =	shalt  }
0x53: {  	_ =	shalt  }
0x54: {  	_ =	shalt  }
0x55: {  	_ =	shalt  }
0x56: {  	_ =	shalt  }
0x57: {  	_ =	shalt  }
0x58: {  	_ =	shalt  }
0x59: {  	_ =	shalt  }
0x5a: {  	_ =	shalt  }
0x5b: {  	_ =	shalt  }
0x5c: {  	_ =	shalt  }
0x5d: {  	_ =	shalt  }
0x5e: {  	_ =	shalt  }
0x5f: {  	_ =	shalt  }
0x60: {  	_ =	shalt  }
0x61: {  	_ =	shalt  }
0x62: {  	_ =	shalt  }
0x63: {  	_ =	shalt  }
0x64: {  	_ =	shalt  }
0x65: {  	_ =	shalt  }
0x66: {  	_ =	shalt  }
0x67: {  	_ =	shalt  }
0x68: {  	_ =	shalt  }
0x69: {  	_ =	shalt  }
0x6a: {  	_ =	shalt  }
0x6b: {  	_ =	shalt  }
0x6c: {  	_ =	shalt  }
0x6d: {  	_ =	shalt  }
0x6e: {  	_ =	shalt  }
0x6f: {  	_ =	shalt  }
0x70: {  	_ =	shalt  }
0x71: {  	_ =	shalt  }
0x72: {  	_ =	shalt  }
0x73: {  	_ =	shalt  }
0x74: {  	_ =	shalt  }
0x75: {  	_ =	shalt  }
0x76: {  	_ =	shalt  }
0x77: {  	_ =	shalt  }
0x78: {  	_ =	shalt  }
0x79: {  	_ =	shalt  }
0x7a: {  	_ =	shalt  }
0x7b: {  	_ =	shalt  }
0x7c: {  	_ =	shalt  }
0x7d: {  	_ =	shalt  }
0x7e: {  	_ =	shalt  }
0x7f: {  	_ =	shalt  }
0x80: {  	_ =	shalt  }
0x81: {  	_ =	shalt  }
0x82: {  	_ =	shalt  }
0x83: {  	_ =	shalt  }
0x84: {  	_ =	shalt  }
0x85: {  	_ =	shalt  }
0x86: {  	_ =	shalt  }
0x87: {  	_ =	shalt  }
.Lfunc_end0:
.L_simem_size_0:
called_computation.2_lowered:
.L_overlay_start_0:
0x88: {  	s2 =	sld [smem:$0x3FD9]  }
0x89: {  	s3 =	sld [smem:$0x3FFE];
	_ =	sdelay $0x1  }
0x8a: {  	s1 =	srdreg.scid  }
0x8b: {  	s0 =	sand.u32 $0x1, s1  }
0x8c: {  	s16 =	sshll.u32 s0, $0xA;
	s2 =	sadd.s32 s3, s2  }
0x8d: {  	s2 =	sadd.s32 s2, s16  }
0x8e: {  	[smem:$0x3FB5] =	sst s2  }
0x8f: {  	_ = 	snop  }
0x90: {  	(tm) =	ssettm $0x1  }
0x91: {  	s17 =	sld [smem:$0x3FFB];
	_ =	sdelay $0x3  }
0x92: {  	_ =	strace s17  }
0x93: {  	s2 =	sld [smem:$0x3FFC];
	_ =	sdelay $0x3  }
0x94: {  	_ =	strace s2  }
0x95: {  	s2 =	sld [smem:$0x3FFD];
	_ =	sdelay $0x3  }
0x96: {  	_ =	strace s2  }
0x97: {  	_ =	strace $0x8FFFFFFF  }
0x98: {  	s18 =	sld [smem:$0x3FDB];
	_ =	sdelay $0x1  }
0x99: {  	s19 =	simm.s32 $_scs_section_size  }
0x9a: {  	s4 =	simm.s32 $_size__tile_overlayer_lowered;
	s5 =	simm.s32 $_tile_overlayer_lowered  }
0x9b: {  	s22 =	simm.s32 $0x1BFF;
	s21 =	sshll.u32 s5, $0x1;
	s2 =	sadd.s32 s19, s18  }
0x9c: {  	s6 =	simm.s32 $0x0;
	s20 =	sshll.u32 s4, $0x1;
	s4 =	sadd.s32 s21, s2  }
0x9d: {  	[timem:s6], [sflag:s22] =	dma.local [hbm:s4], s20  }
0x9e: {  	_ =	swait.ge [sflag:s22], s20  }
0x9f: {  	s3 =	ssub.s32 $0x0, s20;
	[sflag:s22] =	ssyncset.done $0x0  }
0xa0: {  	[sflag:s22] =	ssyncadd.s32 s3;
	_ =	sdelay $0x1  }
0xa1: {  	s23 =	simm.s32 $0x1B8B  }
0xa2: {  	_ =	swait.ge [sflag:s23], $0x1  }
0xa3: {  	[sflag:s23] =	ssyncset.done $0x0  }
0xa4: {  	s25 =	simm.s32 $0x1B8E;
	s24 =	sld [smem:$0x3FFE];
	[sflag:s23] =	ssyncadd.s32 $0xFFFFFFFF  }
0xa5: {  	s26 =	simm.s32 $execute0_lowered;
	[smem:$0x3FD2] =	sst s25  }
0xa6: {  	s4 =	sshll.u32 s26, $0x1;
	_ =	strace $0x8000004C;
	[dreg:$0x1] =	wrdreg $0xFFFFFFFF  }
0xa7: {  	s28 =	simm.s32 $_size_execute0_lowered;
	s2 =	sadd.s32 s2, s4;
	[dreg:$0x0] =	wrdreg $0x0  }
0xa8: {  	s4 =	sshll.u32 s28, $0x1;
	[dreg:$0x2] =	wrdreg s2  }
0xa9: {  	[dreg:$0x3] =	wrdreg s4  }
0xaa: {  	[dreg:$0x4] =	wrdreg $0xC0  }
0xab: {  	_ =	task [dreg:s6], $0x5FFFF  }
0xac: {  	[dreg:$0x1] =	wrdreg $0xFFFFFFFF  }
0xad: {  	[dreg:$0x0] =	wrdreg $0x60  }
0xae: {  	[dreg:$0x2] =	wrdreg s24  }
0xaf: {  	[dreg:$0x3] =	wrdreg $0xB8000  }
0xb0: {  	[dreg:$0x4] =	wrdreg $0x9  }
0xb1: {  	_ =	task.clear_ibuf [dreg:s6], $0x5FFFF;
	_ =	strace $0x9000004C  }
0xb2: {  	s29 =	simm.s32 $0x9;
	_ =	strace $0x8000004E  }
0xb3: {  	_ =	swait.ge [sflag:s29], $0x1  }
0xb4: {  	[sflag:s29] =	ssyncadd.s32 $0xFFFFFFFF  }
0xb5: {  	_ =	strace $0x9000004E  }
0xb6: {  	_ =	sfence  }
0xb7: {  	s30 =	sld [smem:$0x0];
	_ =	sdelay $0x2  }
0xb8: {  	s31 =	sshll.u32 s1, $0xD;
	s1 =	sshrl.u32 s1, $0x2  }
0xb9: {  	s3 =	sand.u32 $0x4000, s31;
	s1 =	sadd.s32 s1, s30  }
0xba: {  	s0 =	sor.u32 s3, s0;
	s1 =	sshll.u32 s1, $0x11  }
0xbb: {  	s0 =	sor.u32 s1, s0  }
0xbc: {  	s0 =	sadd.s32 $0x8F2B, s0  }
0xbd: {  	[sflag:s0] =	ssyncadd.remote.s32 $0x1  }
0xbe: {  	_ =	sfence.sel $0xFFFF  }
0xbf: {  	[dreg:$0x0] =	wrdreg $0xFFFFFFFF;
	(pc) =	sbr.abs _section_cstart, $3  }
0xc0: {  	[dreg:$0x1] =	wrdreg $0xFFFFFFFF  }
0xc1: {  	_ =	task.clear_ibuf [dreg:s6], $0x2FFFF;
	_ =	strace $0x9FFFFFFF  }
0xc2: {  	(tm) =	ssettm $0x7FFFFFFF  }
0xc3: {  	_ =	shalt  }
tec
execute0_lowered:
.L_overlay_start_1:
0x0: {  	(tag) =	ssettag $0x1  }
0x1: {  	s0 =	rddreg [dreg:$0x0]  }
0x2: {  	s1 =	rddreg [dreg:$0x1];
	s2 =	srdreg.scid  }
0x3: {  	s3 =	simm.s32 $0x0;
	s24 =	stileid.u32;
	s13 =	simm.s32 $0x6800  }
0x4: {  	s14 =	simm.s32 $0x3;
	s16 =	simm.s32 $0x50;
	s18 =	simm.s32 $0x9000  }
0x5: {  	s19 =	simm.s32 $0x1;
	s31 =	simm.s32 $0x1400;
	s20 =	simm.s32 $0x2  }
0x6: {  	s6 =	sand.u32 $0x1, s2;
	[smem:$0x7FF] =	sst s3;
	s11 =	smul.u32 $0xA000, s24  }
0x7: {  	s5 =	sadd.s32 $0x25000, s0;
	s26 =	ssub.s32 $0x8C, s24;
	s12 =	smul.u32 $0x500, s24  }
0x8: {  	s4 =	sshll.u32 s6, $0x4;
	_ =	strace $0x8000004D;
	s9 =	smul.u32 $0x27100, s6  }
0x9: {  	s10 =	ssub.s32 $0x2, s6;
	[dreg:$0x3] =	wrdreg s31;
	s7 =	sor.u32 s24, s4  }
0xa: {  	s4 =	sadd.s32 $0x39000, s0;
	s25 =	sshrl.u32 s10, $0x1;
	s11 =	sshrl.u32 s11, $0x2  }
0xb: {  	s8 =	sshll.u32 s7, $0xB;
	s6 =	smul.u32 $0x5000, s7;
	s10 =	ssub.s32 s10, s25  }
0xc: {  	s7 =	sshrl.u32 s26, $0x4;
	s11 =	sadd.s32 s11, s1;
	s8 =	sadd.s32 s8, s0  }
0xd: {  	s0 =	sadd.s32 s9, s0;
	s28 =	sshrl.u32 s6, $0x3;
	s29 =	sadd.s32 $0x5000, s8  }
0xe: {  	s0 =	sadd.s32 s12, s0;
	[dreg:$0x4] =	wrdreg s29;
	s30 =	sadd.s32 s5, s28  }
0xf: {  	v0 =	vimm.f32 $0.0e+00;
	s10 =	smax.u32 s10, $0x1;
	s12 =	sadd.s32 $0xD5400, s0;
	[dreg:$0x5] =	wrdreg s30  }
.LBB2_1:
0x10: {  	s0 =	simm.s32 $0x70;
	s17 =	simm.s32 $0x3C0  }
.LBB2_2:
0x11: {  	p0 =	sne.s32 s17, $0x9FC0;
	[tilespmem:s0+$0x6800] =	vst v0  }
0x12: {  	[tilespmem:s0+$0x6790] =	vst v0  }
0x13: {  	[tilespmem:s0+$0x67A0] =	vst v0  }
.Ltmp0:
0x14: {  	[tilespmem:s0+$0x67B0] =	vst v0;
	(pc) =	sbr.rel @p0 .LBB2_2-.Ltmp0, $4  }
0x15: {  	[tilespmem:s0+$0x67C0] =	vst v0  }
0x16: {  	[tilespmem:s0+$0x67D0] =	vst v0  }
0x17: {  	[tilespmem:s0+$0x67E0] =	vst v0  }
0x18: {  	[tilespmem:s0+$0x67F0] =	vst v0;
	s0 =	sshra.s32 s17, $0x2;
	s17 =	sadd.s32 $0x200, s17  }
0x19: {  	[tilespmem:s0+$0x6800] =	vst v0  }
0x1a: {  	[tilespmem:s0+$0x6790] =	vst v0  }
0x1b: {  	[tilespmem:s0+$0x67A0] =	vst v0  }
0x1c: {  	[tilespmem:s0+$0x67B0] =	vst v0  }
0x1d: {  	[tilespmem:s0+$0x67C0] =	vst v0  }
0x1e: {  	[tilespmem:s0+$0x67D0] =	vst v0;
	p0 =	sne.s32 s7, $0x1  }
.Ltmp1:
0x1f: {  	[tilespmem:s0+$0x67E0] =	vst v0;
	(pc) =	sbr.rel @!p0 .LBB2_5-.Ltmp1, $4  }
0x20: {  	[tilespmem:s0+$0x67F0] =	vst v0  }
0x21: {  	[spmem:s11] =	stream.linear.scatter [tilespmem:s13], [sflag:$0x3], $0x2800, $0x38;
	[tilespmem:$0x1F080] =	vst v63  }
0x22: {  	_ =	swait.ge [sflag:s14], $0x2800  }
0x23: {  	s0 =	sadd.s32 $0xFFFFFFFF, s7;
	s17 =	smov.u32 s11;
	[sflag:s14] =	ssyncset.done $0x0  }
.LBB2_4:
0x24: {  	p1 =	sne.s32 s0, $0x1;
	[sflag:s14] =	ssyncadd.s32 $0xFFFFD800;
	s17 =	sadd.s32 $0x28000, s17  }
.Ltmp2:
0x25: {  	s0 =	sadd.s32 $0xFFFFFFFF, s0;
	(pc) =	sbr.rel @p1 .LBB2_4-.Ltmp2, $4  }
0x26: {  	_ = 	snop  }
0x27: {  	[spmem:s17] =	stream.linear.scatter [tilespmem:s13], [sflag:$0x3], $0x2800, $0x38;
	[tilespmem:$0x1F080] =	vst v63  }
0x28: {  	_ =	swait.ge [sflag:s14], $0x2800  }
0x29: {  	[sflag:s14] =	ssyncset.done $0x0  }
.LBB2_5:
0x2a: {  	[sflag:s14] =	ssyncadd.s32 $0xFFFFD800;
	s0 =	simm.s32 $0x0;
	s2 =	rddreg [dreg:$0x4]  }
0x2b: {  	[tilespmem:s0], [sflag:$0x3] =	stream.linear.gather [hbm4b:s2+s0], $0x3E80, $0x38;
	[tilespmem:$0x1F080] =	vst v63  }
0x2c: {  	_ =	swait.ge [sflag:s14], $0x3E80  }
0x2d: {  	s8 =	simm.s32 $0x4000;
	s22 =	simm.s32 $0x2;
	[sflag:s14] =	ssyncset.done $0x0  }
0x2e: {  	s2 =	smul.u32 $0xCD, s22;
	s31 =	rddreg [dreg:$0x5];
	[sflag:s14] =	ssyncadd.s32 $0xFFFFC180  }
0x2f: {  	[tilespmem:s8], [sflag:$0x3] =	stream.linear.gather [hbm4b:s31+s0], $0x1400, $0x38;
	[tilespmem:$0x1F080] =	vst v63  }
0x30: {  	s0 =	sshrl.u32 s2, $0xD  }
0x31: {  	_ =	swait.ge [sflag:s14], $0x1400;
	s0 =	sand.u32 $0x7, s0  }
0x32: {  	[sflag:s14] =	ssyncset.done $0x0;
	s17 =	smul.u32 $0x28, s0  }
0x33: {  	[sflag:s14] =	ssyncadd.s32 $0xFFFFEC00  }
0x34: {  	[bflag:$0x0] =	sbarrier.arrive $0xFFFF;
	s17 =	ssub.s32 $0x2, s17  }
0x35: {  	[tilespmem:s13], [sflag:$0x1] =	stream.indirect.gather [hbm4b:s4+s16], $0x80, s8, s16, $0xb8;
	[tilespmem:$0x1F080] =	vst v63  }
0x36: {  	s17 =	sand.u32 $0xFF, s17  }
0x37: {  	s9 =	simm.s32 $0x4080;
	p1 =	seq.s32 s17, $0x0  }
0x38: {  	[tilespmem:s18], [sflag:$0x2] =	stream.indirect.gather [hbm4b:s4+s16], $0x80, s9, s16, $0xb8;
	[tilespmem:$0x1F080] =	vst v63  }
0x39: {  	s23 =	simm.s32 $0x100;
	s24 =	sand.u32 @p1 $0x1, s0;
	s25 =	simm.s32 @p1 $0x5000  }
0x3a: {  	s26 =	sand.u32 @p1 $0x7C00, s23;
	s23 =	sand.u32 @p1 $0x300, s23;
	p2 =	seq.s32 @p1 s24, $0x1  }
0x3b: {  	s0 =	sand.u32 @!p1 $0x1, s0;
	s24 =	sadd.s32 @p1 s6, s26;
	p2 =	por !p2, !p1  }
0x3c: {  	s26 =	simm.s32 @p1 $0x3;
	s23 =	sor.u32 @p1 s23, s24;
	s25 =	simm.s32 @p2 $0x0  }
0x3d: {  	s23 =	sshrl.u32 @p1 s23, $0x3;
	p2 =	seq.s32 @!p1 s0, $0x1;
	s24 =	sshrl.u32 @p1 s25, $0x2  }
0x3e: {  	s0 =	simm.s32 @p1 $0x0;
	s23 =	sadd.s32 @p1 s5, s23;
	s24 =	sor.u32 @p1 $0x4000, s24  }
0x3f: {  	[tilespmem:s24], [sflag:$0x3] =	stream.linear.gather @p1 [hbm4b:s23+s0], $0x1400, $0x38;
	[tilespmem:$0x1F080] =	vst v63  }
0x40: {  	s30 =	simm.s32 $0x200;
	s15 =	simm.s32 $0x0;
	_ =	swait.ge @p1 [sflag:s26], $0x1400  }
0x41: {  	p2 =	por !p2, p1;
	s0 =	simm.s32 @!p1 $0x5000;
	[sflag:s26] =	ssyncset.done @p1 $0x0  }
0x42: {  	s28 =	simm.s32 $0x300;
	s0 =	simm.s32 @p2 $0x0;
	[sflag:s26] =	ssyncadd.s32 @p1 $0xFFFFEC00  }
0x43: {  	s17 =	sshll.u32 s17, $0x7;
	s0 =	smov.u32 @p1 s25;
	_ =	swait.ge [sflag:s19], $0x2800  }
0x44: {  	s25 =	simm.s32 $0x4;
	s0 =	sshrl.u32 s0, $0x2;
	[sflag:s19] =	ssyncset.done $0x0  }
0x45: {  	s21 =	smul.u32 $0xCD, s25;
	s0 =	sadd.s32 s17, s0;
	[sflag:s19] =	ssyncadd.s32 $0xFFFFD800  }
0x46: {  	[spmem:s1] =	stream.indirect.scatter.add.f32 [tilespmem:s13], [sflag:$0x3], $0x80, s15, s16, $0xb8;
	[tilespmem:$0x1F080] =	vst v63  }
0x47: {  	s17 =	sshrl.u32 s21, $0xD;
	s26 =	sadd.s32 $0x4000, s0;
	_ =	swait.ge [sflag:s14], $0x2800  }
0x48: {  	s0 =	simm.s32 $0x3;
	s29 =	sand.u32 $0x7, s17;
	[sflag:s14] =	ssyncset.done $0x0  }
0x49: {  	s31 =	sand.u32 $0xFF, s0;
	s17 =	smul.u32 $0x28, s29;
	[sflag:s14] =	ssyncadd.s32 $0xFFFFD800  }
0x4a: {  	[tilespmem:s13], [sflag:$0x1] =	stream.indirect.gather [hbm4b:s4+s16], $0x80, s26, s16, $0xb8;
	[tilespmem:$0x1F080] =	vst v63  }
0x4b: {  	s24 =	simm.s32 $0x80;
	s31 =	smul.u32 $0xCD, s31;
	_ =	swait.ge [sflag:s20], $0x2800  }
0x4c: {  	s23 =	simm.s32 $0x180;
	s17 =	ssub.s32 $0x4, s17;
	[sflag:s20] =	ssyncset.done $0x0  }
0x4d: {  	s26 =	sand.u32 $0xFF, s17;
	s17 =	sshrl.u32 s31, $0xD;
	[sflag:s20] =	ssyncadd.s32 $0xFFFFD800  }
.LBB2_6:
0x4e: {  	[spmem:s1] =	stream.indirect.scatter.add.f32 [tilespmem:s18], [sflag:$0x3], $0x80, s24, s16, $0xb8;
	[tilespmem:$0x1F080] =	vst v63  }
0x4f: {  	s21 =	smov.u32 s28;
	s31 =	smov.u32 s25;
	s24 =	smov.u32 s23  }
0x50: {  	p1 =	seq.s32 s26, $0x0;
	s2 =	sand.u32 $0x1, s17;
	s17 =	smul.u32 $0x28, s17  }
0x51: {  	s28 =	sadd.s32 $0x100, s28;
	s25 =	sadd.s32 $0x2, s25;
	_ =	swait.ge [sflag:s14], $0x2800  }
0x52: {  	s8 =	sand.u32 @p1 $0x1, s29;
	s9 =	simm.s32 @p1 $0x5000;
	s15 =	sand.u32 @p1 $0x7C00, s30  }
0x53: {  	s30 =	sand.u32 @p1 $0x300, s30;
	[sflag:s14] =	ssyncset.done $0x0;
	p2 =	seq.s32 @p1 s8, $0x1  }
0x54: {  	s8 =	rddreg [dreg:$0x3];
	s15 =	sadd.s32 @p1 s6, s15;
	s0 =	ssub.s32 s0, s17  }
0x55: {  	s17 =	sand.u32 @!p1 $0x1, s29;
	p2 =	por !p2, !p1;
	s0 =	sand.u32 $0xFF, s0  }
0x56: {  	[sflag:s14] =	ssyncadd.s32 $0xFFFFD800;
	s9 =	simm.s32 @p2 $0x0;
	p2 =	seq.s32 s2, $0x1  }
0x57: {  	p3 =	seq.s32 @!p1 s17, $0x1;
	s0 =	sshll.u32 s0, $0x7;
	s8 =	simm.s32 @!p2 $0x0  }
0x58: {  	s17 =	simm.s32 @p1 $0x3;
	s2 =	sor.u32 @p1 s30, s15;
	s0 =	sadd.s32 s0, s8  }
0x59: {  	s15 =	sshrl.u32 @p1 s9, $0x2;
	s2 =	sshrl.u32 @p1 s2, $0x3;
	s0 =	sor.u32 $0x4000, s0  }
0x5a: {  	[tilespmem:s18], [sflag:$0x2] =	stream.indirect.gather [hbm4b:s4+s16], $0x80, s0, s16, $0xb8;
	[tilespmem:$0x1F080] =	vst v63  }
0x5b: {  	s15 =	sor.u32 @p1 $0x4000, s15;
	s2 =	sadd.s32 @p1 s5, s2;
	s8 =	simm.s32 @p1 $0x0  }
0x5c: {  	[tilespmem:s15], [sflag:$0x3] =	stream.linear.gather @p1 [hbm4b:s2+s8], $0x1400, $0x38;
	[tilespmem:$0x1F080] =	vst v63  }
0x5d: {  	s29 =	sadd.s32 $0xFFFFFF80, s23;
	s23 =	sadd.s32 $0x100, s23;
	_ =	swait.ge @p1 [sflag:s17], $0x1400  }
0x5e: {  	p3 =	por !p3, p1;
	s0 =	simm.s32 @!p1 $0x5000;
	[sflag:s17] =	ssyncset.done @p1 $0x0  }
0x5f: {  	p2 =	sne.s32 s28, $0x3F00;
	s0 =	simm.s32 @p3 $0x0;
	[sflag:s17] =	ssyncadd.s32 @p1 $0xFFFFEC00  }
0x60: {  	s0 =	smov.u32 @p1 s9;
	s9 =	smul.u32 $0xCD, s25;
	_ =	swait.ge [sflag:s19], $0x2800  }
0x61: {  	s8 =	sshll.u32 s26, $0x7;
	s0 =	sshrl.u32 s0, $0x2;
	[sflag:s19] =	ssyncset.done $0x0  }
0x62: {  	s0 =	sadd.s32 s8, s0;
	s2 =	sshrl.u32 s9, $0xD;
	[sflag:s19] =	ssyncadd.s32 $0xFFFFD800  }
0x63: {  	[spmem:s1] =	stream.indirect.scatter.add.f32 [tilespmem:s13], [sflag:$0x3], $0x80, s29, s16, $0xb8;
	[tilespmem:$0x1F080] =	vst v63  }
0x64: {  	s15 =	sadd.s32 $0x4000, s0;
	s29 =	sand.u32 $0x7, s2;
	_ =	swait.ge [sflag:s14], $0x2800  }
0x65: {  	s0 =	sadd.s32 $0x3, s22;
	s2 =	smul.u32 $0x28, s29;
	[sflag:s14] =	ssyncset.done $0x0  }
.Ltmp3:
0x66: {  	s17 =	sand.u32 $0xFF, s0;
	[sflag:s14] =	ssyncadd.s32 $0xFFFFD800;
	(pc) =	sbr.rel @p2 .LBB2_6-.Ltmp3, $4  }
0x67: {  	[tilespmem:s13], [sflag:$0x1] =	stream.indirect.gather [hbm4b:s4+s16], $0x80, s15, s16, $0xb8;
	[tilespmem:$0x1F080] =	vst v63  }
0x68: {  	s30 =	smov.u32 s21;
	s21 =	smul.u32 $0xCD, s17;
	_ =	swait.ge [sflag:s20], $0x2800  }
0x69: {  	s22 =	smov.u32 s31;
	s2 =	ssub.s32 s25, s2;
	[sflag:s20] =	ssyncset.done $0x0  }
0x6a: {  	s17 =	sshrl.u32 s21, $0xD;
	s26 =	sand.u32 $0xFF, s2;
	[sflag:s20] =	ssyncadd.s32 $0xFFFFD800  }
0x6b: {  	[spmem:s1] =	stream.indirect.scatter.add.f32 [tilespmem:s18], [sflag:$0x3], $0x80, s24, s16, $0xb8;
	[tilespmem:$0x1F080] =	vst v63  }
0x6c: {  	p1 =	seq.s32 s26, $0x0;
	s2 =	sand.u32 $0x1, s17  }
0x6d: {  	s31 =	smul.u32 $0x28, s17;
	_ =	swait.ge [sflag:s14], $0x2800;
	s8 =	sand.u32 @p1 $0x1, s29  }
0x6e: {  	s9 =	simm.s32 @p1 $0x5000;
	s15 =	sand.u32 @p1 $0x7C00, s30;
	s21 =	sand.u32 @p1 $0x300, s30  }
0x6f: {  	[sflag:s14] =	ssyncset.done $0x0;
	p2 =	seq.s32 @p1 s8, $0x1;
	s8 =	rddreg [dreg:$0x3]  }
0x70: {  	s15 =	sadd.s32 @p1 s6, s15;
	s0 =	ssub.s32 s0, s31;
	p2 =	por !p2, !p1  }
0x71: {  	s0 =	sand.u32 $0xFF, s0;
	s9 =	simm.s32 @p2 $0x0;
	p2 =	seq.s32 s2, $0x1  }
0x72: {  	[sflag:s14] =	ssyncadd.s32 $0xFFFFD800;
	s0 =	sshll.u32 s0, $0x7;
	s8 =	simm.s32 @!p2 $0x0  }
0x73: {  	s2 =	sor.u32 @p1 s21, s15;
	s15 =	sshrl.u32 @p1 s9, $0x2;
	s0 =	sadd.s32 s0, s8  }
0x74: {  	s2 =	sshrl.u32 @p1 s2, $0x3;
	s8 =	sor.u32 @p1 $0x4000, s15;
	s0 =	sor.u32 $0x4000, s0  }
0x75: {  	[tilespmem:s18], [sflag:$0x2] =	stream.indirect.gather [hbm4b:s4+s16], $0x80, s0, s16, $0xb8;
	[tilespmem:$0x1F080] =	vst v63  }
0x76: {  	s15 =	simm.s32 @p1 $0x3;
	s0 =	sadd.s32 @p1 s5, s2;
	s2 =	simm.s32 @p1 $0x0  }
0x77: {  	[tilespmem:s8], [sflag:$0x3] =	stream.linear.gather @p1 [hbm4b:s0+s2], $0x1400, $0x38;
	[tilespmem:$0x1F080] =	vst v63  }
0x78: {  	_ =	swait.ge @p1 [sflag:s15], $0x1400  }
0x79: {  	s0 =	sand.u32 @!p1 $0x1, s29;
	[sflag:s15] =	ssyncset.done @p1 $0x0  }
0x7a: {  	p2 =	seq.s32 @!p1 s0, $0x1;
	[sflag:s15] =	ssyncadd.s32 @p1 $0xFFFFEC00  }
0x7b: {  	s0 =	simm.s32 @!p1 $0x5000;
	p2 =	por !p2, p1;
	_ =	swait.ge [sflag:s19], $0x2800  }
0x7c: {  	s17 =	sadd.s32 $0xFFFFFF80, s23;
	s0 =	simm.s32 @p2 $0x0;
	[sflag:s19] =	ssyncset.done $0x0  }
0x7d: {  	s22 =	sadd.s32 $0x3, s22;
	s0 =	smov.u32 @p1 s9;
	[sflag:s19] =	ssyncadd.s32 $0xFFFFD800  }
0x7e: {  	[spmem:s1] =	stream.indirect.scatter.add.f32 [tilespmem:s13], [sflag:$0x3], $0x80, s17, s16, $0xb8;
	[tilespmem:$0x1F080] =	vst v63  }
0x7f: {  	s21 =	sshll.u32 s26, $0x7;
	s0 =	sshrl.u32 s0, $0x2;
	_ =	swait.ge [sflag:s14], $0x2800  }
0x80: {  	s24 =	sand.u32 $0xFF, s22;
	s0 =	sadd.s32 s21, s0;
	[sflag:s14] =	ssyncset.done $0x0  }
0x81: {  	s25 =	smul.u32 $0xCD, s24;
	s0 =	sadd.s32 $0x4000, s0;
	[sflag:s14] =	ssyncadd.s32 $0xFFFFD800  }
0x82: {  	[tilespmem:s13], [sflag:$0x1] =	stream.indirect.gather [hbm4b:s4+s16], $0x80, s0, s16, $0xb8;
	[tilespmem:$0x1F080] =	vst v63  }
0x83: {  	_ =	swait.ge [sflag:s20], $0x2800  }
0x84: {  	s0 =	sshrl.u32 s25, $0xD;
	[sflag:s20] =	ssyncset.done $0x0  }
0x85: {  	s26 =	smul.u32 $0x28, s0;
	[sflag:s20] =	ssyncadd.s32 $0xFFFFD800  }
0x86: {  	[spmem:s1] =	stream.indirect.scatter.add.f32 [tilespmem:s18], [sflag:$0x3], $0x80, s23, s16, $0xb8;
	[tilespmem:$0x1F080] =	vst v63  }
0x87: {  	s0 =	sand.u32 $0x1, s0;
	s2 =	ssub.s32 s22, s26;
	_ =	swait.ge [sflag:s14], $0x2800  }
0x88: {  	p1 =	seq.s32 s0, $0x1;
	s28 =	sand.u32 $0xFF, s2;
	s9 =	rddreg [dreg:$0x3]  }
0x89: {  	s0 =	sshll.u32 s28, $0x7;
	s9 =	simm.s32 @!p1 $0x0  }
0x8a: {  	[sflag:s14] =	ssyncset.done $0x0;
	s0 =	sadd.s32 s0, s9  }
0x8b: {  	[sflag:s14] =	ssyncadd.s32 $0xFFFFD800;
	s0 =	sor.u32 $0x4000, s0  }
0x8c: {  	[tilespmem:s18], [sflag:$0x2] =	stream.indirect.gather [hbm4b:s4+s16], $0x80, s0, s16, $0xb8;
	[tilespmem:$0x1F080] =	vst v63  }
0x8d: {  	_ =	swait.ge [sflag:s19], $0x2800  }
0x8e: {  	[sflag:s19] =	ssyncset.done $0x0  }
0x8f: {  	s29 =	simm.s32 $0x3E00;
	[sflag:s19] =	ssyncadd.s32 $0xFFFFD800  }
0x90: {  	[spmem:s1] =	stream.indirect.scatter.add.f32 [tilespmem:s13], [sflag:$0x3], $0x80, s29, s16, $0xb8;
	[tilespmem:$0x1F080] =	vst v63  }
0x91: {  	_ =	swait.ge [sflag:s14], $0x2800  }
0x92: {  	[sflag:s14] =	ssyncset.done $0x0  }
0x93: {  	[sflag:s14] =	ssyncadd.s32 $0xFFFFD800  }
0x94: {  	_ =	swait.ge [sflag:s20], $0x2800  }
.Ltmp4:
0x95: {  	s30 =	stileid.u32;
	[sflag:s20] =	ssyncset.done $0x0;
	(pc) =	sbr.rel @!p0 .LBB2_9-.Ltmp4, $4  }
0x96: {  	s31 =	sshrl.u32 s11, $0x3;
	s0 =	sshll.u32 s30, $0x6;
	[sflag:s20] =	ssyncadd.s32 $0xFFFFD800  }
0x97: {  	s17 =	sadd.s32 $0xFFFFFFFF, s7;
	s0 =	sor.u32 $0x1C03, s0;
	[bflag:$0x0] =	sbarrier.arrive $0xFFFF  }
0x98: {  	[hbm:s12], [sflag:s0] =	dma.local [spmem:s31], $0x500  }
0x99: {  	s22 =	sadd.s32 $0x28000, s11;
	s23 =	smov.u32 s12;
	_ =	swait.ge [sflag:s14], $0x500  }
.LBB2_8:
0x9a: {  	[sflag:s14] =	ssyncset.done $0x0;
	s23 =	sadd.s32 $0x5000, s23;
	p0 =	sne.s32 s17, $0x1  }
.Ltmp5:
0x9b: {  	s2 =	sshrl.u32 s22, $0x3;
	[sflag:s14] =	ssyncadd.s32 $0xFFFFFB00;
	(pc) =	sbr.rel @p0 .LBB2_8-.Ltmp5, $3  }
0x9c: {  	[hbm:s23], [sflag:s0] =	dma.local [spmem:s2], $0x500  }
0x9d: {  	s17 =	sadd.s32 $0xFFFFFFFF, s17;
	_ =	sdelay $0x1  }
0x9e: {  	s22 =	sadd.s32 $0x28000, s22;
	_ =	swait.ge [sflag:s14], $0x500  }
.LBB2_9:
0x9f: {  	s3 =	sadd.s32 $0x1, s3  }
0xa0: {  	p0 =	sne.s32 s3, s10  }
.Ltmp6:
0xa1: {  	_ = 	snop;
	(pc) =	sbr.rel @p0 .LBB2_1-.Ltmp6, $3  }
0xa2: {  	_ =	sdelay $0x1  }
0xa3: {  	[sflag:s14] =	ssyncset.done $0x0  }
0xa4: {  	[sflag:s14] =	ssyncadd.s32 $0xFFFFFB00  }
0xa5: {  	_ =	sfence.sel $0x180000  }
0xa6: {  	[bflag:$0x0] =	sbarrier.arrive $0xFFFF  }
0xa7: {  	_ =	strace $0x9000004D  }
0xa8: {  	s0 =	stileid.u32;
	[bflag:$0x2] =	sbarrier.arrive $0xFFFF  }
0xa9: {  	p0 =	sne.s32 s0, $0x0;
	s0 =	rddreg [dreg:$0x2]  }
0xaa: {  	s0 =	sadd.s32 @!p0 $0x100000, s0  }
0xab: {  	[sflag:s0] =	ssyncadd.tile.s32 @!p0 $0x1;
	_ =	shalt  }
.Lfunc_end2:
_tile_overlayer_lowered:
.L_overlay_start_2:
0xac: {  	(tag) =	ssettag $0x2  }
0xad: {  	s0 =	rddreg [dreg:$0x0];
	s2 =	stileid.u32  }
0xae: {  	s1 =	rddreg [dreg:$0x1];
	p0 =	sne.s32 s2, $0x0  }
0xaf: {  	s3 =	rddreg [dreg:$0x2];
	[bflag:$0x3] =	sbarrier.arrive $0xFFFF;
	s2 =	simm.s32 @!p0 $0x1C03  }
0xb0: {  	[timem:s3], [sflag:s2] =	dma.local @!p0 [hbm:s0], s1  }
0xb1: {  	s0 =	simm.s32 @!p0 $0x3  }
0xb2: {  	_ =	swait.ge @!p0 [sflag:s0], s1  }
0xb3: {  	s1 =	ssub.s32 @!p0 $0x0, s1;
	[sflag:s0] =	ssyncset.done @!p0 $0x0  }
0xb4: {  	[sflag:s0] =	ssyncadd.s32 @!p0 s1  }
0xb5: {  	[bflag:$0x3] =	sbarrier.arrive $0xFFFF  }
0xb6: {  	_ =	shalt  }

// kernel: kernel.18.cloned.1.call-start
scs
__scs_entry_jumppad:
0x0: {  	(pc) =	sbr.rel $0x88, $3  }
0x1: {  	(tag) =	ssettag $0x0;
	lr =	simm.s32 $0x1  }
0x2: {  	[smem:$0x3F8E] =	sst lr;
	_ =	strace $0xD0000000  }
0x3: {  	_ = 	snop  }
0x4: {  	_ = 	snop  }
0x5: {  	_ = 	snop  }
0x6: {  	_ = 	snop  }
0x7: {  	_ = 	snop  }
__scs_overlays_trampoline_lowered:
0x8: {  	[smem:$0x3F9D] =	sst s0  }
0x9: {  	[smem:$0x3F9E] =	sst s1  }
0xa: {  	[smem:$0x3F9F] =	sst s2  }
0xb: {  	[smem:$0x3FA0] =	sst s3  }
0xc: {  	[smem:$0x3FA1] =	sst s4  }
0xd: {  	[smem:$0x3FA2] =	sst s5  }
0xe: {  	[smem:$0x3FA3] =	sst s6  }
0xf: {  	[smem:$0x3FA4] =	sst s7  }
0x10: {  	[smem:$0x3FA5] =	sst s8  }
0x11: {  	[smem:$0x3FA6] =	sst s9;
	s0 =	simm.s32 @!p0 $0x0  }
0x12: {  	s1 =	sld [smem:$0x3F8C];
	s0 =	simm.s32 @p0 $0x1  }
0x13: {  	[smem:$0x3FA7] =	sst s0;
	s0 =	simm.s32 @!p1 $0x0  }
0x14: {  	s2 =	sld [smem:$0x3F8B];
	s0 =	simm.s32 @p1 $0x1  }
0x15: {  	[smem:$0x3FA8] =	sst s0;
	s0 =	simm.s32 @!p2 $0x0  }
0x16: {  	s3 =	sld [smem:$0x3FDB];
	s0 =	simm.s32 @p2 $0x1  }
0x17: {  	s4 =	simm.s32 $0x1BF5;
	[smem:$0x3FAA] =	sst s0  }
0x18: {  	s0 =	sld [smem:$0x3F8D];
	_ =	swait.ge [sflag:s4], $0x0  }
0x19: {  	s7 =	sld [smem:$0x3F8E]  }
0x1a: {  	s8 =	sadd.s32 $0xFFFFE003, lr  }
0x1b: {  	s9 =	sadd.s32 $0xFFFFFEF7, lr;
	s5 =	simm.s32 $0xFFFFFFFF;
	p2 =	slt.u32 s8, $0xFFFFF086  }
0x1c: {  	p1 =	slt.u32 s9, $0xF7A;
	s5 =	simm.s32 @!p2 $0x0  }
0x1d: {  	s5 =	simm.s32 @p1 $0x1;
	p0 =	seq.s32 s7, s2  }
0x1e: {  	s7 =	smul.u32 @!p0 $0xF7A, s2;
	p2 =	seq.s32 @!p0 s5, $0x0  }
0x1f: {  	s9 =	smul.u32 $0xF7A, s1;
	s8 =	simm.s32 @!p0 $0x1BF5;
	p2 =	por !p2, p0  }
0x20: {  	[sflag:s8] =	ssyncset.s32 @!p0 $0xFFFFF086;
	s6 =	sadd.s32 @!p0 s3, s7;
	s7 =	simm.s32 @!p0 $0x108  }
0x21: {  	s3 =	sadd.s32 s3, s9;
	s6 =	sadd.s32 @!p0 $0x88, s6;
	s7 =	simm.s32 @p2 $0x1082  }
0x22: {  	[simem:s7], [sflag:s8] =	dma.local @!p0 [hbm:s6], $0xF7A  }
0x23: {  	s9 =	sor.u32 $0xD0000000, s2;
	s6 =	simm.s32 $0x108;
	_ =	swait.ge @!p0 [sflag:s8], $0x0  }
0x24: {  	s3 =	sadd.s32 $0x88, s3;
	s6 =	simm.s32 @!p1 $0x1082;
	[sflag:s4] =	ssyncset.s32 $0xFFFFF086  }
0x25: {  	[simem:s6], [sflag:s4] =	dma.local [hbm:s3], $0xF7A  }
0x26: {  	[smem:$0x3F8E] =	sst s1;
	(tag) =	ssettag s2;
	_ =	strace s9  }
0x27: {  	s1 =	sld [smem:$0x3F9E]  }
0x28: {  	s2 =	sld [smem:$0x3F9F]  }
0x29: {  	s4 =	sld [smem:$0x3FA1]  }
0x2a: {  	p0 =	seq.s32 s5, $0x0;
	s5 =	sld [smem:$0x3FA2]  }
0x2b: {  	s6 =	sld [smem:$0x3FA3]  }
0x2c: {  	s7 =	sld [smem:$0x3FA4]  }
0x2d: {  	s3 =	simm.s32 $0x108;
	s8 =	sld [smem:$0x3FA5]  }
0x2e: {  	s3 =	simm.s32 @!p0 $0x1082;
	s9 =	sld [smem:$0x3FA6]  }
0x2f: {  	lr =	sadd.s32 s0, s3;
	s0 =	sld [smem:$0x3F9D]  }
0x30: {  	s3 =	sld [smem:$0x3FA0]  }
0x31: {  	[smem:$0x3FA9] =	sst s10  }
0x32: {  	s10 =	sld [smem:$0x3FA7];
	_ =	sdelay $0x3  }
0x33: {  	p0 =	seq.s32 s10, $0x1;
	s10 =	sld [smem:$0x3FA9];
	_ =	sdelay $0x3  }
0x34: {  	[smem:$0x3FA9] =	sst s10  }
0x35: {  	s10 =	sld [smem:$0x3FA8];
	_ =	sdelay $0x3  }
0x36: {  	p1 =	seq.s32 s10, $0x1;
	s10 =	sld [smem:$0x3FA9];
	_ =	sdelay $0x3  }
0x37: {  	[smem:$0x3FA9] =	sst s10  }
0x38: {  	s10 =	sld [smem:$0x3FAA]  }
0x39: {  	_ = 	snop;
	(pc) =	sbr.ind lr, $3  }
0x3a: {  	_ = 	snop  }
0x3b: {  	_ = 	snop  }
0x3c: {  	p2 =	seq.s32 s10, $0x1;
	s10 =	sld [smem:$0x3FA9]  }
0x3d: {  	_ =	shalt  }
0x3e: {  	_ =	shalt  }
0x3f: {  	_ =	shalt  }
0x40: {  	_ =	shalt  }
0x41: {  	_ =	shalt  }
0x42: {  	_ =	shalt  }
0x43: {  	_ =	shalt  }
0x44: {  	_ =	shalt  }
0x45: {  	_ =	shalt  }
0x46: {  	_ =	shalt  }
0x47: {  	_ =	shalt  }
0x48: {  	_ =	shalt  }
0x49: {  	_ =	shalt  }
0x4a: {  	_ =	shalt  }
0x4b: {  	_ =	shalt  }
0x4c: {  	_ =	shalt  }
0x4d: {  	_ =	shalt  }
0x4e: {  	_ =	shalt  }
0x4f: {  	_ =	shalt  }
0x50: {  	_ =	shalt  }
0x51: {  	_ =	shalt  }
0x52: {  	_ =	shalt  }
0x53: {  	_ =	shalt  }
0x54: {  	_ =	shalt  }
0x55: {  	_ =	shalt  }
0x56: {  	_ =	shalt  }
0x57: {  	_ =	shalt  }
0x58: {  	_ =	shalt  }
0x59: {  	_ =	shalt  }
0x5a: {  	_ =	shalt  }
0x5b: {  	_ =	shalt  }
0x5c: {  	_ =	shalt  }
0x5d: {  	_ =	shalt  }
0x5e: {  	_ =	shalt  }
0x5f: {  	_ =	shalt  }
0x60: {  	_ =	shalt  }
0x61: {  	_ =	shalt  }
0x62: {  	_ =	shalt  }
0x63: {  	_ =	shalt  }
0x64: {  	_ =	shalt  }
0x65: {  	_ =	shalt  }
0x66: {  	_ =	shalt  }
0x67: {  	_ =	shalt  }
0x68: {  	_ =	shalt  }
0x69: {  	_ =	shalt  }
0x6a: {  	_ =	shalt  }
0x6b: {  	_ =	shalt  }
0x6c: {  	_ =	shalt  }
0x6d: {  	_ =	shalt  }
0x6e: {  	_ =	shalt  }
0x6f: {  	_ =	shalt  }
0x70: {  	_ =	shalt  }
0x71: {  	_ =	shalt  }
0x72: {  	_ =	shalt  }
0x73: {  	_ =	shalt  }
0x74: {  	_ =	shalt  }
0x75: {  	_ =	shalt  }
0x76: {  	_ =	shalt  }
0x77: {  	_ =	shalt  }
0x78: {  	_ =	shalt  }
0x79: {  	_ =	shalt  }
0x7a: {  	_ =	shalt  }
0x7b: {  	_ =	shalt  }
0x7c: {  	_ =	shalt  }
0x7d: {  	_ =	shalt  }
0x7e: {  	_ =	shalt  }
0x7f: {  	_ =	shalt  }
0x80: {  	_ =	shalt  }
0x81: {  	_ =	shalt  }
0x82: {  	_ =	shalt  }
0x83: {  	_ =	shalt  }
0x84: {  	_ =	shalt  }
0x85: {  	_ =	shalt  }
0x86: {  	_ =	shalt  }
0x87: {  	_ =	shalt  }
.Lfunc_end0:
.L_simem_size_0:
called_computation.3_lowered:
.L_overlay_start_0:
0x88: {  	s2 =	sld [smem:$0x3FD9]  }
0x89: {  	s3 =	sld [smem:$0x3FFE];
	_ =	sdelay $0x1  }
0x8a: {  	s1 =	srdreg.scid  }
0x8b: {  	s0 =	sand.u32 $0x1, s1  }
0x8c: {  	s16 =	sshll.u32 s0, $0xA;
	s2 =	sadd.s32 s3, s2  }
0x8d: {  	s2 =	sadd.s32 s2, s16  }
0x8e: {  	[smem:$0x3FB5] =	sst s2  }
0x8f: {  	_ = 	snop  }
0x90: {  	(tm) =	ssettm $0x1  }
0x91: {  	s17 =	sld [smem:$0x3FFB];
	_ =	sdelay $0x3  }
0x92: {  	_ =	strace s17  }
0x93: {  	s2 =	sld [smem:$0x3FFC];
	_ =	sdelay $0x3  }
0x94: {  	_ =	strace s2  }
0x95: {  	s2 =	sld [smem:$0x3FFD];
	_ =	sdelay $0x3  }
0x96: {  	_ =	strace s2  }
0x97: {  	_ =	strace $0x8FFFFFFF  }
0x98: {  	s18 =	sld [smem:$0x3FDB];
	_ =	sdelay $0x1  }
0x99: {  	s19 =	simm.s32 $_scs_section_size  }
0x9a: {  	s4 =	simm.s32 $_size__tile_overlayer_lowered;
	s5 =	simm.s32 $_tile_overlayer_lowered  }
0x9b: {  	s22 =	simm.s32 $0x1BFF;
	s21 =	sshll.u32 s5, $0x1;
	s2 =	sadd.s32 s19, s18  }
0x9c: {  	s6 =	simm.s32 $0x0;
	s20 =	sshll.u32 s4, $0x1;
	s4 =	sadd.s32 s21, s2  }
0x9d: {  	[timem:s6], [sflag:s22] =	dma.local [hbm:s4], s20  }
0x9e: {  	_ =	swait.ge [sflag:s22], s20  }
0x9f: {  	s3 =	ssub.s32 $0x0, s20;
	[sflag:s22] =	ssyncset.done $0x0  }
0xa0: {  	[sflag:s22] =	ssyncadd.s32 s3;
	_ =	sdelay $0x1  }
0xa1: {  	s23 =	simm.s32 $0x1B8B  }
0xa2: {  	_ =	swait.ge [sflag:s23], $0x1  }
0xa3: {  	[sflag:s23] =	ssyncset.done $0x0  }
0xa4: {  	s25 =	simm.s32 $0x1B8E;
	s24 =	sld [smem:$0x3FFE];
	[sflag:s23] =	ssyncadd.s32 $0xFFFFFFFF  }
0xa5: {  	s26 =	simm.s32 $execute0_lowered;
	[smem:$0x3FD2] =	sst s25  }
0xa6: {  	s4 =	sshll.u32 s26, $0x1;
	_ =	strace $0x8000004F;
	[dreg:$0x1] =	wrdreg $0xFFFFFFFF  }
0xa7: {  	s28 =	simm.s32 $_size_execute0_lowered;
	s2 =	sadd.s32 s2, s4;
	[dreg:$0x0] =	wrdreg $0x0  }
0xa8: {  	s4 =	sshll.u32 s28, $0x1;
	[dreg:$0x2] =	wrdreg s2  }
0xa9: {  	[dreg:$0x3] =	wrdreg s4  }
0xaa: {  	[dreg:$0x4] =	wrdreg $0xC0  }
0xab: {  	_ =	task [dreg:s6], $0x5FFFF  }
0xac: {  	[dreg:$0x1] =	wrdreg $0xFFFFFFFF  }
0xad: {  	[dreg:$0x0] =	wrdreg $0x60  }
0xae: {  	[dreg:$0x2] =	wrdreg s24  }
0xaf: {  	[dreg:$0x3] =	wrdreg $0x9  }
0xb0: {  	_ =	task.clear_ibuf [dreg:s6], $0x4FFFF;
	_ =	strace $0x9000004F  }
0xb1: {  	s29 =	simm.s32 $0x9;
	_ =	strace $0x80000051  }
0xb2: {  	_ =	swait.ge [sflag:s29], $0x1  }
0xb3: {  	[sflag:s29] =	ssyncadd.s32 $0xFFFFFFFF  }
0xb4: {  	_ =	strace $0x90000051  }
0xb5: {  	_ =	sfence  }
0xb6: {  	s30 =	sld [smem:$0x0];
	_ =	sdelay $0x2  }
0xb7: {  	s31 =	sshll.u32 s1, $0xD;
	s1 =	sshrl.u32 s1, $0x2  }
0xb8: {  	s3 =	sand.u32 $0x4000, s31;
	s1 =	sadd.s32 s1, s30  }
0xb9: {  	s0 =	sor.u32 s3, s0;
	s1 =	sshll.u32 s1, $0x11  }
0xba: {  	s0 =	sor.u32 s1, s0  }
0xbb: {  	s0 =	sadd.s32 $0x8F2B, s0  }
0xbc: {  	[sflag:s0] =	ssyncadd.remote.s32 $0x1  }
0xbd: {  	_ =	sfence.sel $0xFFFF  }
0xbe: {  	[dreg:$0x0] =	wrdreg $0xFFFFFFFF;
	(pc) =	sbr.abs _section_cstart, $3  }
0xbf: {  	[dreg:$0x1] =	wrdreg $0xFFFFFFFF  }
0xc0: {  	_ =	task.clear_ibuf [dreg:s6], $0x2FFFF;
	_ =	strace $0x9FFFFFFF  }
0xc1: {  	(tm) =	ssettm $0x7FFFFFFF  }
tec
execute0_lowered:
.L_overlay_start_1:
0x0: {  	(tag) =	ssettag $0x1  }
0x1: {  	s0 =	rddreg [dreg:$0x0];
	s1 =	srdreg.scid;
	s2 =	simm.s32 $0x0  }
0x2: {  	s14 =	stileid.u32;
	s15 =	simm.s32 $0x5;
	s16 =	simm.s32 $0x4000  }
0x3: {  	s17 =	simm.s32 $0x50;
	s18 =	simm.s32 $0x8000;
	s19 =	simm.s32 $0xA800  }
0x4: {  	s21 =	simm.s32 $0xD000;
	s23 =	simm.s32 $0xF800;
	s24 =	simm.s32 $0x1  }
0x5: {  	s25 =	simm.s32 $0x2;
	s26 =	simm.s32 $0x3;
	s28 =	simm.s32 $0x4  }
0x6: {  	s30 =	simm.s32 $0x7E00;
	s31 =	simm.s32 $0x0;
	s1 =	sand.u32 $0x1, s1  }
0x7: {  	[smem:$0x7FF] =	sst s2;
	s13 =	sadd.s32 $0x4C200, s0;
	s3 =	sshll.u32 s1, $0x4  }
0x8: {  	_ =	strace $0x80000050;
	s7 =	ssub.s32 $0x2, s1;
	s1 =	smul.u32 $0x271000, s1  }
0x9: {  	s4 =	sor.u32 s14, s3;
	s3 =	sadd.s32 $0x25000, s0;
	s14 =	smul.u32 $0x27100, s14  }
0xa: {  	s8 =	sshrl.u32 s7, $0x1;
	s5 =	sshll.u32 s4, $0xB;
	s6 =	smul.u32 $0x138800, s4  }
0xb: {  	s8 =	ssub.s32 s7, s8;
	s10 =	smul.u32 $0x27100, s4;
	s5 =	sadd.s32 s5, s0  }
0xc: {  	s0 =	sadd.s32 $0x52E200, s0;
	s8 =	smax.u32 s8, $0x1;
	s6 =	sshrl.u32 s6, $0x3  }
0xd: {  	s4 =	sadd.s32 $0x15000, s5;
	s11 =	sadd.s32 $0x26200, s10;
	s12 =	sadd.s32 $0x26700, s10  }
0xe: {  	s29 =	sadd.s32 $0x26C00, s6;
	s9 =	sadd.s32 s13, s11;
	s10 =	sadd.s32 s0, s11  }
0xf: {  	s11 =	sadd.s32 s13, s12;
	s12 =	sadd.s32 s0, s12;
	s6 =	sadd.s32 s13, s29  }
0x10: {  	s7 =	sadd.s32 s0, s29;
	s13 =	sadd.s32 s1, s13;
	s0 =	sadd.s32 s1, s0  }
0x11: {  	s5 =	sadd.s32 $0x5000, s5;
	s13 =	sadd.s32 s14, s13;
	s14 =	sadd.s32 s14, s0  }
.LBB2_1:
0x12: {  	[tilespmem:s2], [sflag:$0x5] =	stream.linear.gather [hbm4b:s4+s2], $0x3E80, $0x38;
	[tilespmem:$0x12000] =	vst v63  }
0x13: {  	_ =	swait.ge [sflag:s15], $0x3E80  }
0x14: {  	[sflag:s15] =	ssyncset.done $0x0  }
0x15: {  	[sflag:s15] =	ssyncadd.s32 $0xFFFFC180  }
0x16: {  	[tilespmem:s16], [sflag:$0x5] =	stream.linear.gather [hbm4b:s5+s2], $0x3E80, $0x38;
	[tilespmem:$0x12000] =	vst v63  }
0x17: {  	_ =	swait.ge [sflag:s15], $0x3E80  }
0x18: {  	[sflag:s15] =	ssyncset.done $0x0  }
0x19: {  	[sflag:s15] =	ssyncadd.s32 $0xFFFFC180  }
0x1a: {  	[tilespmem:s18], [sflag:$0x1] =	stream.indirect.gather [hbm4b:s3+s17], $0x80, s2, s17, $0xb8;
	[tilespmem:$0x12000] =	vst v63  }
0x1b: {  	_ = 	snop  }
0x1c: {  	[tilespmem:s19], [sflag:$0x2] =	stream.indirect.gather [hbm4b:s3+s17], $0x80, s16, s17, $0xb8;
	[tilespmem:$0x12000] =	vst v63  }
0x1d: {  	s0 =	simm.s32 $0x80  }
0x1e: {  	[tilespmem:s21], [sflag:$0x3] =	stream.indirect.gather [hbm4b:s3+s17], $0x80, s0, s17, $0xb8;
	[tilespmem:$0x12000] =	vst v63  }
0x1f: {  	s20 =	simm.s32 $0x4080  }
0x20: {  	[tilespmem:s23], [sflag:$0x4] =	stream.indirect.gather [hbm4b:s3+s17], $0x80, s20, s17, $0xb8;
	[tilespmem:$0x12000] =	vst v63  }
0x21: {  	_ =	swait.ge [sflag:s24], $0x2800  }
0x22: {  	[sflag:s24] =	ssyncset.done $0x0  }
0x23: {  	s22 =	sadd.s32 $0x0, s13;
	[sflag:s24] =	ssyncadd.s32 $0xFFFFD800  }
0x24: {  	[hbm4b:s22+s2] =	stream.linear.scatter [tilespmem:s18], [sflag:$0x5], $0x2800, $0x38;
	[tilespmem:$0x12000] =	vst v63  }
0x25: {  	_ =	swait.ge [sflag:s15], $0x2800  }
0x26: {  	[sflag:s15] =	ssyncset.done $0x0  }
0x27: {  	s1 =	simm.s32 $0x100;
	[sflag:s15] =	ssyncadd.s32 $0xFFFFD800  }
0x28: {  	[tilespmem:s18], [sflag:$0x1] =	stream.indirect.gather [hbm4b:s3+s17], $0x80, s1, s17, $0xb8;
	[tilespmem:$0x12000] =	vst v63  }
0x29: {  	_ =	swait.ge [sflag:s25], $0x2800  }
0x2a: {  	[sflag:s25] =	ssyncset.done $0x0  }
0x2b: {  	s29 =	sadd.s32 $0x0, s14;
	[sflag:s25] =	ssyncadd.s32 $0xFFFFD800  }
0x2c: {  	[hbm4b:s29+s2] =	stream.linear.scatter [tilespmem:s19], [sflag:$0x5], $0x2800, $0x38;
	[tilespmem:$0x12000] =	vst v63  }
0x2d: {  	_ =	swait.ge [sflag:s15], $0x2800  }
0x2e: {  	[sflag:s15] =	ssyncset.done $0x0  }
0x2f: {  	s20 =	simm.s32 $0x4100;
	[sflag:s15] =	ssyncadd.s32 $0xFFFFD800  }
0x30: {  	[tilespmem:s19], [sflag:$0x2] =	stream.indirect.gather [hbm4b:s3+s17], $0x80, s20, s17, $0xb8;
	[tilespmem:$0x12000] =	vst v63  }
0x31: {  	_ =	swait.ge [sflag:s26], $0x2800  }
0x32: {  	[sflag:s26] =	ssyncset.done $0x0  }
0x33: {  	s0 =	sadd.s32 $0x500, s22;
	[sflag:s26] =	ssyncadd.s32 $0xFFFFD800  }
0x34: {  	[hbm4b:s0+s2] =	stream.linear.scatter [tilespmem:s21], [sflag:$0x5], $0x2800, $0x38;
	[tilespmem:$0x12000] =	vst v63  }
0x35: {  	_ =	swait.ge [sflag:s15], $0x2800  }
0x36: {  	[sflag:s15] =	ssyncset.done $0x0  }
0x37: {  	[sflag:s15] =	ssyncadd.s32 $0xFFFFD800  }
0x38: {  	_ =	swait.ge [sflag:s28], $0x2800  }
0x39: {  	[sflag:s28] =	ssyncset.done $0x0  }
0x3a: {  	s22 =	sadd.s32 $0x500, s29;
	[sflag:s28] =	ssyncadd.s32 $0xFFFFD800  }
0x3b: {  	[hbm4b:s22+s2] =	stream.linear.scatter [tilespmem:s23], [sflag:$0x5], $0x2800, $0x38;
	[tilespmem:$0x12000] =	vst v63  }
0x3c: {  	s1 =	simm.s32 $0x4200;
	_ =	swait.ge [sflag:s15], $0x2800  }
0x3d: {  	s29 =	simm.s32 $0x180;
	s20 =	simm.s32 $0x200;
	[sflag:s15] =	ssyncset.done $0x0  }
0x3e: {  	s0 =	simm.s32 $0xA00;
	s22 =	simm.s32 $0x4180;
	[sflag:s15] =	ssyncadd.s32 $0xFFFFD800  }
0x3f: {  	[tilespmem:s21], [sflag:$0x3] =	stream.indirect.gather [hbm4b:s3+s17], $0x80, s29, s17, $0xb8;
	[tilespmem:$0x12000] =	vst v63  }
.LBB2_2:
0x40: {  	[tilespmem:s23], [sflag:$0x4] =	stream.indirect.gather [hbm4b:s3+s17], $0x80, s22, s17, $0xb8;
	[tilespmem:$0x12000] =	vst v63  }
0x41: {  	s22 =	smov.u32 s0  }
0x42: {  	p0 =	sne.s32 s0, $0x25800;
	s0 =	sadd.s32 $0xA00, s0;
	_ =	swait.ge [sflag:s24], $0x2800  }
0x43: {  	[sflag:s24] =	ssyncset.done $0x0  }
0x44: {  	s29 =	sadd.s32 s22, s13;
	[sflag:s24] =	ssyncadd.s32 $0xFFFFD800  }
0x45: {  	[hbm4b:s29+s2] =	stream.linear.scatter [tilespmem:s18], [sflag:$0x5], $0x2800, $0x38;
	[tilespmem:$0x12000] =	vst v63  }
0x46: {  	_ =	swait.ge [sflag:s15], $0x2800  }
0x47: {  	[sflag:s15] =	ssyncset.done $0x0  }
0x48: {  	[sflag:s15] =	ssyncadd.s32 $0xFFFFD800  }
0x49: {  	[tilespmem:s18], [sflag:$0x1] =	stream.indirect.gather [hbm4b:s3+s17], $0x80, s20, s17, $0xb8;
	[tilespmem:$0x12000] =	vst v63  }
0x4a: {  	_ =	swait.ge [sflag:s25], $0x2800  }
0x4b: {  	[sflag:s25] =	ssyncset.done $0x0  }
0x4c: {  	s22 =	sadd.s32 s22, s14;
	[sflag:s25] =	ssyncadd.s32 $0xFFFFD800  }
0x4d: {  	[hbm4b:s22+s2] =	stream.linear.scatter [tilespmem:s19], [sflag:$0x5], $0x2800, $0x38;
	[tilespmem:$0x12000] =	vst v63  }
0x4e: {  	_ =	swait.ge [sflag:s15], $0x2800  }
0x4f: {  	[sflag:s15] =	ssyncset.done $0x0  }
0x50: {  	[sflag:s15] =	ssyncadd.s32 $0xFFFFD800  }
0x51: {  	[tilespmem:s19], [sflag:$0x2] =	stream.indirect.gather [hbm4b:s3+s17], $0x80, s1, s17, $0xb8;
	[tilespmem:$0x12000] =	vst v63  }
0x52: {  	_ =	swait.ge [sflag:s26], $0x2800  }
0x53: {  	[sflag:s26] =	ssyncset.done $0x0  }
0x54: {  	s29 =	sadd.s32 $0x500, s29;
	[sflag:s26] =	ssyncadd.s32 $0xFFFFD800  }
0x55: {  	[hbm4b:s29+s2] =	stream.linear.scatter [tilespmem:s21], [sflag:$0x5], $0x2800, $0x38;
	[tilespmem:$0x12000] =	vst v63  }
0x56: {  	_ =	swait.ge [sflag:s15], $0x2800  }
0x57: {  	[sflag:s15] =	ssyncset.done $0x0  }
0x58: {  	[sflag:s15] =	ssyncadd.s32 $0xFFFFD800  }
0x59: {  	_ =	swait.ge [sflag:s28], $0x2800  }
0x5a: {  	[sflag:s28] =	ssyncset.done $0x0  }
0x5b: {  	s22 =	sadd.s32 $0x500, s22;
	[sflag:s28] =	ssyncadd.s32 $0xFFFFD800  }
0x5c: {  	[hbm4b:s22+s2] =	stream.linear.scatter [tilespmem:s23], [sflag:$0x5], $0x2800, $0x38;
	[tilespmem:$0x12000] =	vst v63  }
.Ltmp0:
0x5d: {  	_ =	swait.ge [sflag:s15], $0x2800;
	(pc) =	sbr.rel @p0 .LBB2_2-.Ltmp0, $4  }
0x5e: {  	[sflag:s15] =	ssyncset.done $0x0  }
0x5f: {  	s22 =	sadd.s32 $0x80, s20;
	[sflag:s15] =	ssyncadd.s32 $0xFFFFD800  }
0x60: {  	[tilespmem:s21], [sflag:$0x3] =	stream.indirect.gather [hbm4b:s3+s17], $0x80, s22, s17, $0xb8;
	[tilespmem:$0x12000] =	vst v63  }
0x61: {  	s20 =	sadd.s32 $0x100, s20;
	s22 =	sadd.s32 $0x80, s1;
	s1 =	sadd.s32 $0x100, s1  }
0x62: {  	[tilespmem:s23], [sflag:$0x4] =	stream.indirect.gather [hbm4b:s3+s17], $0x80, s22, s17, $0xb8;
	[tilespmem:$0x12000] =	vst v63  }
0x63: {  	_ =	swait.ge [sflag:s24], $0x2800  }
0x64: {  	[sflag:s24] =	ssyncset.done $0x0  }
0x65: {  	[sflag:s24] =	ssyncadd.s32 $0xFFFFD800  }
0x66: {  	[hbm4b:s9+s2] =	stream.linear.scatter [tilespmem:s18], [sflag:$0x5], $0x2800, $0x38;
	[tilespmem:$0x12000] =	vst v63  }
0x67: {  	_ =	swait.ge [sflag:s15], $0x2800  }
0x68: {  	[sflag:s15] =	ssyncset.done $0x0  }
0x69: {  	s0 =	simm.s32 $0x3E00;
	[sflag:s15] =	ssyncadd.s32 $0xFFFFD800  }
0x6a: {  	[tilespmem:s18], [sflag:$0x1] =	stream.indirect.gather [hbm4b:s3+s17], $0x80, s0, s17, $0xb8;
	[tilespmem:$0x12000] =	vst v63  }
0x6b: {  	_ =	swait.ge [sflag:s25], $0x2800  }
0x6c: {  	[sflag:s25] =	ssyncset.done $0x0  }
0x6d: {  	[sflag:s25] =	ssyncadd.s32 $0xFFFFD800  }
0x6e: {  	[hbm4b:s10+s2] =	stream.linear.scatter [tilespmem:s19], [sflag:$0x5], $0x2800, $0x38;
	[tilespmem:$0x12000] =	vst v63  }
0x6f: {  	_ =	swait.ge [sflag:s15], $0x2800  }
0x70: {  	[sflag:s15] =	ssyncset.done $0x0  }
0x71: {  	[sflag:s15] =	ssyncadd.s32 $0xFFFFD800  }
0x72: {  	[tilespmem:s19], [sflag:$0x2] =	stream.indirect.gather [hbm4b:s3+s17], $0x80, s30, s17, $0xb8;
	[tilespmem:$0x12000] =	vst v63  }
0x73: {  	_ =	swait.ge [sflag:s26], $0x2800  }
0x74: {  	[sflag:s26] =	ssyncset.done $0x0  }
0x75: {  	[sflag:s26] =	ssyncadd.s32 $0xFFFFD800  }
0x76: {  	[hbm4b:s11+s2] =	stream.linear.scatter [tilespmem:s21], [sflag:$0x5], $0x2800, $0x38;
	[tilespmem:$0x12000] =	vst v63  }
0x77: {  	_ =	swait.ge [sflag:s15], $0x2800  }
0x78: {  	[sflag:s15] =	ssyncset.done $0x0  }
0x79: {  	[sflag:s15] =	ssyncadd.s32 $0xFFFFD800  }
0x7a: {  	_ =	swait.ge [sflag:s28], $0x2800  }
0x7b: {  	[sflag:s28] =	ssyncset.done $0x0  }
0x7c: {  	[sflag:s28] =	ssyncadd.s32 $0xFFFFD800  }
0x7d: {  	[hbm4b:s12+s2] =	stream.linear.scatter [tilespmem:s23], [sflag:$0x5], $0x2800, $0x38;
	[tilespmem:$0x12000] =	vst v63  }
0x7e: {  	_ =	swait.ge [sflag:s15], $0x2800  }
0x7f: {  	[sflag:s15] =	ssyncset.done $0x0  }
0x80: {  	[sflag:s15] =	ssyncadd.s32 $0xFFFFD800  }
0x81: {  	_ =	swait.ge [sflag:s24], $0x2800  }
0x82: {  	[sflag:s24] =	ssyncset.done $0x0  }
0x83: {  	[sflag:s24] =	ssyncadd.s32 $0xFFFFD800  }
0x84: {  	[hbm4b:s6+s2] =	stream.linear.scatter [tilespmem:s18], [sflag:$0x5], $0x2800, $0x38;
	[tilespmem:$0x12000] =	vst v63  }
0x85: {  	_ =	swait.ge [sflag:s15], $0x2800  }
0x86: {  	[sflag:s15] =	ssyncset.done $0x0  }
0x87: {  	[sflag:s15] =	ssyncadd.s32 $0xFFFFD800  }
0x88: {  	s31 =	sadd.s32 $0x1, s31;
	_ =	swait.ge [sflag:s25], $0x2800  }
0x89: {  	p0 =	sne.s32 s31, s8;
	[sflag:s25] =	ssyncset.done $0x0  }
.Ltmp1:
0x8a: {  	[sflag:s25] =	ssyncadd.s32 $0xFFFFD800;
	(pc) =	sbr.rel @p0 .LBB2_1-.Ltmp1, $4  }
0x8b: {  	[hbm4b:s7+s2] =	stream.linear.scatter [tilespmem:s19], [sflag:$0x5], $0x2800, $0x38;
	[tilespmem:$0x12000] =	vst v63  }
0x8c: {  	_ =	swait.ge [sflag:s15], $0x2800  }
0x8d: {  	[sflag:s15] =	ssyncset.done $0x0  }
0x8e: {  	[sflag:s15] =	ssyncadd.s32 $0xFFFFD800  }
0x8f: {  	_ =	sfence.sel $0x180000  }
0x90: {  	[bflag:$0x0] =	sbarrier.arrive $0xFFFF  }
0x91: {  	_ =	strace $0x90000050  }
0x92: {  	s0 =	stileid.u32;
	[bflag:$0x2] =	sbarrier.arrive $0xFFFF  }
0x93: {  	p0 =	sne.s32 s0, $0x0;
	s0 =	rddreg [dreg:$0x1]  }
0x94: {  	s0 =	sadd.s32 @!p0 $0x100000, s0  }
0x95: {  	[sflag:s0] =	ssyncadd.tile.s32 @!p0 $0x1;
	_ =	shalt  }
.Lfunc_end2:
_tile_overlayer_lowered:
.L_overlay_start_2:
0x96: {  	(tag) =	ssettag $0x2  }
0x97: {  	s0 =	rddreg [dreg:$0x0];
	s2 =	stileid.u32  }
0x98: {  	s1 =	rddreg [dreg:$0x1];
	p0 =	sne.s32 s2, $0x0  }
0x99: {  	s3 =	rddreg [dreg:$0x2];
	[bflag:$0x3] =	sbarrier.arrive $0xFFFF;
	s2 =	simm.s32 @!p0 $0x1C05  }
0x9a: {  	[timem:s3], [sflag:s2] =	dma.local @!p0 [hbm:s0], s1  }
0x9b: {  	s0 =	simm.s32 @!p0 $0x5  }
0x9c: {  	_ =	swait.ge @!p0 [sflag:s0], s1  }
0x9d: {  	s1 =	ssub.s32 @!p0 $0x0, s1;
	[sflag:s0] =	ssyncset.done @!p0 $0x0  }
0x9e: {  	[sflag:s0] =	ssyncadd.s32 @!p0 s1  }
0x9f: {  	[bflag:$0x3] =	sbarrier.arrive $0xFFFF  }
0xa0: {  	_ =	shalt  }

// kernel: kernel.9.cloned.1.call-start
scs
__scs_entry_jumppad:
0x0: {  	(pc) =	sbr.rel $0x88, $3  }
0x1: {  	(tag) =	ssettag $0x0;
	lr =	simm.s32 $0x1  }
0x2: {  	[smem:$0x3F8E] =	sst lr;
	_ =	strace $0xD0000000  }
0x3: {  	_ = 	snop  }
0x4: {  	_ = 	snop  }
0x5: {  	_ = 	snop  }
0x6: {  	_ = 	snop  }
0x7: {  	_ = 	snop  }
__scs_overlays_trampoline_lowered:
0x8: {  	[smem:$0x3F9D] =	sst s0  }
0x9: {  	[smem:$0x3F9E] =	sst s1  }
0xa: {  	[smem:$0x3F9F] =	sst s2  }
0xb: {  	[smem:$0x3FA0] =	sst s3  }
0xc: {  	[smem:$0x3FA1] =	sst s4  }
0xd: {  	[smem:$0x3FA2] =	sst s5  }
0xe: {  	[smem:$0x3FA3] =	sst s6  }
0xf: {  	[smem:$0x3FA4] =	sst s7  }
0x10: {  	[smem:$0x3FA5] =	sst s8  }
0x11: {  	[smem:$0x3FA6] =	sst s9;
	s0 =	simm.s32 @!p0 $0x0  }
0x12: {  	s1 =	sld [smem:$0x3F8C];
	s0 =	simm.s32 @p0 $0x1  }
0x13: {  	[smem:$0x3FA7] =	sst s0;
	s0 =	simm.s32 @!p1 $0x0  }
0x14: {  	s2 =	sld [smem:$0x3F8B];
	s0 =	simm.s32 @p1 $0x1  }
0x15: {  	[smem:$0x3FA8] =	sst s0;
	s0 =	simm.s32 @!p2 $0x0  }
0x16: {  	s3 =	sld [smem:$0x3FDB];
	s0 =	simm.s32 @p2 $0x1  }
0x17: {  	s4 =	simm.s32 $0x1BF5;
	[smem:$0x3FAA] =	sst s0  }
0x18: {  	s0 =	sld [smem:$0x3F8D];
	_ =	swait.ge [sflag:s4], $0x0  }
0x19: {  	s7 =	sld [smem:$0x3F8E]  }
0x1a: {  	s8 =	sadd.s32 $0xFFFFE003, lr  }
0x1b: {  	s9 =	sadd.s32 $0xFFFFFEF7, lr;
	s5 =	simm.s32 $0xFFFFFFFF;
	p2 =	slt.u32 s8, $0xFFFFF086  }
0x1c: {  	p1 =	slt.u32 s9, $0xF7A;
	s5 =	simm.s32 @!p2 $0x0  }
0x1d: {  	s5 =	simm.s32 @p1 $0x1;
	p0 =	seq.s32 s7, s2  }
0x1e: {  	s7 =	smul.u32 @!p0 $0xF7A, s2;
	p2 =	seq.s32 @!p0 s5, $0x0  }
0x1f: {  	s9 =	smul.u32 $0xF7A, s1;
	s8 =	simm.s32 @!p0 $0x1BF5;
	p2 =	por !p2, p0  }
0x20: {  	[sflag:s8] =	ssyncset.s32 @!p0 $0xFFFFF086;
	s6 =	sadd.s32 @!p0 s3, s7;
	s7 =	simm.s32 @!p0 $0x108  }
0x21: {  	s3 =	sadd.s32 s3, s9;
	s6 =	sadd.s32 @!p0 $0x88, s6;
	s7 =	simm.s32 @p2 $0x1082  }
0x22: {  	[simem:s7], [sflag:s8] =	dma.local @!p0 [hbm:s6], $0xF7A  }
0x23: {  	s9 =	sor.u32 $0xD0000000, s2;
	s6 =	simm.s32 $0x108;
	_ =	swait.ge @!p0 [sflag:s8], $0x0  }
0x24: {  	s3 =	sadd.s32 $0x88, s3;
	s6 =	simm.s32 @!p1 $0x1082;
	[sflag:s4] =	ssyncset.s32 $0xFFFFF086  }
0x25: {  	[simem:s6], [sflag:s4] =	dma.local [hbm:s3], $0xF7A  }
0x26: {  	[smem:$0x3F8E] =	sst s1;
	(tag) =	ssettag s2;
	_ =	strace s9  }
0x27: {  	s1 =	sld [smem:$0x3F9E]  }
0x28: {  	s2 =	sld [smem:$0x3F9F]  }
0x29: {  	s4 =	sld [smem:$0x3FA1]  }
0x2a: {  	p0 =	seq.s32 s5, $0x0;
	s5 =	sld [smem:$0x3FA2]  }
0x2b: {  	s6 =	sld [smem:$0x3FA3]  }
0x2c: {  	s7 =	sld [smem:$0x3FA4]  }
0x2d: {  	s3 =	simm.s32 $0x108;
	s8 =	sld [smem:$0x3FA5]  }
0x2e: {  	s3 =	simm.s32 @!p0 $0x1082;
	s9 =	sld [smem:$0x3FA6]  }
0x2f: {  	lr =	sadd.s32 s0, s3;
	s0 =	sld [smem:$0x3F9D]  }
0x30: {  	s3 =	sld [smem:$0x3FA0]  }
0x31: {  	[smem:$0x3FA9] =	sst s10  }
0x32: {  	s10 =	sld [smem:$0x3FA7];
	_ =	sdelay $0x3  }
0x33: {  	p0 =	seq.s32 s10, $0x1;
	s10 =	sld [smem:$0x3FA9];
	_ =	sdelay $0x3  }
0x34: {  	[smem:$0x3FA9] =	sst s10  }
0x35: {  	s10 =	sld [smem:$0x3FA8];
	_ =	sdelay $0x3  }
0x36: {  	p1 =	seq.s32 s10, $0x1;
	s10 =	sld [smem:$0x3FA9];
	_ =	sdelay $0x3  }
0x37: {  	[smem:$0x3FA9] =	sst s10  }
0x38: {  	s10 =	sld [smem:$0x3FAA]  }
0x39: {  	_ = 	snop;
	(pc) =	sbr.ind lr, $3  }
0x3a: {  	_ = 	snop  }
0x3b: {  	_ = 	snop  }
0x3c: {  	p2 =	seq.s32 s10, $0x1;
	s10 =	sld [smem:$0x3FA9]  }
0x3d: {  	_ =	shalt  }
0x3e: {  	_ =	shalt  }
0x3f: {  	_ =	shalt  }
0x40: {  	_ =	shalt  }
0x41: {  	_ =	shalt  }
0x42: {  	_ =	shalt  }
0x43: {  	_ =	shalt  }
0x44: {  	_ =	shalt  }
0x45: {  	_ =	shalt  }
0x46: {  	_ =	shalt  }
0x47: {  	_ =	shalt  }
0x48: {  	_ =	shalt  }
0x49: {  	_ =	shalt  }
0x4a: {  	_ =	shalt  }
0x4b: {  	_ =	shalt  }
0x4c: {  	_ =	shalt  }
0x4d: {  	_ =	shalt  }
0x4e: {  	_ =	shalt  }
0x4f: {  	_ =	shalt  }
0x50: {  	_ =	shalt  }
0x51: {  	_ =	shalt  }
0x52: {  	_ =	shalt  }
0x53: {  	_ =	shalt  }
0x54: {  	_ =	shalt  }
0x55: {  	_ =	shalt  }
0x56: {  	_ =	shalt  }
0x57: {  	_ =	shalt  }
0x58: {  	_ =	shalt  }
0x59: {  	_ =	shalt  }
0x5a: {  	_ =	shalt  }
0x5b: {  	_ =	shalt  }
0x5c: {  	_ =	shalt  }
0x5d: {  	_ =	shalt  }
0x5e: {  	_ =	shalt  }
0x5f: {  	_ =	shalt  }
0x60: {  	_ =	shalt  }
0x61: {  	_ =	shalt  }
0x62: {  	_ =	shalt  }
0x63: {  	_ =	shalt  }
0x64: {  	_ =	shalt  }
0x65: {  	_ =	shalt  }
0x66: {  	_ =	shalt  }
0x67: {  	_ =	shalt  }
0x68: {  	_ =	shalt  }
0x69: {  	_ =	shalt  }
0x6a: {  	_ =	shalt  }
0x6b: {  	_ =	shalt  }
0x6c: {  	_ =	shalt  }
0x6d: {  	_ =	shalt  }
0x6e: {  	_ =	shalt  }
0x6f: {  	_ =	shalt  }
0x70: {  	_ =	shalt  }
0x71: {  	_ =	shalt  }
0x72: {  	_ =	shalt  }
0x73: {  	_ =	shalt  }
0x74: {  	_ =	shalt  }
0x75: {  	_ =	shalt  }
0x76: {  	_ =	shalt  }
0x77: {  	_ =	shalt  }
0x78: {  	_ =	shalt  }
0x79: {  	_ =	shalt  }
0x7a: {  	_ =	shalt  }
0x7b: {  	_ =	shalt  }
0x7c: {  	_ =	shalt  }
0x7d: {  	_ =	shalt  }
0x7e: {  	_ =	shalt  }
0x7f: {  	_ =	shalt  }
0x80: {  	_ =	shalt  }
0x81: {  	_ =	shalt  }
0x82: {  	_ =	shalt  }
0x83: {  	_ =	shalt  }
0x84: {  	_ =	shalt  }
0x85: {  	_ =	shalt  }
0x86: {  	_ =	shalt  }
0x87: {  	_ =	shalt  }
.Lfunc_end0:
.L_simem_size_0:
called_computation_lowered:
.L_overlay_start_0:
0x88: {  	s2 =	sld [smem:$0x3FD9]  }
0x89: {  	s3 =	sld [smem:$0x3FFE];
	_ =	sdelay $0x1  }
0x8a: {  	s1 =	srdreg.scid  }
0x8b: {  	s0 =	sand.u32 $0x1, s1  }
0x8c: {  	s17 =	sshll.u32 s0, $0xA;
	s2 =	sadd.s32 s3, s2  }
0x8d: {  	s2 =	sadd.s32 s2, s17  }
0x8e: {  	[smem:$0x3FB5] =	sst s2  }
0x8f: {  	_ = 	snop  }
0x90: {  	(tm) =	ssettm $0x1  }
0x91: {  	s18 =	sld [smem:$0x3FFB];
	_ =	sdelay $0x3  }
0x92: {  	_ =	strace s18  }
0x93: {  	s2 =	sld [smem:$0x3FFC];
	_ =	sdelay $0x3  }
0x94: {  	_ =	strace s2  }
0x95: {  	s2 =	sld [smem:$0x3FFD];
	_ =	sdelay $0x3  }
0x96: {  	_ =	strace s2  }
0x97: {  	_ =	strace $0x8FFFFFFF  }
0x98: {  	s19 =	sld [smem:$0x3FDB];
	_ =	sdelay $0x1  }
0x99: {  	s20 =	simm.s32 $_scs_section_size  }
0x9a: {  	s4 =	simm.s32 $_size__tile_overlayer_lowered;
	s5 =	simm.s32 $_tile_overlayer_lowered  }
0x9b: {  	s6 =	simm.s32 $0x1BFF;
	s21 =	sshll.u32 s5, $0x1;
	s3 =	sadd.s32 s20, s19  }
0x9c: {  	s22 =	simm.s32 $0x0;
	s4 =	sshll.u32 s4, $0x1;
	s5 =	sadd.s32 s21, s3  }
0x9d: {  	[timem:s22], [sflag:s6] =	dma.local [hbm:s5], s4  }
0x9e: {  	_ =	swait.ge [sflag:s6], s4  }
0x9f: {  	s4 =	ssub.s32 $0x0, s4;
	[sflag:s6] =	ssyncset.done $0x0  }
0xa0: {  	[sflag:s6] =	ssyncadd.s32 s4;
	_ =	sdelay $0x1  }
0xa1: {  	s23 =	simm.s32 $0x1B8B  }
0xa2: {  	_ =	swait.ge [sflag:s23], $0x1  }
0xa3: {  	[sflag:s23] =	ssyncset.done $0x0  }
0xa4: {  	[sflag:s23] =	ssyncadd.s32 $0xFFFFFFFF  }
0xa5: {  	s4 =	sld [smem:$0x0]  }
0xa6: {  	s5 =	sand.u32 $0xFFFFFFFE, s1  }
0xa7: {  	p0 =	sne.s32 s1, s5  }
0xa8: {  	s5 =	sshll.u32 @p0 s5, $0xE  }
0xa9: {  	s5 =	sadd.s32 @p0 $0x11B8D, s5;
	s6 =	sshll.u32 @p0 s4, $0x11  }
0xaa: {  	s5 =	sor.u32 @p0 s6, s5  }
0xab: {  	[sflag:s5] =	ssyncadd.remote.s32 @p0 $0x1;
	_ =	sdelay $0x1  }
0xac: {  	s5 =	simm.s32 @p0 $0x1B8D  }
0xad: {  	_ =	swait.eq @p0 [sflag:s5], $0x1  }
0xae: {  	[sflag:s5] =	ssyncadd.s32 @p0 $0xFFFFFFFF  }
0xaf: {  	s6 =	sshll.u32 @!p0 s1, $0xE  }
0xb0: {  	s6 =	sor.u32 @!p0 $0x4000, s6;
	s5 =	simm.s32 @!p0 $0x1B8D  }
0xb1: {  	s4 =	sshll.u32 @!p0 s4, $0x11;
	s6 =	sadd.s32 @!p0 $0x11B8D, s6;
	_ =	swait.eq @!p0 [sflag:s5], $0x1  }
0xb2: {  	s4 =	sor.u32 @!p0 s4, s6;
	[sflag:s5] =	ssyncadd.s32 @!p0 $0xFFFFFFFF  }
0xb3: {  	s25 =	simm.s32 $0x1B8E;
	s24 =	sld [smem:$0x3FFE];
	[sflag:s4] =	ssyncadd.remote.s32 @!p0 $0x1  }
0xb4: {  	s26 =	simm.s32 $execute0_lowered;
	[smem:$0x3FD2] =	sst s25  }
0xb5: {  	s5 =	sshll.u32 s26, $0x1;
	_ =	strace $0x80000049;
	[dreg:$0x1] =	wrdreg $0xFFFFFFFF  }
0xb6: {  	s28 =	simm.s32 $_size_execute0_lowered;
	s3 =	sadd.s32 s3, s5;
	[dreg:$0x0] =	wrdreg $0x0  }
0xb7: {  	s5 =	sshll.u32 s28, $0x1;
	[dreg:$0x2] =	wrdreg s3  }
0xb8: {  	[dreg:$0x3] =	wrdreg s5  }
0xb9: {  	[dreg:$0x4] =	wrdreg $0xC0  }
0xba: {  	_ =	task [dreg:s22], $0x5FFFF  }
0xbb: {  	[dreg:$0x1] =	wrdreg $0xFFFFFFFF  }
0xbc: {  	[dreg:$0x0] =	wrdreg $0x60  }
0xbd: {  	[dreg:$0x2] =	wrdreg s24  }
0xbe: {  	[dreg:$0x3] =	wrdreg $0x68000  }
0xbf: {  	[dreg:$0x4] =	wrdreg $0x9  }
0xc0: {  	_ =	task.clear_ibuf [dreg:s22], $0x5FFFF;
	_ =	strace $0x90000049  }
0xc1: {  	s29 =	simm.s32 $0x9;
	_ =	strace $0x8000004B  }
0xc2: {  	_ =	swait.ge [sflag:s29], $0x1  }
0xc3: {  	[sflag:s29] =	ssyncadd.s32 $0xFFFFFFFF  }
0xc4: {  	_ =	strace $0x9000004B  }
0xc5: {  	_ =	sfence  }
0xc6: {  	s30 =	sld [smem:$0x0];
	_ =	sdelay $0x2  }
0xc7: {  	s31 =	sshll.u32 s1, $0xD;
	s1 =	sshrl.u32 s1, $0x2  }
0xc8: {  	s4 =	sand.u32 $0x4000, s31;
	s1 =	sadd.s32 s1, s30  }
0xc9: {  	s0 =	sor.u32 s4, s0;
	s1 =	sshll.u32 s1, $0x11  }
0xca: {  	s0 =	sor.u32 s1, s0  }
0xcb: {  	s0 =	sadd.s32 $0x8F2B, s0  }
0xcc: {  	[sflag:s0] =	ssyncadd.remote.s32 $0x1  }
0xcd: {  	_ =	sfence.sel $0xFFFF  }
0xce: {  	[dreg:$0x0] =	wrdreg $0xFFFFFFFF;
	(pc) =	sbr.abs _section_cstart, $3  }
0xcf: {  	[dreg:$0x1] =	wrdreg $0xFFFFFFFF  }
0xd0: {  	_ =	task.clear_ibuf [dreg:s22], $0x2FFFF;
	_ =	strace $0x9FFFFFFF  }
0xd1: {  	(tm) =	ssettm $0x7FFFFFFF  }
tec
execute0_lowered:
.L_overlay_start_1:
0x0: {  	(tag) =	ssettag $0x1  }
0x1: {  	s4 =	rddreg [dreg:$0x0]  }
0x2: {  	s1 =	rddreg [dreg:$0x1]  }
0x3: {  	s0 =	rddreg [dreg:$0x2]  }
0x4: {  	s3 =	simm.s32 $0x0;
	s2 =	srdreg.scid;
	s11 =	simm.s32 $0x50  }
0x5: {  	[smem:$0x7FF] =	sst s3;
	s5 =	sand.u32 $0x1, s2;
	s2 =	stileid.u32  }
0x6: {  	s6 =	smul.u32 $0x27100, s5;
	_ =	strace $0x8000004A;
	s7 =	sshll.u32 s2, $0xB  }
0x7: {  	s8 =	ssub.s32 $0x2, s5;
	s26 =	sshll.u32 s5, $0xF;
	s28 =	smul.u32 $0xA000, s2  }
0x8: {  	s29 =	ssub.s32 $0x8C, s2;
	s10 =	smul.u32 $0x500, s2;
	s12 =	sshll.u32 s2, $0x6  }
0x9: {  	s7 =	sadd.s32 s7, s4;
	s24 =	sshrl.u32 s8, $0x1;
	s12 =	sor.u32 $0x1C01, s12  }
0xa: {  	s9 =	sadd.s32 s6, s4;
	s25 =	ssub.s32 s8, s24;
	s7 =	sadd.s32 s26, s7  }
0xb: {  	s4 =	sshrl.u32 s29, $0x4;
	s30 =	sshrl.u32 s28, $0x2;
	s5 =	sadd.s32 $0x5000, s7  }
0xc: {  	s6 =	smax.u32 s25, $0x1;
	s7 =	sadd.s32 s30, s1;
	s31 =	sadd.s32 s10, s9  }
0xd: {  	v0 =	vimm.f32 $0.0e+00;
	v1 =	vimm.f32 $1.000000000e+00;
	s9 =	simm.s32 $0x4000;
	s10 =	simm.s32 $0x1;
	s8 =	sadd.s32 $0x87200, s31  }
.LBB2_1:
0xe: {  	s13 =	simm.s32 $0x70;
	s14 =	simm.s32 $0x3C0  }
.LBB2_2:
0xf: {  	p0 =	sne.s32 s14, $0x9FC0;
	[tilespmem:s13+$0x4000] =	vst v0  }
0x10: {  	[tilespmem:s13+$0x3F90] =	vst v0  }
0x11: {  	[tilespmem:s13+$0x3FA0] =	vst v0  }
.Ltmp0:
0x12: {  	[tilespmem:s13+$0x3FB0] =	vst v0;
	(pc) =	sbr.rel @p0 .LBB2_2-.Ltmp0, $4  }
0x13: {  	[tilespmem:s13+$0x3FC0] =	vst v0  }
0x14: {  	[tilespmem:s13+$0x3FD0] =	vst v0  }
0x15: {  	[tilespmem:s13+$0x3FE0] =	vst v0  }
0x16: {  	[tilespmem:s13+$0x3FF0] =	vst v0;
	s13 =	sshra.s32 s14, $0x2;
	s14 =	sadd.s32 $0x200, s14  }
0x17: {  	[tilespmem:s13+$0x4000] =	vst v0  }
0x18: {  	[tilespmem:s13+$0x3F90] =	vst v0  }
0x19: {  	[tilespmem:s13+$0x3FA0] =	vst v0  }
0x1a: {  	[tilespmem:s13+$0x3FB0] =	vst v0  }
0x1b: {  	[tilespmem:s13+$0x3FC0] =	vst v0  }
0x1c: {  	[tilespmem:s13+$0x3FD0] =	vst v0  }
0x1d: {  	[tilespmem:s13+$0x3FE0] =	vst v0  }
0x1e: {  	[tilespmem:s13+$0x3FF0] =	vst v0;
	s13 =	smov.u32 s7;
	s14 =	smov.u32 s4  }
.LBB2_4:
0x1f: {  	p0 =	sne.s32 s14, $0x1  }
.Ltmp1:
0x20: {  	_ = 	snop;
	(pc) =	sbr.rel @p0 .LBB2_4-.Ltmp1, $4  }
0x21: {  	[spmem:s13] =	stream.linear.scatter [tilespmem:s9], [sflag:$0x1], $0x2800, $0x38;
	[tilespmem:$0x1A080] =	vst v63  }
0x22: {  	_ =	swait.ge [sflag:s10], $0x2800  }
0x23: {  	[sflag:s10] =	ssyncset.done $0x0  }
0x24: {  	s13 =	sadd.s32 $0x28000, s13;
	s14 =	sadd.s32 $0xFFFFFFFF, s14;
	[sflag:s10] =	ssyncadd.s32 $0xFFFFD800  }
0x25: {  	s13 =	simm.s32 $0x70;
	s14 =	simm.s32 $0x3C0  }
.LBB2_6:
0x26: {  	p0 =	sne.s32 s14, $0x9FC0;
	[tilespmem:s13+$0x4000] =	vst v1  }
0x27: {  	[tilespmem:s13+$0x3F90] =	vst v1  }
0x28: {  	[tilespmem:s13+$0x3FA0] =	vst v1  }
.Ltmp2:
0x29: {  	[tilespmem:s13+$0x3FB0] =	vst v1;
	(pc) =	sbr.rel @p0 .LBB2_6-.Ltmp2, $4  }
0x2a: {  	[tilespmem:s13+$0x3FC0] =	vst v1  }
0x2b: {  	[tilespmem:s13+$0x3FD0] =	vst v1  }
0x2c: {  	[tilespmem:s13+$0x3FE0] =	vst v1  }
0x2d: {  	[tilespmem:s13+$0x3FF0] =	vst v1;
	s13 =	sshra.s32 s14, $0x2;
	s14 =	sadd.s32 $0x200, s14  }
0x2e: {  	[tilespmem:s13+$0x4000] =	vst v1  }
0x2f: {  	[tilespmem:s13+$0x3F90] =	vst v1  }
0x30: {  	[tilespmem:s13+$0x3FA0] =	vst v1  }
0x31: {  	[tilespmem:s13+$0x3FB0] =	vst v1  }
0x32: {  	[tilespmem:s13+$0x3FC0] =	vst v1  }
0x33: {  	[tilespmem:s13+$0x3FD0] =	vst v1  }
0x34: {  	[tilespmem:s13+$0x3FE0] =	vst v1  }
0x35: {  	[tilespmem:s13+$0x3FF0] =	vst v1;
	s30 =	simm.s32 $0x0  }
0x36: {  	[tilespmem:s30], [sflag:$0x1] =	stream.linear.gather [hbm4b:s5+s30], $0x3E80, $0x38;
	[tilespmem:$0x1A080] =	vst v63  }
0x37: {  	_ =	swait.ge [sflag:s10], $0x3E80  }
0x38: {  	[sflag:s10] =	ssyncset.done $0x0  }
0x39: {  	[sflag:s10] =	ssyncadd.s32 $0xFFFFC180  }
0x3a: {  	s31 =	simm.s32 $0x0;
	[bflag:$0x0] =	sbarrier.arrive $0xFFFF  }
0x3b: {  	[spmem:s1] =	stream.indirect.scatter.add.f32 [tilespmem:s9], [sflag:$0x1], $0x80, s31, s11, $0xb8;
	[tilespmem:$0x1A080] =	vst v63  }
0x3c: {  	_ =	swait.ge [sflag:s10], $0x2800  }
0x3d: {  	s13 =	simm.s32 $0x200;
	[sflag:s10] =	ssyncset.done $0x0  }
.LBB2_8:
0x3e: {  	s14 =	sshra.s32 s13, $0x2;
	[sflag:s10] =	ssyncadd.s32 $0xFFFFD800;
	p0 =	sne.s32 s13, $0xF800  }
0x3f: {  	[spmem:s1] =	stream.indirect.scatter.add.f32 [tilespmem:s9], [sflag:$0x1], $0x80, s14, s11, $0xb8;
	[tilespmem:$0x1A080] =	vst v63  }
.Ltmp3:
0x40: {  	_ = 	snop;
	(pc) =	sbr.rel @p0 .LBB2_8-.Ltmp3, $4  }
0x41: {  	_ = 	snop  }
0x42: {  	s13 =	sadd.s32 $0x200, s13  }
0x43: {  	_ =	swait.ge [sflag:s10], $0x2800  }
0x44: {  	[sflag:s10] =	ssyncset.done $0x0  }
0x45: {  	p0 =	sne.s32 s4, $0x1  }
.Ltmp4:
0x46: {  	[sflag:s10] =	ssyncadd.s32 $0xFFFFD800;
	(pc) =	sbr.rel @!p0 .LBB2_11-.Ltmp4, $4  }
0x47: {  	s13 =	sshrl.u32 s7, $0x3;
	[bflag:$0x0] =	sbarrier.arrive $0xFFFF  }
0x48: {  	[hbm:s8], [sflag:s12] =	dma.local [spmem:s13], $0x500  }
0x49: {  	s14 =	sadd.s32 $0x28000, s7;
	_ =	swait.ge [sflag:s10], $0x500  }
0x4a: {  	s15 =	smov.u32 s8;
	s13 =	sadd.s32 $0xFFFFFFFF, s4;
	[sflag:s10] =	ssyncset.done $0x0  }
.LBB2_10:
0x4b: {  	s16 =	sshrl.u32 s14, $0x3  }
0x4c: {  	[sflag:s10] =	ssyncadd.s32 $0xFFFFFB00;
	s15 =	sadd.s32 $0x5000, s15;
	p0 =	sne.s32 s13, $0x1  }
0x4d: {  	[hbm:s15], [sflag:s12] =	dma.local [spmem:s16], $0x500  }
.Ltmp5:
0x4e: {  	_ = 	snop;
	(pc) =	sbr.rel @p0 .LBB2_10-.Ltmp5, $4  }
0x4f: {  	_ = 	snop  }
0x50: {  	s13 =	sadd.s32 $0xFFFFFFFF, s13  }
0x51: {  	_ =	swait.ge [sflag:s10], $0x500  }
0x52: {  	s14 =	sadd.s32 $0x28000, s14;
	[sflag:s10] =	ssyncset.done $0x0  }
.LBB2_11:
0x53: {  	s3 =	sadd.s32 $0x1, s3  }
0x54: {  	p0 =	sne.s32 s3, s6  }
.Ltmp6:
0x55: {  	_ = 	snop;
	(pc) =	sbr.rel @p0 .LBB2_1-.Ltmp6, $2  }
0x56: {  	_ =	sdelay $0x2  }
0x57: {  	[sflag:s10] =	ssyncadd.s32 $0xFFFFFB00  }
0x58: {  	_ =	sfence.sel $0x180000  }
0x59: {  	[bflag:$0x0] =	sbarrier.arrive $0xFFFF  }
0x5a: {  	p0 =	sne.s32 s2, $0x0;
	_ =	strace $0x9000004A  }
0x5b: {  	s0 =	sadd.s32 @!p0 $0x100000, s0;
	[bflag:$0x2] =	sbarrier.arrive $0xFFFF  }
0x5c: {  	[sflag:s0] =	ssyncadd.tile.s32 @!p0 $0x1;
	_ =	shalt  }
.Lfunc_end2:
_tile_overlayer_lowered:
.L_overlay_start_2:
0x5d: {  	(tag) =	ssettag $0x2  }
0x5e: {  	s0 =	rddreg [dreg:$0x0];
	s2 =	stileid.u32  }
0x5f: {  	s1 =	rddreg [dreg:$0x1];
	p0 =	sne.s32 s2, $0x0  }
0x60: {  	s3 =	rddreg [dreg:$0x2];
	[bflag:$0x3] =	sbarrier.arrive $0xFFFF;
	s2 =	simm.s32 @!p0 $0x1C01  }
0x61: {  	[timem:s3], [sflag:s2] =	dma.local @!p0 [hbm:s0], s1  }
0x62: {  	s0 =	simm.s32 @!p0 $0x1  }
0x63: {  	_ =	swait.ge @!p0 [sflag:s0], s1  }
0x64: {  	s1 =	ssub.s32 @!p0 $0x0, s1;
	[sflag:s0] =	ssyncset.done @!p0 $0x0  }
0x65: {  	[sflag:s0] =	ssyncadd.s32 @!p0 s1  }
0x66: {  	[bflag:$0x3] =	sbarrier.arrive $0xFFFF  }
0x67: {  	_ =	shalt  }

</sc_bundles>
